<compile_context>
chip_gen: v7x
topology: tpu7x:2x2x1
jax: 0.10.2.dev20260603
libtpu: 0.0.44.dev20260713+nightly
codegen_flags: <defaults>
</compile_context>

<pallas_src>
import functools

import jax
import jax.numpy as jnp
from jax import lax
from jax.experimental import pallas as pl
from jax.experimental.pallas import tpu as pltpu
from jax.experimental.pallas import tpu_sc as plsc

B = 16384
F = 26
V = 100000
D = 16
K = F * D
N_CONT = 13
H = 200
OUT = 5
EPS = 1e-5

NW = 32
RPW = K // NW
NCH = 4
CHS = B // NCH // 128


def _sc_gather_body(k0, rpw, tbl, xct, out, trow, idxb, ob0, ob1,
                    sem_r, sem_i, sem_w):
    wid = lax.axis_index("s") * 2 + lax.axis_index("c")
    lane = lax.iota(jnp.int32, 16)

    def row_body(j, carry):
        k = k0 + wid * rpw + j
        f = k // D
        d = lax.rem(k, D)

        @pl.when(jnp.logical_or(j == 0, d == 0))
        def _load_idx():
            pltpu.async_copy(xct.at[f], idxb, sem_i).wait()

        cp_r = pltpu.async_copy(tbl.at[f, d], trow, sem_r)
        cp_r.wait()
        wbs = []
        for c in range(NCH):
            ob = ob0 if c % 2 == 0 else ob1
            if c >= 2:
                wbs[c - 2].wait()

            def g_body(r, carry2, c=c, ob=ob):
                for u in range(8):
                    b0 = c * (CHS * 128) + r * 128 + u * 16
                    idxv = idxb[pl.ds(b0, 16)]
                    vals = plsc.load_gather(trow, [idxv])
                    ob[r, pl.ds(u * 16, 16)] = vals
                return carry2

            lax.fori_loop(0, CHS, g_body, 0)
            wbs.append(
                pltpu.async_copy(ob, out.at[k - k0, pl.ds(c * CHS, CHS)], sem_w)
            )
        wbs[NCH - 2].wait()
        wbs[NCH - 1].wait()
        return carry

    lax.fori_loop(0, rpw, row_body, 0)
    del lane


@functools.cache
def _make_sc_gather(k0, nrows):
    mesh = plsc.VectorSubcoreMesh(
        core_axis_name="c", subcore_axis_name="s", num_cores=2, num_subcores=16
    )
    return pl.kernel(
        functools.partial(_sc_gather_body, k0, nrows // NW),
        out_type=jax.ShapeDtypeStruct((nrows, B // 128, 128), jnp.float32),
        mesh=mesh,
        scratch_types=[
            pltpu.VMEM((V,), jnp.float32),
            pltpu.VMEM((B,), jnp.int32),
            pltpu.VMEM((CHS, 128), jnp.float32),
            pltpu.VMEM((CHS, 128), jnp.float32),
            pltpu.SemaphoreType.DMA,
            pltpu.SemaphoreType.DMA,
            pltpu.SemaphoreType.DMA,
        ],
        compiler_params=pltpu.CompilerParams(use_tc_tiling_on_sc=True, needs_layout_passes=False),
    )


BBH = 8
K1 = 256
K2 = K - K1


def _mlp1_body(gt, xc, w1a, w1b, b1, o):
    dn = (((0,), (0,)), ((), ()))
    for s in range(BBH):
        h = lax.dot_general(gt[:, s, :], w1a[...], dn,
                            preferred_element_type=jnp.float32)
        h = h + lax.dot_general(xc[:, s * 128:(s + 1) * 128], w1b[...], dn,
                                preferred_element_type=jnp.float32)
        o[pl.ds(s * 128, 128), :] = h + b1[...]


def _mlp2_body(gt, p, w1a, w2, b2, o):
    dn = (((0,), (0,)), ((), ()))
    for s in range(BBH):
        h = p[pl.ds(s * 128, 128), :] + lax.dot_general(
            gt[:, s, :], w1a[...], dn, preferred_element_type=jnp.float32)
        h = jnp.maximum(h, 0.0)
        o[pl.ds(s * 128, 128), :] = (
            jnp.dot(h, w2[...], preferred_element_type=jnp.float32) + b2[...]
        )


def _full(r, c):
    return pl.BlockSpec((r, c), lambda i: (0, 0))


_mlp1_call = pl.pallas_call(
    _mlp1_body,
    grid=(B // (BBH * 128),),
    in_specs=[
        pl.BlockSpec((K1, BBH, 128), lambda i: (0, i, 0)),
        pl.BlockSpec((N_CONT, BBH * 128), lambda i: (0, i)),
        _full(K1, H),
        _full(N_CONT, H),
        _full(1, H),
    ],
    out_specs=pl.BlockSpec((BBH * 128, H), lambda i: (i, 0)),
    out_shape=jax.ShapeDtypeStruct((B, H), jnp.float32),
    compiler_params=pltpu.CompilerParams(
        dimension_semantics=("arbitrary",),
    ),
)

_mlp2_call = pl.pallas_call(
    _mlp2_body,
    grid=(B // (BBH * 128),),
    in_specs=[
        pl.BlockSpec((K2, BBH, 128), lambda i: (0, i, 0)),
        pl.BlockSpec((BBH * 128, H), lambda i: (i, 0)),
        _full(K2, H),
        _full(H, OUT),
        _full(1, OUT),
    ],
    out_specs=pl.BlockSpec((BBH * 128, OUT), lambda i: (i, 0)),
    out_shape=jax.ShapeDtypeStruct((B, OUT), jnp.float32),
    compiler_params=pltpu.CompilerParams(
        dimension_semantics=("arbitrary",),
    ),
)


def kernel(x_cat, x_cont, emb_tables, W1, b1, W2, b2,
           bn1_gamma, bn1_beta, bn1_mean, bn1_var,
           bn2_gamma, bn2_beta, bn2_mean, bn2_var):
    tbl = jnp.transpose(emb_tables, (0, 2, 1))
    xct = jnp.transpose(x_cat.astype(jnp.int32), (1, 0))
    gt1 = _make_sc_gather(0, K1)(tbl, xct)
    gt2 = _make_sc_gather(K1, K2)(tbl, xct)
    xc_t = jnp.transpose(x_cont, (1, 0))
    s1 = bn1_gamma * lax.rsqrt(bn1_var + EPS)
    w1b = W1[K:] * s1[:, None]
    b1f = b1 + (bn1_beta - bn1_mean * s1) @ W1[K:]
    s2 = bn2_gamma * lax.rsqrt(bn2_var + EPS)
    w2f = W2 * s2[:, None]
    b2f = b2 + (bn2_beta - bn2_mean * s2) @ W2
    p = _mlp1_call(gt1, xc_t, W1[:K1], w1b, b1f.reshape(1, H))
    out = _mlp2_call(gt2, p, W1[K1:K], w2f, b2f.reshape(1, OUT))
    return out

# --- scband reference (transcript-rebuilt; emitter-appended) ---
"""Pipeline reference for scband-nnmodel-62242666054041 (READ-ONLY COPY).

The authoritative reference and input builder live on the scoring server;
editing this copy changes nothing except your own understanding.
"""

import jax, jax.numpy as jnp
import numpy as np

B = 16384
F = 26
V = 100000
D = 16
N_CONT = 13
N_EMB = F * D
H = 200
OUT = 5
EPS = 1e-5


def setup_inputs(seed: int = 0) -> dict:
    key = jax.random.key(seed)
    ks = jax.random.split(key, 8)
    x_cat = jax.random.randint(ks[0], (B, F), 0, V)
    x_cont = jax.random.normal(ks[1], (B, N_CONT), dtype=jnp.float32)
    emb_tables = jax.random.normal(ks[2], (F, V, D), dtype=jnp.float32) * 0.01
    W1 = jax.random.normal(ks[3], (N_EMB + N_CONT, H), dtype=jnp.float32) * 0.05
    b1 = jnp.zeros((H,), dtype=jnp.float32)
    W2 = jax.random.normal(ks[4], (H, OUT), dtype=jnp.float32) * 0.05
    b2 = jnp.zeros((OUT,), dtype=jnp.float32)
    bn1_gamma = jnp.ones((N_CONT,), dtype=jnp.float32)
    bn1_beta = jnp.zeros((N_CONT,), dtype=jnp.float32)
    bn1_mean = jnp.zeros((N_CONT,), dtype=jnp.float32)
    bn1_var = jnp.ones((N_CONT,), dtype=jnp.float32)
    bn2_gamma = jnp.ones((H,), dtype=jnp.float32)
    bn2_beta = jnp.zeros((H,), dtype=jnp.float32)
    bn2_mean = jnp.zeros((H,), dtype=jnp.float32)
    bn2_var = jnp.ones((H,), dtype=jnp.float32)
    return {
        "x_cat": x_cat,
        "x_cont": x_cont,
        "emb_tables": emb_tables,
        "W1": W1,
        "b1": b1,
        "W2": W2,
        "b2": b2,
        "bn1_gamma": bn1_gamma,
        "bn1_beta": bn1_beta,
        "bn1_mean": bn1_mean,
        "bn1_var": bn1_var,
        "bn2_gamma": bn2_gamma,
        "bn2_beta": bn2_beta,
        "bn2_mean": bn2_mean,
        "bn2_var": bn2_var,
    }


def reference(x_cat, x_cont, emb_tables, W1, b1, W2, b2,
              bn1_gamma, bn1_beta, bn1_mean, bn1_var,
              bn2_gamma, bn2_beta, bn2_mean, bn2_var):
    # per-field embedding lookup: tables[i][x_cat[:, i]] for i in range(F)
    gathered = jax.vmap(lambda t, idx: jnp.take(t, idx, axis=0),
                        in_axes=(0, 1), out_axes=1)(emb_tables, x_cat)  # [B, F, D]
    x = gathered.reshape(x_cat.shape[0], -1)  # [B, F*D]
    # emb_drop: identity in eval mode
    x2 = (x_cont - bn1_mean) / jnp.sqrt(bn1_var + EPS) * bn1_gamma + bn1_beta
    x = jnp.concatenate([x, x2], axis=1)
    x = jax.nn.relu(x @ W1 + b1)
    # drops: identity in eval mode
    x = (x - bn2_mean) / jnp.sqrt(bn2_var + EPS) * bn2_gamma + bn2_beta
    x = x @ W2 + b2
    return x

if __name__ == "__main__":
    import jax
    _d = setup_inputs()
    print(jax.jit(kernel)(*tuple(_d.values())))

</pallas_src>

<mosaic_0001>
#map = affine_map<(d0, d1) -> (0, 0, 0)>
#map1 = affine_map<(d0, d1) -> (0, 0)>
module attributes {stable_mosaic.version = 14 : i64} {
  func.func @_sc_gather_body(%arg0: i32, %arg1: i32, %arg2: memref<26x16x100000xf32, #tpu.memory_space<hbm>>, %arg3: memref<26x16384xi32, #tpu.memory_space<hbm>>, %arg4: memref<160x128x128xf32, #tpu.memory_space<hbm>>, %arg5: memref<100000xf32, #tpu.memory_space<vmem>>, %arg6: memref<16384xi32, #tpu.memory_space<vmem>>, %arg7: memref<32x128xf32, #tpu.memory_space<vmem>>, %arg8: memref<32x128xf32, #tpu.memory_space<vmem>>, %arg9: memref<!tpu.dma_semaphore, #tpu.memory_space<semaphore_mem>>, %arg10: memref<!tpu.dma_semaphore, #tpu.memory_space<semaphore_mem>>, %arg11: memref<!tpu.dma_semaphore, #tpu.memory_space<semaphore_mem>>) attributes {dimension_semantics = [#tpu.dimension_semantics<core_parallel>, #tpu.dimension_semantics<subcore_parallel>], iteration_bounds = array<i64: 2, 16>, scalar_prefetch = 0 : i64, scratch_operands = 7 : i64, tpu.core_type = #tpu.core_type<sc_vector_subcore>, window_params = [{transform_indices = #map}, {transform_indices = #map1}, {transform_indices = #map}]} {
    %mul3A = arith.constant 2 : i32
    %mul3A_0 = arith.muli %arg1, %mul3A : i32
    %add3A = arith.addi %mul3A_0, %arg0 : i32
    %iota3A = tpu.iota {dimensions = array<i32: 0>} : vector<16xi32>
    %scan3A = arith.constant 0 : i32
    %scan3A_1 = arith.constant 0 : i32
    %scan3A_2 = arith.constant 5 : i32
    %scan3A_3 = arith.addi %scan3A_1, %scan3A_2 : i32
    %scan3A_4 = arith.constant 1 : i32
    scf.for %scan3A_6 = %scan3A_1 to %scan3A_3 step %scan3A_4  : i32 {
      %mul3A_7 = arith.constant 5 : i32
      %mul3A_8 = arith.muli %add3A, %mul3A_7 : i32
      %add3A_9 = arith.constant 256 : i32
      %add3A_10 = arith.addi %add3A_9, %mul3A_8 : i32
      %add3A_11 = arith.addi %add3A_10, %scan3A_6 : i32
      %jit3A = arith.constant 16 : i32
      %div3A = arith.divsi %add3A_11, %jit3A : i32
      %sign3A = arith.constant 0 : i32
      %sign3A_12 = arith.cmpi sgt, %add3A_11, %sign3A : i32
      %sign3A_13 = arith.extui %sign3A_12 : i1 to i32
      %sign3A_14 = arith.constant 0 : i32
      %sign3A_15 = arith.cmpi slt, %add3A_11, %sign3A_14 : i32
      %sign3A_16 = arith.extui %sign3A_15 : i1 to i32
      %sign3A_17 = arith.subi %sign3A_13, %sign3A_16 : i32
      %sign3A_18 = arith.constant 0 : i32
      %sign3A_19 = arith.cmpi sgt, %jit3A, %sign3A_18 : i32
      %sign3A_20 = arith.extui %sign3A_19 : i1 to i32
      %sign3A_21 = arith.constant 0 : i32
      %sign3A_22 = arith.cmpi slt, %jit3A, %sign3A_21 : i32
      %sign3A_23 = arith.extui %sign3A_22 : i1 to i32
      %sign3A_24 = arith.subi %sign3A_20, %sign3A_23 : i32
      %ne3A = arith.cmpi ne, %sign3A_17, %sign3A_24 : i32
      %rem3A = arith.remsi %add3A_11, %jit3A : i32
      %ne3A_25 = arith.constant 0 : i32
      %ne3A_26 = arith.cmpi ne, %rem3A, %ne3A_25 : i32
      %and3A = arith.andi %ne3A, %ne3A_26 : i1
      %sub3A = arith.constant 1 : i32
      %sub3A_27 = arith.subi %div3A, %sub3A : i32
      %select_n3A = arith.select %and3A, %sub3A_27, %div3A : i32
      %rem3A_28 = arith.constant 16 : i32
      %rem3A_29 = arith.remsi %add3A_11, %rem3A_28 : i32
      %eq3A = arith.constant 0 : i32
      %eq3A_30 = arith.cmpi eq, %scan3A_6, %eq3A : i32
      %eq3A_31 = arith.constant 0 : i32
      %eq3A_32 = arith.cmpi eq, %rem3A_29, %eq3A_31 : i32
      %or3A = arith.ori %eq3A_30, %eq3A_32 : i1
      %convert_element_type3A = arith.extui %or3A : i1 to i32
      %cond3A = arith.constant 0 : i32
      %cond3A_33 = arith.cmpi ne, %convert_element_type3A, %cond3A : i32
      scf.if %cond3A_33 {
        %dma_start3A_140 = arith.constant 0 : i32
        %dma_start3A_141 = tpu.memref_slice %arg3[%select_n3A, %dma_start3A_140] : memref<26x16384xi32, #tpu.memory_space<hbm>> -> memref<1x16384xi32, #tpu.memory_space<hbm>>
        %dma_start3A_142 = tpu.memref_squeeze %dma_start3A_141 : memref<1x16384xi32, #tpu.memory_space<hbm>> -> memref<16384xi32, #tpu.memory_space<hbm>>
        %dma_start3A_143 = arith.constant 0 : i32
        %dma_start3A_144 = tpu.memref_slice %arg3[%select_n3A, %dma_start3A_143] : memref<26x16384xi32, #tpu.memory_space<hbm>> -> memref<1x16384xi32, #tpu.memory_space<hbm>>
        %dma_start3A_145 = tpu.memref_squeeze %dma_start3A_144 : memref<1x16384xi32, #tpu.memory_space<hbm>> -> memref<16384xi32, #tpu.memory_space<hbm>>
        tpu.enqueue_dma source(%dma_start3A_145 : memref<16384xi32, #tpu.memory_space<hbm>>) target(%arg6 : memref<16384xi32, #tpu.memory_space<vmem>>) target_semaphore(%arg10 : memref<!tpu.dma_semaphore, #tpu.memory_space<semaphore_mem>>)
        %dma_wait3A_146 = arith.constant 0 : i32
        %dma_wait3A_147 = tpu.memref_slice %arg3[%select_n3A, %dma_wait3A_146] : memref<26x16384xi32, #tpu.memory_space<hbm>> -> memref<1x16384xi32, #tpu.memory_space<hbm>>
        %dma_wait3A_148 = tpu.memref_squeeze %dma_wait3A_147 : memref<1x16384xi32, #tpu.memory_space<hbm>> -> memref<16384xi32, #tpu.memory_space<hbm>>
        %dma_wait3A_149 = arith.constant 0 : i32
        %dma_wait3A_150 = tpu.memref_slice %arg3[%select_n3A, %dma_wait3A_149] : memref<26x16384xi32, #tpu.memory_space<hbm>> -> memref<1x16384xi32, #tpu.memory_space<hbm>>
        %dma_wait3A_151 = tpu.memref_squeeze %dma_wait3A_150 : memref<1x16384xi32, #tpu.memory_space<hbm>> -> memref<16384xi32, #tpu.memory_space<hbm>>
        tpu.wait_dma2 semaphore(%arg10 : memref<!tpu.dma_semaphore, #tpu.memory_space<semaphore_mem>>) src(%dma_wait3A_151 : memref<16384xi32, #tpu.memory_space<hbm>>) dst(%arg6 : memref<16384xi32, #tpu.memory_space<vmem>>)
      } else {
      }
      %dma_start3A = arith.constant 0 : i32
      %dma_start3A_34 = tpu.memref_slice %arg2[%select_n3A, %rem3A_29, %dma_start3A] : memref<26x16x100000xf32, #tpu.memory_space<hbm>> -> memref<1x1x100000xf32, #tpu.memory_space<hbm>>
      %dma_start3A_35 = tpu.memref_squeeze %dma_start3A_34 : memref<1x1x100000xf32, #tpu.memory_space<hbm>> -> memref<100000xf32, #tpu.memory_space<hbm>>
      %dma_start3A_36 = arith.constant 0 : i32
      %dma_start3A_37 = tpu.memref_slice %arg2[%select_n3A, %rem3A_29, %dma_start3A_36] : memref<26x16x100000xf32, #tpu.memory_space<hbm>> -> memref<1x1x100000xf32, #tpu.memory_space<hbm>>
      %dma_start3A_38 = tpu.memref_squeeze %dma_start3A_37 : memref<1x1x100000xf32, #tpu.memory_space<hbm>> -> memref<100000xf32, #tpu.memory_space<hbm>>
      tpu.enqueue_dma source(%dma_start3A_38 : memref<100000xf32, #tpu.memory_space<hbm>>) target(%arg5 : memref<100000xf32, #tpu.memory_space<vmem>>) target_semaphore(%arg9 : memref<!tpu.dma_semaphore, #tpu.memory_space<semaphore_mem>>)
      %dma_wait3A = arith.constant 0 : i32
      %dma_wait3A_39 = tpu.memref_slice %arg2[%select_n3A, %rem3A_29, %dma_wait3A] : memref<26x16x100000xf32, #tpu.memory_space<hbm>> -> memref<1x1x100000xf32, #tpu.memory_space<hbm>>
      %dma_wait3A_40 = tpu.memref_squeeze %dma_wait3A_39 : memref<1x1x100000xf32, #tpu.memory_space<hbm>> -> memref<100000xf32, #tpu.memory_space<hbm>>
      %dma_wait3A_41 = arith.constant 0 : i32
      %dma_wait3A_42 = tpu.memref_slice %arg2[%select_n3A, %rem3A_29, %dma_wait3A_41] : memref<26x16x100000xf32, #tpu.memory_space<hbm>> -> memref<1x1x100000xf32, #tpu.memory_space<hbm>>
      %dma_wait3A_43 = tpu.memref_squeeze %dma_wait3A_42 : memref<1x1x100000xf32, #tpu.memory_space<hbm>> -> memref<100000xf32, #tpu.memory_space<hbm>>
      tpu.wait_dma2 semaphore(%arg9 : memref<!tpu.dma_semaphore, #tpu.memory_space<semaphore_mem>>) src(%dma_wait3A_43 : memref<100000xf32, #tpu.memory_space<hbm>>) dst(%arg5 : memref<100000xf32, #tpu.memory_space<vmem>>)
      %scan3A_44 = arith.constant 0 : i32
      %scan3A_45 = arith.constant 0 : i32
      %scan3A_46 = arith.constant 32 : i32
      %scan3A_47 = arith.addi %scan3A_45, %scan3A_46 : i32
      %scan3A_48 = arith.constant 1 : i32
      scf.for %scan3A_140 = %scan3A_45 to %scan3A_47 step %scan3A_48  : i32 {
        %mul3A_141 = arith.constant 128 : i32
        %mul3A_142 = arith.muli %scan3A_140, %mul3A_141 : i32
        %add3A_143 = arith.constant 0 : i32
        %add3A_144 = arith.addi %add3A_143, %mul3A_142 : i32
        %add3A_145 = arith.constant 0 : i32
        %add3A_146 = arith.addi %add3A_144, %add3A_145 : i32
        %get3A = arith.index_cast %add3A_146 : i32 to index
        %get3A_147 = tpu.vector_load %arg6[%get3A] {strides = array<i32>} : memref<16384xi32, #tpu.memory_space<vmem>>, vector<16xi32>,
        %gather3A = tpu.vector_load_idx %arg5[%get3A_147] : memref<100000xf32, #tpu.memory_space<vmem>>[vector<16xi32>], vector<16xf32>,
        %swap3A = arith.index_cast %scan3A_140 : i32 to index
        %swap3A_148 = arith.constant 0 : index
        %swap3A_149 = tpu.vector_load %arg7[%swap3A, %swap3A_148] {strides = array<i32>} : memref<32x128xf32, #tpu.memory_space<vmem>>, vector<16xf32>,
        tpu.vector_store %arg7[%swap3A, %swap3A_148], %gather3A {strides = array<i32>} : memref<32x128xf32, #tpu.memory_space<vmem>>, vector<16xf32>,
        %mul3A_150 = arith.constant 128 : i32
        %mul3A_151 = arith.muli %scan3A_140, %mul3A_150 : i32
        %add3A_152 = arith.constant 0 : i32
        %add3A_153 = arith.addi %add3A_152, %mul3A_151 : i32
        %add3A_154 = arith.constant 16 : i32
        %add3A_155 = arith.addi %add3A_153, %add3A_154 : i32
        %get3A_156 = arith.index_cast %add3A_155 : i32 to index
        %get3A_157 = tpu.vector_load %arg6[%get3A_156] {strides = array<i32>} : memref<16384xi32, #tpu.memory_space<vmem>>, vector<16xi32>,
        %gather3A_158 = tpu.vector_load_idx %arg5[%get3A_157] : memref<100000xf32, #tpu.memory_space<vmem>>[vector<16xi32>], vector<16xf32>,
        %swap3A_159 = arith.index_cast %scan3A_140 : i32 to index
        %swap3A_160 = arith.constant 16 : index
        %swap3A_161 = tpu.vector_load %arg7[%swap3A_159, %swap3A_160] {strides = array<i32>} : memref<32x128xf32, #tpu.memory_space<vmem>>, vector<16xf32>,
        tpu.vector_store %arg7[%swap3A_159, %swap3A_160], %gather3A_158 {strides = array<i32>} : memref<32x128xf32, #tpu.memory_space<vmem>>, vector<16xf32>,
        %mul3A_162 = arith.constant 128 : i32
        %mul3A_163 = arith.muli %scan3A_140, %mul3A_162 : i32
        %add3A_164 = arith.constant 0 : i32
        %add3A_165 = arith.addi %add3A_164, %mul3A_163 : i32
        %add3A_166 = arith.constant 32 : i32
        %add3A_167 = arith.addi %add3A_165, %add3A_166 : i32
        %get3A_168 = arith.index_cast %add3A_167 : i32 to index
        %get3A_169 = tpu.vector_load %arg6[%get3A_168] {strides = array<i32>} : memref<16384xi32, #tpu.memory_space<vmem>>, vector<16xi32>,
        %gather3A_170 = tpu.vector_load_idx %arg5[%get3A_169] : memref<100000xf32, #tpu.memory_space<vmem>>[vector<16xi32>], vector<16xf32>,
        %swap3A_171 = arith.index_cast %scan3A_140 : i32 to index
        %swap3A_172 = arith.constant 32 : index
        %swap3A_173 = tpu.vector_load %arg7[%swap3A_171, %swap3A_172] {strides = array<i32>} : memref<32x128xf32, #tpu.memory_space<vmem>>, vector<16xf32>,
        tpu.vector_store %arg7[%swap3A_171, %swap3A_172], %gather3A_170 {strides = array<i32>} : memref<32x128xf32, #tpu.memory_space<vmem>>, vector<16xf32>,
        %mul3A_174 = arith.constant 128 : i32
        %mul3A_175 = arith.muli %scan3A_140, %mul3A_174 : i32
        %add3A_176 = arith.constant 0 : i32
        %add3A_177 = arith.addi %add3A_176, %mul3A_175 : i32
        %add3A_178 = arith.constant 48 : i32
        %add3A_179 = arith.addi %add3A_177, %add3A_178 : i32
        %get3A_180 = arith.index_cast %add3A_179 : i32 to index
        %get3A_181 = tpu.vector_load %arg6[%get3A_180] {strides = array<i32>} : memref<16384xi32, #tpu.memory_space<vmem>>, vector<16xi32>,
        %gather3A_182 = tpu.vector_load_idx %arg5[%get3A_181] : memref<100000xf32, #tpu.memory_space<vmem>>[vector<16xi32>], vector<16xf32>,
        %swap3A_183 = arith.index_cast %scan3A_140 : i32 to index
        %swap3A_184 = arith.constant 48 : index
        %swap3A_185 = tpu.vector_load %arg7[%swap3A_183, %swap3A_184] {strides = array<i32>} : memref<32x128xf32, #tpu.memory_space<vmem>>, vector<16xf32>,
        tpu.vector_store %arg7[%swap3A_183, %swap3A_184], %gather3A_182 {strides = array<i32>} : memref<32x128xf32, #tpu.memory_space<vmem>>, vector<16xf32>,
        %mul3A_186 = arith.constant 128 : i32
        %mul3A_187 = arith.muli %scan3A_140, %mul3A_186 : i32
        %add3A_188 = arith.constant 0 : i32
        %add3A_189 = arith.addi %add3A_188, %mul3A_187 : i32
        %add3A_190 = arith.constant 64 : i32
        %add3A_191 = arith.addi %add3A_189, %add3A_190 : i32
        %get3A_192 = arith.index_cast %add3A_191 : i32 to index
        %get3A_193 = tpu.vector_load %arg6[%get3A_192] {strides = array<i32>} : memref<16384xi32, #tpu.memory_space<vmem>>, vector<16xi32>,
        %gather3A_194 = tpu.vector_load_idx %arg5[%get3A_193] : memref<100000xf32, #tpu.memory_space<vmem>>[vector<16xi32>], vector<16xf32>,
        %swap3A_195 = arith.index_cast %scan3A_140 : i32 to index
        %swap3A_196 = arith.constant 64 : index
        %swap3A_197 = tpu.vector_load %arg7[%swap3A_195, %swap3A_196] {strides = array<i32>} : memref<32x128xf32, #tpu.memory_space<vmem>>, vector<16xf32>,
        tpu.vector_store %arg7[%swap3A_195, %swap3A_196], %gather3A_194 {strides = array<i32>} : memref<32x128xf32, #tpu.memory_space<vmem>>, vector<16xf32>,
        %mul3A_198 = arith.constant 128 : i32
        %mul3A_199 = arith.muli %scan3A_140, %mul3A_198 : i32
        %add3A_200 = arith.constant 0 : i32
        %add3A_201 = arith.addi %add3A_200, %mul3A_199 : i32
        %add3A_202 = arith.constant 80 : i32
        %add3A_203 = arith.addi %add3A_201, %add3A_202 : i32
        %get3A_204 = arith.index_cast %add3A_203 : i32 to index
        %get3A_205 = tpu.vector_load %arg6[%get3A_204] {strides = array<i32>} : memref<16384xi32, #tpu.memory_space<vmem>>, vector<16xi32>,
        %gather3A_206 = tpu.vector_load_idx %arg5[%get3A_205] : memref<100000xf32, #tpu.memory_space<vmem>>[vector<16xi32>], vector<16xf32>,
        %swap3A_207 = arith.index_cast %scan3A_140 : i32 to index
        %swap3A_208 = arith.constant 80 : index
        %swap3A_209 = tpu.vector_load %arg7[%swap3A_207, %swap3A_208] {strides = array<i32>} : memref<32x128xf32, #tpu.memory_space<vmem>>, vector<16xf32>,
        tpu.vector_store %arg7[%swap3A_207, %swap3A_208], %gather3A_206 {strides = array<i32>} : memref<32x128xf32, #tpu.memory_space<vmem>>, vector<16xf32>,
        %mul3A_210 = arith.constant 128 : i32
        %mul3A_211 = arith.muli %scan3A_140, %mul3A_210 : i32
        %add3A_212 = arith.constant 0 : i32
        %add3A_213 = arith.addi %add3A_212, %mul3A_211 : i32
        %add3A_214 = arith.constant 96 : i32
        %add3A_215 = arith.addi %add3A_213, %add3A_214 : i32
        %get3A_216 = arith.index_cast %add3A_215 : i32 to index
        %get3A_217 = tpu.vector_load %arg6[%get3A_216] {strides = array<i32>} : memref<16384xi32, #tpu.memory_space<vmem>>, vector<16xi32>,
        %gather3A_218 = tpu.vector_load_idx %arg5[%get3A_217] : memref<100000xf32, #tpu.memory_space<vmem>>[vector<16xi32>], vector<16xf32>,
        %swap3A_219 = arith.index_cast %scan3A_140 : i32 to index
        %swap3A_220 = arith.constant 96 : index
        %swap3A_221 = tpu.vector_load %arg7[%swap3A_219, %swap3A_220] {strides = array<i32>} : memref<32x128xf32, #tpu.memory_space<vmem>>, vector<16xf32>,
        tpu.vector_store %arg7[%swap3A_219, %swap3A_220], %gather3A_218 {strides = array<i32>} : memref<32x128xf32, #tpu.memory_space<vmem>>, vector<16xf32>,
        %mul3A_222 = arith.constant 128 : i32
        %mul3A_223 = arith.muli %scan3A_140, %mul3A_222 : i32
        %add3A_224 = arith.constant 0 : i32
        %add3A_225 = arith.addi %add3A_224, %mul3A_223 : i32
        %add3A_226 = arith.constant 112 : i32
        %add3A_227 = arith.addi %add3A_225, %add3A_226 : i32
        %get3A_228 = arith.index_cast %add3A_227 : i32 to index
        %get3A_229 = tpu.vector_load %arg6[%get3A_228] {strides = array<i32>} : memref<16384xi32, #tpu.memory_space<vmem>>, vector<16xi32>,
        %gather3A_230 = tpu.vector_load_idx %arg5[%get3A_229] : memref<100000xf32, #tpu.memory_space<vmem>>[vector<16xi32>], vector<16xf32>,
        %swap3A_231 = arith.index_cast %scan3A_140 : i32 to index
        %swap3A_232 = arith.constant 112 : index
        %swap3A_233 = tpu.vector_load %arg7[%swap3A_231, %swap3A_232] {strides = array<i32>} : memref<32x128xf32, #tpu.memory_space<vmem>>, vector<16xf32>,
        tpu.vector_store %arg7[%swap3A_231, %swap3A_232], %gather3A_230 {strides = array<i32>} : memref<32x128xf32, #tpu.memory_space<vmem>>, vector<16xf32>,
      }
      %scan3A_49 = arith.constant 32 : i32
      %sub3A_50 = arith.constant 256 : i32
      %sub3A_51 = arith.subi %add3A_11, %sub3A_50 : i32
      %dma_start3A_52 = arith.constant 0 : i32
      %dma_start3A_53 = arith.constant 0 : i32
      %dma_start3A_54 = tpu.memref_slice %arg4[%sub3A_51, %dma_start3A_52, %dma_start3A_53] : memref<160x128x128xf32, #tpu.memory_space<hbm>> -> memref<1x32x128xf32, #tpu.memory_space<hbm>>
      %dma_start3A_55 = tpu.memref_squeeze %dma_start3A_54 : memref<1x32x128xf32, #tpu.memory_space<hbm>> -> memref<32x128xf32, #tpu.memory_space<hbm>>
      %dma_start3A_56 = arith.constant 0 : i32
      %dma_start3A_57 = arith.constant 0 : i32
      %dma_start3A_58 = tpu.memref_slice %arg4[%sub3A_51, %dma_start3A_56, %dma_start3A_57] : memref<160x128x128xf32, #tpu.memory_space<hbm>> -> memref<1x32x128xf32, #tpu.memory_space<hbm>>
      %dma_start3A_59 = tpu.memref_squeeze %dma_start3A_58 : memref<1x32x128xf32, #tpu.memory_space<hbm>> -> memref<32x128xf32, #tpu.memory_space<hbm>>
      tpu.enqueue_dma source(%arg7 : memref<32x128xf32, #tpu.memory_space<vmem>>) target(%dma_start3A_59 : memref<32x128xf32, #tpu.memory_space<hbm>>) target_semaphore(%arg11 : memref<!tpu.dma_semaphore, #tpu.memory_space<semaphore_mem>>)
      %scan3A_60 = arith.constant 0 : i32
      %scan3A_61 = arith.constant 0 : i32
      %scan3A_62 = arith.constant 32 : i32
      %scan3A_63 = arith.addi %scan3A_61, %scan3A_62 : i32
      %scan3A_64 = arith.constant 1 : i32
      scf.for %scan3A_140 = %scan3A_61 to %scan3A_63 step %scan3A_64  : i32 {
        %mul3A_141 = arith.constant 128 : i32
        %mul3A_142 = arith.muli %scan3A_140, %mul3A_141 : i32
        %add3A_143 = arith.constant 4096 : i32
        %add3A_144 = arith.addi %add3A_143, %mul3A_142 : i32
        %add3A_145 = arith.constant 0 : i32
        %add3A_146 = arith.addi %add3A_144, %add3A_145 : i32
        %get3A = arith.index_cast %add3A_146 : i32 to index
        %get3A_147 = tpu.vector_load %arg6[%get3A] {strides = array<i32>} : memref<16384xi32, #tpu.memory_space<vmem>>, vector<16xi32>,
        %gather3A = tpu.vector_load_idx %arg5[%get3A_147] : memref<100000xf32, #tpu.memory_space<vmem>>[vector<16xi32>], vector<16xf32>,
        %swap3A = arith.index_cast %scan3A_140 : i32 to index
        %swap3A_148 = arith.constant 0 : index
        %swap3A_149 = tpu.vector_load %arg8[%swap3A, %swap3A_148] {strides = array<i32>} : memref<32x128xf32, #tpu.memory_space<vmem>>, vector<16xf32>,
        tpu.vector_store %arg8[%swap3A, %swap3A_148], %gather3A {strides = array<i32>} : memref<32x128xf32, #tpu.memory_space<vmem>>, vector<16xf32>,
        %mul3A_150 = arith.constant 128 : i32
        %mul3A_151 = arith.muli %scan3A_140, %mul3A_150 : i32
        %add3A_152 = arith.constant 4096 : i32
        %add3A_153 = arith.addi %add3A_152, %mul3A_151 : i32
        %add3A_154 = arith.constant 16 : i32
        %add3A_155 = arith.addi %add3A_153, %add3A_154 : i32
        %get3A_156 = arith.index_cast %add3A_155 : i32 to index
        %get3A_157 = tpu.vector_load %arg6[%get3A_156] {strides = array<i32>} : memref<16384xi32, #tpu.memory_space<vmem>>, vector<16xi32>,
        %gather3A_158 = tpu.vector_load_idx %arg5[%get3A_157] : memref<100000xf32, #tpu.memory_space<vmem>>[vector<16xi32>], vector<16xf32>,
        %swap3A_159 = arith.index_cast %scan3A_140 : i32 to index
        %swap3A_160 = arith.constant 16 : index
        %swap3A_161 = tpu.vector_load %arg8[%swap3A_159, %swap3A_160] {strides = array<i32>} : memref<32x128xf32, #tpu.memory_space<vmem>>, vector<16xf32>,
        tpu.vector_store %arg8[%swap3A_159, %swap3A_160], %gather3A_158 {strides = array<i32>} : memref<32x128xf32, #tpu.memory_space<vmem>>, vector<16xf32>,
        %mul3A_162 = arith.constant 128 : i32
        %mul3A_163 = arith.muli %scan3A_140, %mul3A_162 : i32
        %add3A_164 = arith.constant 4096 : i32
        %add3A_165 = arith.addi %add3A_164, %mul3A_163 : i32
        %add3A_166 = arith.constant 32 : i32
        %add3A_167 = arith.addi %add3A_165, %add3A_166 : i32
        %get3A_168 = arith.index_cast %add3A_167 : i32 to index
        %get3A_169 = tpu.vector_load %arg6[%get3A_168] {strides = array<i32>} : memref<16384xi32, #tpu.memory_space<vmem>>, vector<16xi32>,
        %gather3A_170 = tpu.vector_load_idx %arg5[%get3A_169] : memref<100000xf32, #tpu.memory_space<vmem>>[vector<16xi32>], vector<16xf32>,
        %swap3A_171 = arith.index_cast %scan3A_140 : i32 to index
        %swap3A_172 = arith.constant 32 : index
        %swap3A_173 = tpu.vector_load %arg8[%swap3A_171, %swap3A_172] {strides = array<i32>} : memref<32x128xf32, #tpu.memory_space<vmem>>, vector<16xf32>,
        tpu.vector_store %arg8[%swap3A_171, %swap3A_172], %gather3A_170 {strides = array<i32>} : memref<32x128xf32, #tpu.memory_space<vmem>>, vector<16xf32>,
        %mul3A_174 = arith.constant 128 : i32
        %mul3A_175 = arith.muli %scan3A_140, %mul3A_174 : i32
        %add3A_176 = arith.constant 4096 : i32
        %add3A_177 = arith.addi %add3A_176, %mul3A_175 : i32
        %add3A_178 = arith.constant 48 : i32
        %add3A_179 = arith.addi %add3A_177, %add3A_178 : i32
        %get3A_180 = arith.index_cast %add3A_179 : i32 to index
        %get3A_181 = tpu.vector_load %arg6[%get3A_180] {strides = array<i32>} : memref<16384xi32, #tpu.memory_space<vmem>>, vector<16xi32>,
        %gather3A_182 = tpu.vector_load_idx %arg5[%get3A_181] : memref<100000xf32, #tpu.memory_space<vmem>>[vector<16xi32>], vector<16xf32>,
        %swap3A_183 = arith.index_cast %scan3A_140 : i32 to index
        %swap3A_184 = arith.constant 48 : index
        %swap3A_185 = tpu.vector_load %arg8[%swap3A_183, %swap3A_184] {strides = array<i32>} : memref<32x128xf32, #tpu.memory_space<vmem>>, vector<16xf32>,
        tpu.vector_store %arg8[%swap3A_183, %swap3A_184], %gather3A_182 {strides = array<i32>} : memref<32x128xf32, #tpu.memory_space<vmem>>, vector<16xf32>,
        %mul3A_186 = arith.constant 128 : i32
        %mul3A_187 = arith.muli %scan3A_140, %mul3A_186 : i32
        %add3A_188 = arith.constant 4096 : i32
        %add3A_189 = arith.addi %add3A_188, %mul3A_187 : i32
        %add3A_190 = arith.constant 64 : i32
        %add3A_191 = arith.addi %add3A_189, %add3A_190 : i32
        %get3A_192 = arith.index_cast %add3A_191 : i32 to index
        %get3A_193 = tpu.vector_load %arg6[%get3A_192] {strides = array<i32>} : memref<16384xi32, #tpu.memory_space<vmem>>, vector<16xi32>,
        %gather3A_194 = tpu.vector_load_idx %arg5[%get3A_193] : memref<100000xf32, #tpu.memory_space<vmem>>[vector<16xi32>], vector<16xf32>,
        %swap3A_195 = arith.index_cast %scan3A_140 : i32 to index
        %swap3A_196 = arith.constant 64 : index
        %swap3A_197 = tpu.vector_load %arg8[%swap3A_195, %swap3A_196] {strides = array<i32>} : memref<32x128xf32, #tpu.memory_space<vmem>>, vector<16xf32>,
        tpu.vector_store %arg8[%swap3A_195, %swap3A_196], %gather3A_194 {strides = array<i32>} : memref<32x128xf32, #tpu.memory_space<vmem>>, vector<16xf32>,
        %mul3A_198 = arith.constant 128 : i32
        %mul3A_199 = arith.muli %scan3A_140, %mul3A_198 : i32
        %add3A_200 = arith.constant 4096 : i32
        %add3A_201 = arith.addi %add3A_200, %mul3A_199 : i32
        %add3A_202 = arith.constant 80 : i32
        %add3A_203 = arith.addi %add3A_201, %add3A_202 : i32
        %get3A_204 = arith.index_cast %add3A_203 : i32 to index
        %get3A_205 = tpu.vector_load %arg6[%get3A_204] {strides = array<i32>} : memref<16384xi32, #tpu.memory_space<vmem>>, vector<16xi32>,
        %gather3A_206 = tpu.vector_load_idx %arg5[%get3A_205] : memref<100000xf32, #tpu.memory_space<vmem>>[vector<16xi32>], vector<16xf32>,
        %swap3A_207 = arith.index_cast %scan3A_140 : i32 to index
        %swap3A_208 = arith.constant 80 : index
        %swap3A_209 = tpu.vector_load %arg8[%swap3A_207, %swap3A_208] {strides = array<i32>} : memref<32x128xf32, #tpu.memory_space<vmem>>, vector<16xf32>,
        tpu.vector_store %arg8[%swap3A_207, %swap3A_208], %gather3A_206 {strides = array<i32>} : memref<32x128xf32, #tpu.memory_space<vmem>>, vector<16xf32>,
        %mul3A_210 = arith.constant 128 : i32
        %mul3A_211 = arith.muli %scan3A_140, %mul3A_210 : i32
        %add3A_212 = arith.constant 4096 : i32
        %add3A_213 = arith.addi %add3A_212, %mul3A_211 : i32
        %add3A_214 = arith.constant 96 : i32
        %add3A_215 = arith.addi %add3A_213, %add3A_214 : i32
        %get3A_216 = arith.index_cast %add3A_215 : i32 to index
        %get3A_217 = tpu.vector_load %arg6[%get3A_216] {strides = array<i32>} : memref<16384xi32, #tpu.memory_space<vmem>>, vector<16xi32>,
        %gather3A_218 = tpu.vector_load_idx %arg5[%get3A_217] : memref<100000xf32, #tpu.memory_space<vmem>>[vector<16xi32>], vector<16xf32>,
        %swap3A_219 = arith.index_cast %scan3A_140 : i32 to index
        %swap3A_220 = arith.constant 96 : index
        %swap3A_221 = tpu.vector_load %arg8[%swap3A_219, %swap3A_220] {strides = array<i32>} : memref<32x128xf32, #tpu.memory_space<vmem>>, vector<16xf32>,
        tpu.vector_store %arg8[%swap3A_219, %swap3A_220], %gather3A_218 {strides = array<i32>} : memref<32x128xf32, #tpu.memory_space<vmem>>, vector<16xf32>,
        %mul3A_222 = arith.constant 128 : i32
        %mul3A_223 = arith.muli %scan3A_140, %mul3A_222 : i32
        %add3A_224 = arith.constant 4096 : i32
        %add3A_225 = arith.addi %add3A_224, %mul3A_223 : i32
        %add3A_226 = arith.constant 112 : i32
        %add3A_227 = arith.addi %add3A_225, %add3A_226 : i32
        %get3A_228 = arith.index_cast %add3A_227 : i32 to index
        %get3A_229 = tpu.vector_load %arg6[%get3A_228] {strides = array<i32>} : memref<16384xi32, #tpu.memory_space<vmem>>, vector<16xi32>,
        %gather3A_230 = tpu.vector_load_idx %arg5[%get3A_229] : memref<100000xf32, #tpu.memory_space<vmem>>[vector<16xi32>], vector<16xf32>,
        %swap3A_231 = arith.index_cast %scan3A_140 : i32 to index
        %swap3A_232 = arith.constant 112 : index
        %swap3A_233 = tpu.vector_load %arg8[%swap3A_231, %swap3A_232] {strides = array<i32>} : memref<32x128xf32, #tpu.memory_space<vmem>>, vector<16xf32>,
        tpu.vector_store %arg8[%swap3A_231, %swap3A_232], %gather3A_230 {strides = array<i32>} : memref<32x128xf32, #tpu.memory_space<vmem>>, vector<16xf32>,
      }
      %scan3A_65 = arith.constant 32 : i32
      %sub3A_66 = arith.constant 256 : i32
      %sub3A_67 = arith.subi %add3A_11, %sub3A_66 : i32
      %dma_start3A_68 = arith.constant 32 : i32
      %dma_start3A_69 = arith.constant 0 : i32
      %dma_start3A_70 = tpu.memref_slice %arg4[%sub3A_67, %dma_start3A_68, %dma_start3A_69] : memref<160x128x128xf32, #tpu.memory_space<hbm>> -> memref<1x32x128xf32, #tpu.memory_space<hbm>>
      %dma_start3A_71 = tpu.memref_squeeze %dma_start3A_70 : memref<1x32x128xf32, #tpu.memory_space<hbm>> -> memref<32x128xf32, #tpu.memory_space<hbm>>
      %dma_start3A_72 = arith.constant 32 : i32
      %dma_start3A_73 = arith.constant 0 : i32
      %dma_start3A_74 = tpu.memref_slice %arg4[%sub3A_67, %dma_start3A_72, %dma_start3A_73] : memref<160x128x128xf32, #tpu.memory_space<hbm>> -> memref<1x32x128xf32, #tpu.memory_space<hbm>>
      %dma_start3A_75 = tpu.memref_squeeze %dma_start3A_74 : memref<1x32x128xf32, #tpu.memory_space<hbm>> -> memref<32x128xf32, #tpu.memory_space<hbm>>
      tpu.enqueue_dma source(%arg8 : memref<32x128xf32, #tpu.memory_space<vmem>>) target(%dma_start3A_75 : memref<32x128xf32, #tpu.memory_space<hbm>>) target_semaphore(%arg11 : memref<!tpu.dma_semaphore, #tpu.memory_space<semaphore_mem>>)
      %dma_wait3A_76 = arith.constant 0 : i32
      %dma_wait3A_77 = arith.constant 0 : i32
      %dma_wait3A_78 = tpu.memref_slice %arg4[%sub3A_51, %dma_wait3A_76, %dma_wait3A_77] : memref<160x128x128xf32, #tpu.memory_space<hbm>> -> memref<1x32x128xf32, #tpu.memory_space<hbm>>
      %dma_wait3A_79 = tpu.memref_squeeze %dma_wait3A_78 : memref<1x32x128xf32, #tpu.memory_space<hbm>> -> memref<32x128xf32, #tpu.memory_space<hbm>>
      %dma_wait3A_80 = arith.constant 0 : i32
      %dma_wait3A_81 = arith.constant 0 : i32
      %dma_wait3A_82 = tpu.memref_slice %arg4[%sub3A_51, %dma_wait3A_80, %dma_wait3A_81] : memref<160x128x128xf32, #tpu.memory_space<hbm>> -> memref<1x32x128xf32, #tpu.memory_space<hbm>>
      %dma_wait3A_83 = tpu.memref_squeeze %dma_wait3A_82 : memref<1x32x128xf32, #tpu.memory_space<hbm>> -> memref<32x128xf32, #tpu.memory_space<hbm>>
      tpu.wait_dma2 semaphore(%arg11 : memref<!tpu.dma_semaphore, #tpu.memory_space<semaphore_mem>>) src(%arg7 : memref<32x128xf32, #tpu.memory_space<vmem>>) dst(%dma_wait3A_83 : memref<32x128xf32, #tpu.memory_space<hbm>>)
      %scan3A_84 = arith.constant 0 : i32
      %scan3A_85 = arith.constant 0 : i32
      %scan3A_86 = arith.constant 32 : i32
      %scan3A_87 = arith.addi %scan3A_85, %scan3A_86 : i32
      %scan3A_88 = arith.constant 1 : i32
      scf.for %scan3A_140 = %scan3A_85 to %scan3A_87 step %scan3A_88  : i32 {
        %mul3A_141 = arith.constant 128 : i32
        %mul3A_142 = arith.muli %scan3A_140, %mul3A_141 : i32
        %add3A_143 = arith.constant 8192 : i32
        %add3A_144 = arith.addi %add3A_143, %mul3A_142 : i32
        %add3A_145 = arith.constant 0 : i32
        %add3A_146 = arith.addi %add3A_144, %add3A_145 : i32
        %get3A = arith.index_cast %add3A_146 : i32 to index
        %get3A_147 = tpu.vector_load %arg6[%get3A] {strides = array<i32>} : memref<16384xi32, #tpu.memory_space<vmem>>, vector<16xi32>,
        %gather3A = tpu.vector_load_idx %arg5[%get3A_147] : memref<100000xf32, #tpu.memory_space<vmem>>[vector<16xi32>], vector<16xf32>,
        %swap3A = arith.index_cast %scan3A_140 : i32 to index
        %swap3A_148 = arith.constant 0 : index
        %swap3A_149 = tpu.vector_load %arg7[%swap3A, %swap3A_148] {strides = array<i32>} : memref<32x128xf32, #tpu.memory_space<vmem>>, vector<16xf32>,
        tpu.vector_store %arg7[%swap3A, %swap3A_148], %gather3A {strides = array<i32>} : memref<32x128xf32, #tpu.memory_space<vmem>>, vector<16xf32>,
        %mul3A_150 = arith.constant 128 : i32
        %mul3A_151 = arith.muli %scan3A_140, %mul3A_150 : i32
        %add3A_152 = arith.constant 8192 : i32
        %add3A_153 = arith.addi %add3A_152, %mul3A_151 : i32
        %add3A_154 = arith.constant 16 : i32
        %add3A_155 = arith.addi %add3A_153, %add3A_154 : i32
        %get3A_156 = arith.index_cast %add3A_155 : i32 to index
        %get3A_157 = tpu.vector_load %arg6[%get3A_156] {strides = array<i32>} : memref<16384xi32, #tpu.memory_space<vmem>>, vector<16xi32>,
        %gather3A_158 = tpu.vector_load_idx %arg5[%get3A_157] : memref<100000xf32, #tpu.memory_space<vmem>>[vector<16xi32>], vector<16xf32>,
        %swap3A_159 = arith.index_cast %scan3A_140 : i32 to index
        %swap3A_160 = arith.constant 16 : index
        %swap3A_161 = tpu.vector_load %arg7[%swap3A_159, %swap3A_160] {strides = array<i32>} : memref<32x128xf32, #tpu.memory_space<vmem>>, vector<16xf32>,
        tpu.vector_store %arg7[%swap3A_159, %swap3A_160], %gather3A_158 {strides = array<i32>} : memref<32x128xf32, #tpu.memory_space<vmem>>, vector<16xf32>,
        %mul3A_162 = arith.constant 128 : i32
        %mul3A_163 = arith.muli %scan3A_140, %mul3A_162 : i32
        %add3A_164 = arith.constant 8192 : i32
        %add3A_165 = arith.addi %add3A_164, %mul3A_163 : i32
        %add3A_166 = arith.constant 32 : i32
        %add3A_167 = arith.addi %add3A_165, %add3A_166 : i32
        %get3A_168 = arith.index_cast %add3A_167 : i32 to index
        %get3A_169 = tpu.vector_load %arg6[%get3A_168] {strides = array<i32>} : memref<16384xi32, #tpu.memory_space<vmem>>, vector<16xi32>,
        %gather3A_170 = tpu.vector_load_idx %arg5[%get3A_169] : memref<100000xf32, #tpu.memory_space<vmem>>[vector<16xi32>], vector<16xf32>,
        %swap3A_171 = arith.index_cast %scan3A_140 : i32 to index
        %swap3A_172 = arith.constant 32 : index
        %swap3A_173 = tpu.vector_load %arg7[%swap3A_171, %swap3A_172] {strides = array<i32>} : memref<32x128xf32, #tpu.memory_space<vmem>>, vector<16xf32>,
        tpu.vector_store %arg7[%swap3A_171, %swap3A_172], %gather3A_170 {strides = array<i32>} : memref<32x128xf32, #tpu.memory_space<vmem>>, vector<16xf32>,
        %mul3A_174 = arith.constant 128 : i32
        %mul3A_175 = arith.muli %scan3A_140, %mul3A_174 : i32
        %add3A_176 = arith.constant 8192 : i32
        %add3A_177 = arith.addi %add3A_176, %mul3A_175 : i32
        %add3A_178 = arith.constant 48 : i32
        %add3A_179 = arith.addi %add3A_177, %add3A_178 : i32
        %get3A_180 = arith.index_cast %add3A_179 : i32 to index
        %get3A_181 = tpu.vector_load %arg6[%get3A_180] {strides = array<i32>} : memref<16384xi32, #tpu.memory_space<vmem>>, vector<16xi32>,
        %gather3A_182 = tpu.vector_load_idx %arg5[%get3A_181] : memref<100000xf32, #tpu.memory_space<vmem>>[vector<16xi32>], vector<16xf32>,
        %swap3A_183 = arith.index_cast %scan3A_140 : i32 to index
        %swap3A_184 = arith.constant 48 : index
        %swap3A_185 = tpu.vector_load %arg7[%swap3A_183, %swap3A_184] {strides = array<i32>} : memref<32x128xf32, #tpu.memory_space<vmem>>, vector<16xf32>,
        tpu.vector_store %arg7[%swap3A_183, %swap3A_184], %gather3A_182 {strides = array<i32>} : memref<32x128xf32, #tpu.memory_space<vmem>>, vector<16xf32>,
        %mul3A_186 = arith.constant 128 : i32
        %mul3A_187 = arith.muli %scan3A_140, %mul3A_186 : i32
        %add3A_188 = arith.constant 8192 : i32
        %add3A_189 = arith.addi %add3A_188, %mul3A_187 : i32
        %add3A_190 = arith.constant 64 : i32
        %add3A_191 = arith.addi %add3A_189, %add3A_190 : i32
        %get3A_192 = arith.index_cast %add3A_191 : i32 to index
        %get3A_193 = tpu.vector_load %arg6[%get3A_192] {strides = array<i32>} : memref<16384xi32, #tpu.memory_space<vmem>>, vector<16xi32>,
        %gather3A_194 = tpu.vector_load_idx %arg5[%get3A_193] : memref<100000xf32, #tpu.memory_space<vmem>>[vector<16xi32>], vector<16xf32>,
        %swap3A_195 = arith.index_cast %scan3A_140 : i32 to index
        %swap3A_196 = arith.constant 64 : index
        %swap3A_197 = tpu.vector_load %arg7[%swap3A_195, %swap3A_196] {strides = array<i32>} : memref<32x128xf32, #tpu.memory_space<vmem>>, vector<16xf32>,
        tpu.vector_store %arg7[%swap3A_195, %swap3A_196], %gather3A_194 {strides = array<i32>} : memref<32x128xf32, #tpu.memory_space<vmem>>, vector<16xf32>,
        %mul3A_198 = arith.constant 128 : i32
        %mul3A_199 = arith.muli %scan3A_140, %mul3A_198 : i32
        %add3A_200 = arith.constant 8192 : i32
        %add3A_201 = arith.addi %add3A_200, %mul3A_199 : i32
        %add3A_202 = arith.constant 80 : i32
        %add3A_203 = arith.addi %add3A_201, %add3A_202 : i32
        %get3A_204 = arith.index_cast %add3A_203 : i32 to index
        %get3A_205 = tpu.vector_load %arg6[%get3A_204] {strides = array<i32>} : memref<16384xi32, #tpu.memory_space<vmem>>, vector<16xi32>,
        %gather3A_206 = tpu.vector_load_idx %arg5[%get3A_205] : memref<100000xf32, #tpu.memory_space<vmem>>[vector<16xi32>], vector<16xf32>,
        %swap3A_207 = arith.index_cast %scan3A_140 : i32 to index
        %swap3A_208 = arith.constant 80 : index
        %swap3A_209 = tpu.vector_load %arg7[%swap3A_207, %swap3A_208] {strides = array<i32>} : memref<32x128xf32, #tpu.memory_space<vmem>>, vector<16xf32>,
        tpu.vector_store %arg7[%swap3A_207, %swap3A_208], %gather3A_206 {strides = array<i32>} : memref<32x128xf32, #tpu.memory_space<vmem>>, vector<16xf32>,
        %mul3A_210 = arith.constant 128 : i32
        %mul3A_211 = arith.muli %scan3A_140, %mul3A_210 : i32
        %add3A_212 = arith.constant 8192 : i32
        %add3A_213 = arith.addi %add3A_212, %mul3A_211 : i32
        %add3A_214 = arith.constant 96 : i32
        %add3A_215 = arith.addi %add3A_213, %add3A_214 : i32
        %get3A_216 = arith.index_cast %add3A_215 : i32 to index
        %get3A_217 = tpu.vector_load %arg6[%get3A_216] {strides = array<i32>} : memref<16384xi32, #tpu.memory_space<vmem>>, vector<16xi32>,
        %gather3A_218 = tpu.vector_load_idx %arg5[%get3A_217] : memref<100000xf32, #tpu.memory_space<vmem>>[vector<16xi32>], vector<16xf32>,
        %swap3A_219 = arith.index_cast %scan3A_140 : i32 to index
        %swap3A_220 = arith.constant 96 : index
        %swap3A_221 = tpu.vector_load %arg7[%swap3A_219, %swap3A_220] {strides = array<i32>} : memref<32x128xf32, #tpu.memory_space<vmem>>, vector<16xf32>,
        tpu.vector_store %arg7[%swap3A_219, %swap3A_220], %gather3A_218 {strides = array<i32>} : memref<32x128xf32, #tpu.memory_space<vmem>>, vector<16xf32>,
        %mul3A_222 = arith.constant 128 : i32
        %mul3A_223 = arith.muli %scan3A_140, %mul3A_222 : i32
        %add3A_224 = arith.constant 8192 : i32
        %add3A_225 = arith.addi %add3A_224, %mul3A_223 : i32
        %add3A_226 = arith.constant 112 : i32
        %add3A_227 = arith.addi %add3A_225, %add3A_226 : i32
        %get3A_228 = arith.index_cast %add3A_227 : i32 to index
        %get3A_229 = tpu.vector_load %arg6[%get3A_228] {strides = array<i32>} : memref<16384xi32, #tpu.memory_space<vmem>>, vector<16xi32>,
        %gather3A_230 = tpu.vector_load_idx %arg5[%get3A_229] : memref<100000xf32, #tpu.memory_space<vmem>>[vector<16xi32>], vector<16xf32>,
        %swap3A_231 = arith.index_cast %scan3A_140 : i32 to index
        %swap3A_232 = arith.constant 112 : index
        %swap3A_233 = tpu.vector_load %arg7[%swap3A_231, %swap3A_232] {strides = array<i32>} : memref<32x128xf32, #tpu.memory_space<vmem>>, vector<16xf32>,
        tpu.vector_store %arg7[%swap3A_231, %swap3A_232], %gather3A_230 {strides = array<i32>} : memref<32x128xf32, #tpu.memory_space<vmem>>, vector<16xf32>,
      }
      %scan3A_89 = arith.constant 32 : i32
      %sub3A_90 = arith.constant 256 : i32
      %sub3A_91 = arith.subi %add3A_11, %sub3A_90 : i32
      %dma_start3A_92 = arith.constant 64 : i32
      %dma_start3A_93 = arith.constant 0 : i32
      %dma_start3A_94 = tpu.memref_slice %arg4[%sub3A_91, %dma_start3A_92, %dma_start3A_93] : memref<160x128x128xf32, #tpu.memory_space<hbm>> -> memref<1x32x128xf32, #tpu.memory_space<hbm>>
      %dma_start3A_95 = tpu.memref_squeeze %dma_start3A_94 : memref<1x32x128xf32, #tpu.memory_space<hbm>> -> memref<32x128xf32, #tpu.memory_space<hbm>>
      %dma_start3A_96 = arith.constant 64 : i32
      %dma_start3A_97 = arith.constant 0 : i32
      %dma_start3A_98 = tpu.memref_slice %arg4[%sub3A_91, %dma_start3A_96, %dma_start3A_97] : memref<160x128x128xf32, #tpu.memory_space<hbm>> -> memref<1x32x128xf32, #tpu.memory_space<hbm>>
      %dma_start3A_99 = tpu.memref_squeeze %dma_start3A_98 : memref<1x32x128xf32, #tpu.memory_space<hbm>> -> memref<32x128xf32, #tpu.memory_space<hbm>>
      tpu.enqueue_dma source(%arg7 : memref<32x128xf32, #tpu.memory_space<vmem>>) target(%dma_start3A_99 : memref<32x128xf32, #tpu.memory_space<hbm>>) target_semaphore(%arg11 : memref<!tpu.dma_semaphore, #tpu.memory_space<semaphore_mem>>)
      %dma_wait3A_100 = arith.constant 32 : i32
      %dma_wait3A_101 = arith.constant 0 : i32
      %dma_wait3A_102 = tpu.memref_slice %arg4[%sub3A_67, %dma_wait3A_100, %dma_wait3A_101] : memref<160x128x128xf32, #tpu.memory_space<hbm>> -> memref<1x32x128xf32, #tpu.memory_space<hbm>>
      %dma_wait3A_103 = tpu.memref_squeeze %dma_wait3A_102 : memref<1x32x128xf32, #tpu.memory_space<hbm>> -> memref<32x128xf32, #tpu.memory_space<hbm>>
      %dma_wait3A_104 = arith.constant 32 : i32
      %dma_wait3A_105 = arith.constant 0 : i32
      %dma_wait3A_106 = tpu.memref_slice %arg4[%sub3A_67, %dma_wait3A_104, %dma_wait3A_105] : memref<160x128x128xf32, #tpu.memory_space<hbm>> -> memref<1x32x128xf32, #tpu.memory_space<hbm>>
      %dma_wait3A_107 = tpu.memref_squeeze %dma_wait3A_106 : memref<1x32x128xf32, #tpu.memory_space<hbm>> -> memref<32x128xf32, #tpu.memory_space<hbm>>
      tpu.wait_dma2 semaphore(%arg11 : memref<!tpu.dma_semaphore, #tpu.memory_space<semaphore_mem>>) src(%arg8 : memref<32x128xf32, #tpu.memory_space<vmem>>) dst(%dma_wait3A_107 : memref<32x128xf32, #tpu.memory_space<hbm>>)
      %scan3A_108 = arith.constant 0 : i32
      %scan3A_109 = arith.constant 0 : i32
      %scan3A_110 = arith.constant 32 : i32
      %scan3A_111 = arith.addi %scan3A_109, %scan3A_110 : i32
      %scan3A_112 = arith.constant 1 : i32
      scf.for %scan3A_140 = %scan3A_109 to %scan3A_111 step %scan3A_112  : i32 {
        %mul3A_141 = arith.constant 128 : i32
        %mul3A_142 = arith.muli %scan3A_140, %mul3A_141 : i32
        %add3A_143 = arith.constant 12288 : i32
        %add3A_144 = arith.addi %add3A_143, %mul3A_142 : i32
        %add3A_145 = arith.constant 0 : i32
        %add3A_146 = arith.addi %add3A_144, %add3A_145 : i32
        %get3A = arith.index_cast %add3A_146 : i32 to index
        %get3A_147 = tpu.vector_load %arg6[%get3A] {strides = array<i32>} : memref<16384xi32, #tpu.memory_space<vmem>>, vector<16xi32>,
        %gather3A = tpu.vector_load_idx %arg5[%get3A_147] : memref<100000xf32, #tpu.memory_space<vmem>>[vector<16xi32>], vector<16xf32>,
        %swap3A = arith.index_cast %scan3A_140 : i32 to index
        %swap3A_148 = arith.constant 0 : index
        %swap3A_149 = tpu.vector_load %arg8[%swap3A, %swap3A_148] {strides = array<i32>} : memref<32x128xf32, #tpu.memory_space<vmem>>, vector<16xf32>,
        tpu.vector_store %arg8[%swap3A, %swap3A_148], %gather3A {strides = array<i32>} : memref<32x128xf32, #tpu.memory_space<vmem>>, vector<16xf32>,
        %mul3A_150 = arith.constant 128 : i32
        %mul3A_151 = arith.muli %scan3A_140, %mul3A_150 : i32
        %add3A_152 = arith.constant 12288 : i32
        %add3A_153 = arith.addi %add3A_152, %mul3A_151 : i32
        %add3A_154 = arith.constant 16 : i32
        %add3A_155 = arith.addi %add3A_153, %add3A_154 : i32
        %get3A_156 = arith.index_cast %add3A_155 : i32 to index
        %get3A_157 = tpu.vector_load %arg6[%get3A_156] {strides = array<i32>} : memref<16384xi32, #tpu.memory_space<vmem>>, vector<16xi32>,
        %gather3A_158 = tpu.vector_load_idx %arg5[%get3A_157] : memref<100000xf32, #tpu.memory_space<vmem>>[vector<16xi32>], vector<16xf32>,
        %swap3A_159 = arith.index_cast %scan3A_140 : i32 to index
        %swap3A_160 = arith.constant 16 : index
        %swap3A_161 = tpu.vector_load %arg8[%swap3A_159, %swap3A_160] {strides = array<i32>} : memref<32x128xf32, #tpu.memory_space<vmem>>, vector<16xf32>,
        tpu.vector_store %arg8[%swap3A_159, %swap3A_160], %gather3A_158 {strides = array<i32>} : memref<32x128xf32, #tpu.memory_space<vmem>>, vector<16xf32>,
        %mul3A_162 = arith.constant 128 : i32
        %mul3A_163 = arith.muli %scan3A_140, %mul3A_162 : i32
        %add3A_164 = arith.constant 12288 : i32
        %add3A_165 = arith.addi %add3A_164, %mul3A_163 : i32
        %add3A_166 = arith.constant 32 : i32
        %add3A_167 = arith.addi %add3A_165, %add3A_166 : i32
        %get3A_168 = arith.index_cast %add3A_167 : i32 to index
        %get3A_169 = tpu.vector_load %arg6[%get3A_168] {strides = array<i32>} : memref<16384xi32, #tpu.memory_space<vmem>>, vector<16xi32>,
        %gather3A_170 = tpu.vector_load_idx %arg5[%get3A_169] : memref<100000xf32, #tpu.memory_space<vmem>>[vector<16xi32>], vector<16xf32>,
        %swap3A_171 = arith.index_cast %scan3A_140 : i32 to index
        %swap3A_172 = arith.constant 32 : index
        %swap3A_173 = tpu.vector_load %arg8[%swap3A_171, %swap3A_172] {strides = array<i32>} : memref<32x128xf32, #tpu.memory_space<vmem>>, vector<16xf32>,
        tpu.vector_store %arg8[%swap3A_171, %swap3A_172], %gather3A_170 {strides = array<i32>} : memref<32x128xf32, #tpu.memory_space<vmem>>, vector<16xf32>,
        %mul3A_174 = arith.constant 128 : i32
        %mul3A_175 = arith.muli %scan3A_140, %mul3A_174 : i32
        %add3A_176 = arith.constant 12288 : i32
        %add3A_177 = arith.addi %add3A_176, %mul3A_175 : i32
        %add3A_178 = arith.constant 48 : i32
        %add3A_179 = arith.addi %add3A_177, %add3A_178 : i32
        %get3A_180 = arith.index_cast %add3A_179 : i32 to index
        %get3A_181 = tpu.vector_load %arg6[%get3A_180] {strides = array<i32>} : memref<16384xi32, #tpu.memory_space<vmem>>, vector<16xi32>,
        %gather3A_182 = tpu.vector_load_idx %arg5[%get3A_181] : memref<100000xf32, #tpu.memory_space<vmem>>[vector<16xi32>], vector<16xf32>,
        %swap3A_183 = arith.index_cast %scan3A_140 : i32 to index
        %swap3A_184 = arith.constant 48 : index
        %swap3A_185 = tpu.vector_load %arg8[%swap3A_183, %swap3A_184] {strides = array<i32>} : memref<32x128xf32, #tpu.memory_space<vmem>>, vector<16xf32>,
        tpu.vector_store %arg8[%swap3A_183, %swap3A_184], %gather3A_182 {strides = array<i32>} : memref<32x128xf32, #tpu.memory_space<vmem>>, vector<16xf32>,
        %mul3A_186 = arith.constant 128 : i32
        %mul3A_187 = arith.muli %scan3A_140, %mul3A_186 : i32
        %add3A_188 = arith.constant 12288 : i32
        %add3A_189 = arith.addi %add3A_188, %mul3A_187 : i32
        %add3A_190 = arith.constant 64 : i32
        %add3A_191 = arith.addi %add3A_189, %add3A_190 : i32
        %get3A_192 = arith.index_cast %add3A_191 : i32 to index
        %get3A_193 = tpu.vector_load %arg6[%get3A_192] {strides = array<i32>} : memref<16384xi32, #tpu.memory_space<vmem>>, vector<16xi32>,
        %gather3A_194 = tpu.vector_load_idx %arg5[%get3A_193] : memref<100000xf32, #tpu.memory_space<vmem>>[vector<16xi32>], vector<16xf32>,
        %swap3A_195 = arith.index_cast %scan3A_140 : i32 to index
        %swap3A_196 = arith.constant 64 : index
        %swap3A_197 = tpu.vector_load %arg8[%swap3A_195, %swap3A_196] {strides = array<i32>} : memref<32x128xf32, #tpu.memory_space<vmem>>, vector<16xf32>,
        tpu.vector_store %arg8[%swap3A_195, %swap3A_196], %gather3A_194 {strides = array<i32>} : memref<32x128xf32, #tpu.memory_space<vmem>>, vector<16xf32>,
        %mul3A_198 = arith.constant 128 : i32
        %mul3A_199 = arith.muli %scan3A_140, %mul3A_198 : i32
        %add3A_200 = arith.constant 12288 : i32
        %add3A_201 = arith.addi %add3A_200, %mul3A_199 : i32
        %add3A_202 = arith.constant 80 : i32
        %add3A_203 = arith.addi %add3A_201, %add3A_202 : i32
        %get3A_204 = arith.index_cast %add3A_203 : i32 to index
        %get3A_205 = tpu.vector_load %arg6[%get3A_204] {strides = array<i32>} : memref<16384xi32, #tpu.memory_space<vmem>>, vector<16xi32>,
        %gather3A_206 = tpu.vector_load_idx %arg5[%get3A_205] : memref<100000xf32, #tpu.memory_space<vmem>>[vector<16xi32>], vector<16xf32>,
        %swap3A_207 = arith.index_cast %scan3A_140 : i32 to index
        %swap3A_208 = arith.constant 80 : index
        %swap3A_209 = tpu.vector_load %arg8[%swap3A_207, %swap3A_208] {strides = array<i32>} : memref<32x128xf32, #tpu.memory_space<vmem>>, vector<16xf32>,
        tpu.vector_store %arg8[%swap3A_207, %swap3A_208], %gather3A_206 {strides = array<i32>} : memref<32x128xf32, #tpu.memory_space<vmem>>, vector<16xf32>,
        %mul3A_210 = arith.constant 128 : i32
        %mul3A_211 = arith.muli %scan3A_140, %mul3A_210 : i32
        %add3A_212 = arith.constant 12288 : i32
        %add3A_213 = arith.addi %add3A_212, %mul3A_211 : i32
        %add3A_214 = arith.constant 96 : i32
        %add3A_215 = arith.addi %add3A_213, %add3A_214 : i32
        %get3A_216 = arith.index_cast %add3A_215 : i32 to index
        %get3A_217 = tpu.vector_load %arg6[%get3A_216] {strides = array<i32>} : memref<16384xi32, #tpu.memory_space<vmem>>, vector<16xi32>,
        %gather3A_218 = tpu.vector_load_idx %arg5[%get3A_217] : memref<100000xf32, #tpu.memory_space<vmem>>[vector<16xi32>], vector<16xf32>,
        %swap3A_219 = arith.index_cast %scan3A_140 : i32 to index
        %swap3A_220 = arith.constant 96 : index
        %swap3A_221 = tpu.vector_load %arg8[%swap3A_219, %swap3A_220] {strides = array<i32>} : memref<32x128xf32, #tpu.memory_space<vmem>>, vector<16xf32>,
        tpu.vector_store %arg8[%swap3A_219, %swap3A_220], %gather3A_218 {strides = array<i32>} : memref<32x128xf32, #tpu.memory_space<vmem>>, vector<16xf32>,
        %mul3A_222 = arith.constant 128 : i32
        %mul3A_223 = arith.muli %scan3A_140, %mul3A_222 : i32
        %add3A_224 = arith.constant 12288 : i32
        %add3A_225 = arith.addi %add3A_224, %mul3A_223 : i32
        %add3A_226 = arith.constant 112 : i32
        %add3A_227 = arith.addi %add3A_225, %add3A_226 : i32
        %get3A_228 = arith.index_cast %add3A_227 : i32 to index
        %get3A_229 = tpu.vector_load %arg6[%get3A_228] {strides = array<i32>} : memref<16384xi32, #tpu.memory_space<vmem>>, vector<16xi32>,
        %gather3A_230 = tpu.vector_load_idx %arg5[%get3A_229] : memref<100000xf32, #tpu.memory_space<vmem>>[vector<16xi32>], vector<16xf32>,
        %swap3A_231 = arith.index_cast %scan3A_140 : i32 to index
        %swap3A_232 = arith.constant 112 : index
        %swap3A_233 = tpu.vector_load %arg8[%swap3A_231, %swap3A_232] {strides = array<i32>} : memref<32x128xf32, #tpu.memory_space<vmem>>, vector<16xf32>,
        tpu.vector_store %arg8[%swap3A_231, %swap3A_232], %gather3A_230 {strides = array<i32>} : memref<32x128xf32, #tpu.memory_space<vmem>>, vector<16xf32>,
      }
      %scan3A_113 = arith.constant 32 : i32
      %sub3A_114 = arith.constant 256 : i32
      %sub3A_115 = arith.subi %add3A_11, %sub3A_114 : i32
      %dma_start3A_116 = arith.constant 96 : i32
      %dma_start3A_117 = arith.constant 0 : i32
      %dma_start3A_118 = tpu.memref_slice %arg4[%sub3A_115, %dma_start3A_116, %dma_start3A_117] : memref<160x128x128xf32, #tpu.memory_space<hbm>> -> memref<1x32x128xf32, #tpu.memory_space<hbm>>
      %dma_start3A_119 = tpu.memref_squeeze %dma_start3A_118 : memref<1x32x128xf32, #tpu.memory_space<hbm>> -> memref<32x128xf32, #tpu.memory_space<hbm>>
      %dma_start3A_120 = arith.constant 96 : i32
      %dma_start3A_121 = arith.constant 0 : i32
      %dma_start3A_122 = tpu.memref_slice %arg4[%sub3A_115, %dma_start3A_120, %dma_start3A_121] : memref<160x128x128xf32, #tpu.memory_space<hbm>> -> memref<1x32x128xf32, #tpu.memory_space<hbm>>
      %dma_start3A_123 = tpu.memref_squeeze %dma_start3A_122 : memref<1x32x128xf32, #tpu.memory_space<hbm>> -> memref<32x128xf32, #tpu.memory_space<hbm>>
      tpu.enqueue_dma source(%arg8 : memref<32x128xf32, #tpu.memory_space<vmem>>) target(%dma_start3A_123 : memref<32x128xf32, #tpu.memory_space<hbm>>) target_semaphore(%arg11 : memref<!tpu.dma_semaphore, #tpu.memory_space<semaphore_mem>>)
      %dma_wait3A_124 = arith.constant 64 : i32
      %dma_wait3A_125 = arith.constant 0 : i32
      %dma_wait3A_126 = tpu.memref_slice %arg4[%sub3A_91, %dma_wait3A_124, %dma_wait3A_125] : memref<160x128x128xf32, #tpu.memory_space<hbm>> -> memref<1x32x128xf32, #tpu.memory_space<hbm>>
      %dma_wait3A_127 = tpu.memref_squeeze %dma_wait3A_126 : memref<1x32x128xf32, #tpu.memory_space<hbm>> -> memref<32x128xf32, #tpu.memory_space<hbm>>
      %dma_wait3A_128 = arith.constant 64 : i32
      %dma_wait3A_129 = arith.constant 0 : i32
      %dma_wait3A_130 = tpu.memref_slice %arg4[%sub3A_91, %dma_wait3A_128, %dma_wait3A_129] : memref<160x128x128xf32, #tpu.memory_space<hbm>> -> memref<1x32x128xf32, #tpu.memory_space<hbm>>
      %dma_wait3A_131 = tpu.memref_squeeze %dma_wait3A_130 : memref<1x32x128xf32, #tpu.memory_space<hbm>> -> memref<32x128xf32, #tpu.memory_space<hbm>>
      tpu.wait_dma2 semaphore(%arg11 : memref<!tpu.dma_semaphore, #tpu.memory_space<semaphore_mem>>) src(%arg7 : memref<32x128xf32, #tpu.memory_space<vmem>>) dst(%dma_wait3A_131 : memref<32x128xf32, #tpu.memory_space<hbm>>)
      %dma_wait3A_132 = arith.constant 96 : i32
      %dma_wait3A_133 = arith.constant 0 : i32
      %dma_wait3A_134 = tpu.memref_slice %arg4[%sub3A_115, %dma_wait3A_132, %dma_wait3A_133] : memref<160x128x128xf32, #tpu.memory_space<hbm>> -> memref<1x32x128xf32, #tpu.memory_space<hbm>>
      %dma_wait3A_135 = tpu.memref_squeeze %dma_wait3A_134 : memref<1x32x128xf32, #tpu.memory_space<hbm>> -> memref<32x128xf32, #tpu.memory_space<hbm>>
      %dma_wait3A_136 = arith.constant 96 : i32
      %dma_wait3A_137 = arith.constant 0 : i32
      %dma_wait3A_138 = tpu.memref_slice %arg4[%sub3A_115, %dma_wait3A_136, %dma_wait3A_137] : memref<160x128x128xf32, #tpu.memory_space<hbm>> -> memref<1x32x128xf32, #tpu.memory_space<hbm>>
      %dma_wait3A_139 = tpu.memref_squeeze %dma_wait3A_138 : memref<1x32x128xf32, #tpu.memory_space<hbm>> -> memref<32x128xf32, #tpu.memory_space<hbm>>
      tpu.wait_dma2 semaphore(%arg11 : memref<!tpu.dma_semaphore, #tpu.memory_space<semaphore_mem>>) src(%arg8 : memref<32x128xf32, #tpu.memory_space<vmem>>) dst(%dma_wait3A_139 : memref<32x128xf32, #tpu.memory_space<hbm>>)
    }
    %scan3A_5 = arith.constant 5 : i32
    return
  }
}

#map = affine_map<(d0, d1) -> (0, 0, 0)>
#map1 = affine_map<(d0, d1) -> (0, 0)>
module attributes {stable_mosaic.version = 14 : i64} {
  func.func @_sc_gather_body(%arg0: i32, %arg1: i32, %arg2: memref<26x16x100000xf32, #tpu.memory_space<hbm>>, %arg3: memref<26x16384xi32, #tpu.memory_space<hbm>>, %arg4: memref<256x128x128xf32, #tpu.memory_space<hbm>>, %arg5: memref<100000xf32, #tpu.memory_space<vmem>>, %arg6: memref<16384xi32, #tpu.memory_space<vmem>>, %arg7: memref<32x128xf32, #tpu.memory_space<vmem>>, %arg8: memref<32x128xf32, #tpu.memory_space<vmem>>, %arg9: memref<!tpu.dma_semaphore, #tpu.memory_space<semaphore_mem>>, %arg10: memref<!tpu.dma_semaphore, #tpu.memory_space<semaphore_mem>>, %arg11: memref<!tpu.dma_semaphore, #tpu.memory_space<semaphore_mem>>) attributes {dimension_semantics = [#tpu.dimension_semantics<core_parallel>, #tpu.dimension_semantics<subcore_parallel>], iteration_bounds = array<i64: 2, 16>, scalar_prefetch = 0 : i64, scratch_operands = 7 : i64, tpu.core_type = #tpu.core_type<sc_vector_subcore>, window_params = [{transform_indices = #map}, {transform_indices = #map1}, {transform_indices = #map}]} {
    %mul3A = arith.constant 2 : i32
    %mul3A_0 = arith.muli %arg1, %mul3A : i32
    %add3A = arith.addi %mul3A_0, %arg0 : i32
    %iota3A = tpu.iota {dimensions = array<i32: 0>} : vector<16xi32>
    %scan3A = arith.constant 0 : i32
    %scan3A_1 = arith.constant 0 : i32
    %scan3A_2 = arith.constant 8 : i32
    %scan3A_3 = arith.addi %scan3A_1, %scan3A_2 : i32
    %scan3A_4 = arith.constant 1 : i32
    scf.for %scan3A_6 = %scan3A_1 to %scan3A_3 step %scan3A_4  : i32 {
      %mul3A_7 = arith.constant 8 : i32
      %mul3A_8 = arith.muli %add3A, %mul3A_7 : i32
      %add3A_9 = arith.constant 0 : i32
      %add3A_10 = arith.addi %add3A_9, %mul3A_8 : i32
      %add3A_11 = arith.addi %add3A_10, %scan3A_6 : i32
      %jit3A = arith.constant 16 : i32
      %div3A = arith.divsi %add3A_11, %jit3A : i32
      %sign3A = arith.constant 0 : i32
      %sign3A_12 = arith.cmpi sgt, %add3A_11, %sign3A : i32
      %sign3A_13 = arith.extui %sign3A_12 : i1 to i32
      %sign3A_14 = arith.constant 0 : i32
      %sign3A_15 = arith.cmpi slt, %add3A_11, %sign3A_14 : i32
      %sign3A_16 = arith.extui %sign3A_15 : i1 to i32
      %sign3A_17 = arith.subi %sign3A_13, %sign3A_16 : i32
      %sign3A_18 = arith.constant 0 : i32
      %sign3A_19 = arith.cmpi sgt, %jit3A, %sign3A_18 : i32
      %sign3A_20 = arith.extui %sign3A_19 : i1 to i32
      %sign3A_21 = arith.constant 0 : i32
      %sign3A_22 = arith.cmpi slt, %jit3A, %sign3A_21 : i32
      %sign3A_23 = arith.extui %sign3A_22 : i1 to i32
      %sign3A_24 = arith.subi %sign3A_20, %sign3A_23 : i32
      %ne3A = arith.cmpi ne, %sign3A_17, %sign3A_24 : i32
      %rem3A = arith.remsi %add3A_11, %jit3A : i32
      %ne3A_25 = arith.constant 0 : i32
      %ne3A_26 = arith.cmpi ne, %rem3A, %ne3A_25 : i32
      %and3A = arith.andi %ne3A, %ne3A_26 : i1
      %sub3A = arith.constant 1 : i32
      %sub3A_27 = arith.subi %div3A, %sub3A : i32
      %select_n3A = arith.select %and3A, %sub3A_27, %div3A : i32
      %rem3A_28 = arith.constant 16 : i32
      %rem3A_29 = arith.remsi %add3A_11, %rem3A_28 : i32
      %eq3A = arith.constant 0 : i32
      %eq3A_30 = arith.cmpi eq, %scan3A_6, %eq3A : i32
      %eq3A_31 = arith.constant 0 : i32
      %eq3A_32 = arith.cmpi eq, %rem3A_29, %eq3A_31 : i32
      %or3A = arith.ori %eq3A_30, %eq3A_32 : i1
      %convert_element_type3A = arith.extui %or3A : i1 to i32
      %cond3A = arith.constant 0 : i32
      %cond3A_33 = arith.cmpi ne, %convert_element_type3A, %cond3A : i32
      scf.if %cond3A_33 {
        %dma_start3A_140 = arith.constant 0 : i32
        %dma_start3A_141 = tpu.memref_slice %arg3[%select_n3A, %dma_start3A_140] : memref<26x16384xi32, #tpu.memory_space<hbm>> -> memref<1x16384xi32, #tpu.memory_space<hbm>>
        %dma_start3A_142 = tpu.memref_squeeze %dma_start3A_141 : memref<1x16384xi32, #tpu.memory_space<hbm>> -> memref<16384xi32, #tpu.memory_space<hbm>>
        %dma_start3A_143 = arith.constant 0 : i32
        %dma_start3A_144 = tpu.memref_slice %arg3[%select_n3A, %dma_start3A_143] : memref<26x16384xi32, #tpu.memory_space<hbm>> -> memref<1x16384xi32, #tpu.memory_space<hbm>>
        %dma_start3A_145 = tpu.memref_squeeze %dma_start3A_144 : memref<1x16384xi32, #tpu.memory_space<hbm>> -> memref<16384xi32, #tpu.memory_space<hbm>>
        tpu.enqueue_dma source(%dma_start3A_145 : memref<16384xi32, #tpu.memory_space<hbm>>) target(%arg6 : memref<16384xi32, #tpu.memory_space<vmem>>) target_semaphore(%arg10 : memref<!tpu.dma_semaphore, #tpu.memory_space<semaphore_mem>>)
        %dma_wait3A_146 = arith.constant 0 : i32
        %dma_wait3A_147 = tpu.memref_slice %arg3[%select_n3A, %dma_wait3A_146] : memref<26x16384xi32, #tpu.memory_space<hbm>> -> memref<1x16384xi32, #tpu.memory_space<hbm>>
        %dma_wait3A_148 = tpu.memref_squeeze %dma_wait3A_147 : memref<1x16384xi32, #tpu.memory_space<hbm>> -> memref<16384xi32, #tpu.memory_space<hbm>>
        %dma_wait3A_149 = arith.constant 0 : i32
        %dma_wait3A_150 = tpu.memref_slice %arg3[%select_n3A, %dma_wait3A_149] : memref<26x16384xi32, #tpu.memory_space<hbm>> -> memref<1x16384xi32, #tpu.memory_space<hbm>>
        %dma_wait3A_151 = tpu.memref_squeeze %dma_wait3A_150 : memref<1x16384xi32, #tpu.memory_space<hbm>> -> memref<16384xi32, #tpu.memory_space<hbm>>
        tpu.wait_dma2 semaphore(%arg10 : memref<!tpu.dma_semaphore, #tpu.memory_space<semaphore_mem>>) src(%dma_wait3A_151 : memref<16384xi32, #tpu.memory_space<hbm>>) dst(%arg6 : memref<16384xi32, #tpu.memory_space<vmem>>)
      } else {
      }
      %dma_start3A = arith.constant 0 : i32
      %dma_start3A_34 = tpu.memref_slice %arg2[%select_n3A, %rem3A_29, %dma_start3A] : memref<26x16x100000xf32, #tpu.memory_space<hbm>> -> memref<1x1x100000xf32, #tpu.memory_space<hbm>>
      %dma_start3A_35 = tpu.memref_squeeze %dma_start3A_34 : memref<1x1x100000xf32, #tpu.memory_space<hbm>> -> memref<100000xf32, #tpu.memory_space<hbm>>
      %dma_start3A_36 = arith.constant 0 : i32
      %dma_start3A_37 = tpu.memref_slice %arg2[%select_n3A, %rem3A_29, %dma_start3A_36] : memref<26x16x100000xf32, #tpu.memory_space<hbm>> -> memref<1x1x100000xf32, #tpu.memory_space<hbm>>
      %dma_start3A_38 = tpu.memref_squeeze %dma_start3A_37 : memref<1x1x100000xf32, #tpu.memory_space<hbm>> -> memref<100000xf32, #tpu.memory_space<hbm>>
      tpu.enqueue_dma source(%dma_start3A_38 : memref<100000xf32, #tpu.memory_space<hbm>>) target(%arg5 : memref<100000xf32, #tpu.memory_space<vmem>>) target_semaphore(%arg9 : memref<!tpu.dma_semaphore, #tpu.memory_space<semaphore_mem>>)
      %dma_wait3A = arith.constant 0 : i32
      %dma_wait3A_39 = tpu.memref_slice %arg2[%select_n3A, %rem3A_29, %dma_wait3A] : memref<26x16x100000xf32, #tpu.memory_space<hbm>> -> memref<1x1x100000xf32, #tpu.memory_space<hbm>>
      %dma_wait3A_40 = tpu.memref_squeeze %dma_wait3A_39 : memref<1x1x100000xf32, #tpu.memory_space<hbm>> -> memref<100000xf32, #tpu.memory_space<hbm>>
      %dma_wait3A_41 = arith.constant 0 : i32
      %dma_wait3A_42 = tpu.memref_slice %arg2[%select_n3A, %rem3A_29, %dma_wait3A_41] : memref<26x16x100000xf32, #tpu.memory_space<hbm>> -> memref<1x1x100000xf32, #tpu.memory_space<hbm>>
      %dma_wait3A_43 = tpu.memref_squeeze %dma_wait3A_42 : memref<1x1x100000xf32, #tpu.memory_space<hbm>> -> memref<100000xf32, #tpu.memory_space<hbm>>
      tpu.wait_dma2 semaphore(%arg9 : memref<!tpu.dma_semaphore, #tpu.memory_space<semaphore_mem>>) src(%dma_wait3A_43 : memref<100000xf32, #tpu.memory_space<hbm>>) dst(%arg5 : memref<100000xf32, #tpu.memory_space<vmem>>)
      %scan3A_44 = arith.constant 0 : i32
      %scan3A_45 = arith.constant 0 : i32
      %scan3A_46 = arith.constant 32 : i32
      %scan3A_47 = arith.addi %scan3A_45, %scan3A_46 : i32
      %scan3A_48 = arith.constant 1 : i32
      scf.for %scan3A_140 = %scan3A_45 to %scan3A_47 step %scan3A_48  : i32 {
        %mul3A_141 = arith.constant 128 : i32
        %mul3A_142 = arith.muli %scan3A_140, %mul3A_141 : i32
        %add3A_143 = arith.constant 0 : i32
        %add3A_144 = arith.addi %add3A_143, %mul3A_142 : i32
        %add3A_145 = arith.constant 0 : i32
        %add3A_146 = arith.addi %add3A_144, %add3A_145 : i32
        %get3A = arith.index_cast %add3A_146 : i32 to index
        %get3A_147 = tpu.vector_load %arg6[%get3A] {strides = array<i32>} : memref<16384xi32, #tpu.memory_space<vmem>>, vector<16xi32>,
        %gather3A = tpu.vector_load_idx %arg5[%get3A_147] : memref<100000xf32, #tpu.memory_space<vmem>>[vector<16xi32>], vector<16xf32>,
        %swap3A = arith.index_cast %scan3A_140 : i32 to index
        %swap3A_148 = arith.constant 0 : index
        %swap3A_149 = tpu.vector_load %arg7[%swap3A, %swap3A_148] {strides = array<i32>} : memref<32x128xf32, #tpu.memory_space<vmem>>, vector<16xf32>,
        tpu.vector_store %arg7[%swap3A, %swap3A_148], %gather3A {strides = array<i32>} : memref<32x128xf32, #tpu.memory_space<vmem>>, vector<16xf32>,
        %mul3A_150 = arith.constant 128 : i32
        %mul3A_151 = arith.muli %scan3A_140, %mul3A_150 : i32
        %add3A_152 = arith.constant 0 : i32
        %add3A_153 = arith.addi %add3A_152, %mul3A_151 : i32
        %add3A_154 = arith.constant 16 : i32
        %add3A_155 = arith.addi %add3A_153, %add3A_154 : i32
        %get3A_156 = arith.index_cast %add3A_155 : i32 to index
        %get3A_157 = tpu.vector_load %arg6[%get3A_156] {strides = array<i32>} : memref<16384xi32, #tpu.memory_space<vmem>>, vector<16xi32>,
        %gather3A_158 = tpu.vector_load_idx %arg5[%get3A_157] : memref<100000xf32, #tpu.memory_space<vmem>>[vector<16xi32>], vector<16xf32>,
        %swap3A_159 = arith.index_cast %scan3A_140 : i32 to index
        %swap3A_160 = arith.constant 16 : index
        %swap3A_161 = tpu.vector_load %arg7[%swap3A_159, %swap3A_160] {strides = array<i32>} : memref<32x128xf32, #tpu.memory_space<vmem>>, vector<16xf32>,
        tpu.vector_store %arg7[%swap3A_159, %swap3A_160], %gather3A_158 {strides = array<i32>} : memref<32x128xf32, #tpu.memory_space<vmem>>, vector<16xf32>,
        %mul3A_162 = arith.constant 128 : i32
        %mul3A_163 = arith.muli %scan3A_140, %mul3A_162 : i32
        %add3A_164 = arith.constant 0 : i32
        %add3A_165 = arith.addi %add3A_164, %mul3A_163 : i32
        %add3A_166 = arith.constant 32 : i32
        %add3A_167 = arith.addi %add3A_165, %add3A_166 : i32
        %get3A_168 = arith.index_cast %add3A_167 : i32 to index
        %get3A_169 = tpu.vector_load %arg6[%get3A_168] {strides = array<i32>} : memref<16384xi32, #tpu.memory_space<vmem>>, vector<16xi32>,
        %gather3A_170 = tpu.vector_load_idx %arg5[%get3A_169] : memref<100000xf32, #tpu.memory_space<vmem>>[vector<16xi32>], vector<16xf32>,
        %swap3A_171 = arith.index_cast %scan3A_140 : i32 to index
        %swap3A_172 = arith.constant 32 : index
        %swap3A_173 = tpu.vector_load %arg7[%swap3A_171, %swap3A_172] {strides = array<i32>} : memref<32x128xf32, #tpu.memory_space<vmem>>, vector<16xf32>,
        tpu.vector_store %arg7[%swap3A_171, %swap3A_172], %gather3A_170 {strides = array<i32>} : memref<32x128xf32, #tpu.memory_space<vmem>>, vector<16xf32>,
        %mul3A_174 = arith.constant 128 : i32
        %mul3A_175 = arith.muli %scan3A_140, %mul3A_174 : i32
        %add3A_176 = arith.constant 0 : i32
        %add3A_177 = arith.addi %add3A_176, %mul3A_175 : i32
        %add3A_178 = arith.constant 48 : i32
        %add3A_179 = arith.addi %add3A_177, %add3A_178 : i32
        %get3A_180 = arith.index_cast %add3A_179 : i32 to index
        %get3A_181 = tpu.vector_load %arg6[%get3A_180] {strides = array<i32>} : memref<16384xi32, #tpu.memory_space<vmem>>, vector<16xi32>,
        %gather3A_182 = tpu.vector_load_idx %arg5[%get3A_181] : memref<100000xf32, #tpu.memory_space<vmem>>[vector<16xi32>], vector<16xf32>,
        %swap3A_183 = arith.index_cast %scan3A_140 : i32 to index
        %swap3A_184 = arith.constant 48 : index
        %swap3A_185 = tpu.vector_load %arg7[%swap3A_183, %swap3A_184] {strides = array<i32>} : memref<32x128xf32, #tpu.memory_space<vmem>>, vector<16xf32>,
        tpu.vector_store %arg7[%swap3A_183, %swap3A_184], %gather3A_182 {strides = array<i32>} : memref<32x128xf32, #tpu.memory_space<vmem>>, vector<16xf32>,
        %mul3A_186 = arith.constant 128 : i32
        %mul3A_187 = arith.muli %scan3A_140, %mul3A_186 : i32
        %add3A_188 = arith.constant 0 : i32
        %add3A_189 = arith.addi %add3A_188, %mul3A_187 : i32
        %add3A_190 = arith.constant 64 : i32
        %add3A_191 = arith.addi %add3A_189, %add3A_190 : i32
        %get3A_192 = arith.index_cast %add3A_191 : i32 to index
        %get3A_193 = tpu.vector_load %arg6[%get3A_192] {strides = array<i32>} : memref<16384xi32, #tpu.memory_space<vmem>>, vector<16xi32>,
        %gather3A_194 = tpu.vector_load_idx %arg5[%get3A_193] : memref<100000xf32, #tpu.memory_space<vmem>>[vector<16xi32>], vector<16xf32>,
        %swap3A_195 = arith.index_cast %scan3A_140 : i32 to index
        %swap3A_196 = arith.constant 64 : index
        %swap3A_197 = tpu.vector_load %arg7[%swap3A_195, %swap3A_196] {strides = array<i32>} : memref<32x128xf32, #tpu.memory_space<vmem>>, vector<16xf32>,
        tpu.vector_store %arg7[%swap3A_195, %swap3A_196], %gather3A_194 {strides = array<i32>} : memref<32x128xf32, #tpu.memory_space<vmem>>, vector<16xf32>,
        %mul3A_198 = arith.constant 128 : i32
        %mul3A_199 = arith.muli %scan3A_140, %mul3A_198 : i32
        %add3A_200 = arith.constant 0 : i32
        %add3A_201 = arith.addi %add3A_200, %mul3A_199 : i32
        %add3A_202 = arith.constant 80 : i32
        %add3A_203 = arith.addi %add3A_201, %add3A_202 : i32
        %get3A_204 = arith.index_cast %add3A_203 : i32 to index
        %get3A_205 = tpu.vector_load %arg6[%get3A_204] {strides = array<i32>} : memref<16384xi32, #tpu.memory_space<vmem>>, vector<16xi32>,
        %gather3A_206 = tpu.vector_load_idx %arg5[%get3A_205] : memref<100000xf32, #tpu.memory_space<vmem>>[vector<16xi32>], vector<16xf32>,
        %swap3A_207 = arith.index_cast %scan3A_140 : i32 to index
        %swap3A_208 = arith.constant 80 : index
        %swap3A_209 = tpu.vector_load %arg7[%swap3A_207, %swap3A_208] {strides = array<i32>} : memref<32x128xf32, #tpu.memory_space<vmem>>, vector<16xf32>,
        tpu.vector_store %arg7[%swap3A_207, %swap3A_208], %gather3A_206 {strides = array<i32>} : memref<32x128xf32, #tpu.memory_space<vmem>>, vector<16xf32>,
        %mul3A_210 = arith.constant 128 : i32
        %mul3A_211 = arith.muli %scan3A_140, %mul3A_210 : i32
        %add3A_212 = arith.constant 0 : i32
        %add3A_213 = arith.addi %add3A_212, %mul3A_211 : i32
        %add3A_214 = arith.constant 96 : i32
        %add3A_215 = arith.addi %add3A_213, %add3A_214 : i32
        %get3A_216 = arith.index_cast %add3A_215 : i32 to index
        %get3A_217 = tpu.vector_load %arg6[%get3A_216] {strides = array<i32>} : memref<16384xi32, #tpu.memory_space<vmem>>, vector<16xi32>,
        %gather3A_218 = tpu.vector_load_idx %arg5[%get3A_217] : memref<100000xf32, #tpu.memory_space<vmem>>[vector<16xi32>], vector<16xf32>,
        %swap3A_219 = arith.index_cast %scan3A_140 : i32 to index
        %swap3A_220 = arith.constant 96 : index
        %swap3A_221 = tpu.vector_load %arg7[%swap3A_219, %swap3A_220] {strides = array<i32>} : memref<32x128xf32, #tpu.memory_space<vmem>>, vector<16xf32>,
        tpu.vector_store %arg7[%swap3A_219, %swap3A_220], %gather3A_218 {strides = array<i32>} : memref<32x128xf32, #tpu.memory_space<vmem>>, vector<16xf32>,
        %mul3A_222 = arith.constant 128 : i32
        %mul3A_223 = arith.muli %scan3A_140, %mul3A_222 : i32
        %add3A_224 = arith.constant 0 : i32
        %add3A_225 = arith.addi %add3A_224, %mul3A_223 : i32
        %add3A_226 = arith.constant 112 : i32
        %add3A_227 = arith.addi %add3A_225, %add3A_226 : i32
        %get3A_228 = arith.index_cast %add3A_227 : i32 to index
        %get3A_229 = tpu.vector_load %arg6[%get3A_228] {strides = array<i32>} : memref<16384xi32, #tpu.memory_space<vmem>>, vector<16xi32>,
        %gather3A_230 = tpu.vector_load_idx %arg5[%get3A_229] : memref<100000xf32, #tpu.memory_space<vmem>>[vector<16xi32>], vector<16xf32>,
        %swap3A_231 = arith.index_cast %scan3A_140 : i32 to index
        %swap3A_232 = arith.constant 112 : index
        %swap3A_233 = tpu.vector_load %arg7[%swap3A_231, %swap3A_232] {strides = array<i32>} : memref<32x128xf32, #tpu.memory_space<vmem>>, vector<16xf32>,
        tpu.vector_store %arg7[%swap3A_231, %swap3A_232], %gather3A_230 {strides = array<i32>} : memref<32x128xf32, #tpu.memory_space<vmem>>, vector<16xf32>,
      }
      %scan3A_49 = arith.constant 32 : i32
      %sub3A_50 = arith.constant 0 : i32
      %sub3A_51 = arith.subi %add3A_11, %sub3A_50 : i32
      %dma_start3A_52 = arith.constant 0 : i32
      %dma_start3A_53 = arith.constant 0 : i32
      %dma_start3A_54 = tpu.memref_slice %arg4[%sub3A_51, %dma_start3A_52, %dma_start3A_53] : memref<256x128x128xf32, #tpu.memory_space<hbm>> -> memref<1x32x128xf32, #tpu.memory_space<hbm>>
      %dma_start3A_55 = tpu.memref_squeeze %dma_start3A_54 : memref<1x32x128xf32, #tpu.memory_space<hbm>> -> memref<32x128xf32, #tpu.memory_space<hbm>>
      %dma_start3A_56 = arith.constant 0 : i32
      %dma_start3A_57 = arith.constant 0 : i32
      %dma_start3A_58 = tpu.memref_slice %arg4[%sub3A_51, %dma_start3A_56, %dma_start3A_57] : memref<256x128x128xf32, #tpu.memory_space<hbm>> -> memref<1x32x128xf32, #tpu.memory_space<hbm>>
      %dma_start3A_59 = tpu.memref_squeeze %dma_start3A_58 : memref<1x32x128xf32, #tpu.memory_space<hbm>> -> memref<32x128xf32, #tpu.memory_space<hbm>>
      tpu.enqueue_dma source(%arg7 : memref<32x128xf32, #tpu.memory_space<vmem>>) target(%dma_start3A_59 : memref<32x128xf32, #tpu.memory_space<hbm>>) target_semaphore(%arg11 : memref<!tpu.dma_semaphore, #tpu.memory_space<semaphore_mem>>)
      %scan3A_60 = arith.constant 0 : i32
      %scan3A_61 = arith.constant 0 : i32
      %scan3A_62 = arith.constant 32 : i32
      %scan3A_63 = arith.addi %scan3A_61, %scan3A_62 : i32
      %scan3A_64 = arith.constant 1 : i32
      scf.for %scan3A_140 = %scan3A_61 to %scan3A_63 step %scan3A_64  : i32 {
        %mul3A_141 = arith.constant 128 : i32
        %mul3A_142 = arith.muli %scan3A_140, %mul3A_141 : i32
        %add3A_143 = arith.constant 4096 : i32
        %add3A_144 = arith.addi %add3A_143, %mul3A_142 : i32
        %add3A_145 = arith.constant 0 : i32
        %add3A_146 = arith.addi %add3A_144, %add3A_145 : i32
        %get3A = arith.index_cast %add3A_146 : i32 to index
        %get3A_147 = tpu.vector_load %arg6[%get3A] {strides = array<i32>} : memref<16384xi32, #tpu.memory_space<vmem>>, vector<16xi32>,
        %gather3A = tpu.vector_load_idx %arg5[%get3A_147] : memref<100000xf32, #tpu.memory_space<vmem>>[vector<16xi32>], vector<16xf32>,
        %swap3A = arith.index_cast %scan3A_140 : i32 to index
        %swap3A_148 = arith.constant 0 : index
        %swap3A_149 = tpu.vector_load %arg8[%swap3A, %swap3A_148] {strides = array<i32>} : memref<32x128xf32, #tpu.memory_space<vmem>>, vector<16xf32>,
        tpu.vector_store %arg8[%swap3A, %swap3A_148], %gather3A {strides = array<i32>} : memref<32x128xf32, #tpu.memory_space<vmem>>, vector<16xf32>,
        %mul3A_150 = arith.constant 128 : i32
        %mul3A_151 = arith.muli %scan3A_140, %mul3A_150 : i32
        %add3A_152 = arith.constant 4096 : i32
        %add3A_153 = arith.addi %add3A_152, %mul3A_151 : i32
        %add3A_154 = arith.constant 16 : i32
        %add3A_155 = arith.addi %add3A_153, %add3A_154 : i32
        %get3A_156 = arith.index_cast %add3A_155 : i32 to index
        %get3A_157 = tpu.vector_load %arg6[%get3A_156] {strides = array<i32>} : memref<16384xi32, #tpu.memory_space<vmem>>, vector<16xi32>,
        %gather3A_158 = tpu.vector_load_idx %arg5[%get3A_157] : memref<100000xf32, #tpu.memory_space<vmem>>[vector<16xi32>], vector<16xf32>,
        %swap3A_159 = arith.index_cast %scan3A_140 : i32 to index
        %swap3A_160 = arith.constant 16 : index
        %swap3A_161 = tpu.vector_load %arg8[%swap3A_159, %swap3A_160] {strides = array<i32>} : memref<32x128xf32, #tpu.memory_space<vmem>>, vector<16xf32>,
        tpu.vector_store %arg8[%swap3A_159, %swap3A_160], %gather3A_158 {strides = array<i32>} : memref<32x128xf32, #tpu.memory_space<vmem>>, vector<16xf32>,
        %mul3A_162 = arith.constant 128 : i32
        %mul3A_163 = arith.muli %scan3A_140, %mul3A_162 : i32
        %add3A_164 = arith.constant 4096 : i32
        %add3A_165 = arith.addi %add3A_164, %mul3A_163 : i32
        %add3A_166 = arith.constant 32 : i32
        %add3A_167 = arith.addi %add3A_165, %add3A_166 : i32
        %get3A_168 = arith.index_cast %add3A_167 : i32 to index
        %get3A_169 = tpu.vector_load %arg6[%get3A_168] {strides = array<i32>} : memref<16384xi32, #tpu.memory_space<vmem>>, vector<16xi32>,
        %gather3A_170 = tpu.vector_load_idx %arg5[%get3A_169] : memref<100000xf32, #tpu.memory_space<vmem>>[vector<16xi32>], vector<16xf32>,
        %swap3A_171 = arith.index_cast %scan3A_140 : i32 to index
        %swap3A_172 = arith.constant 32 : index
        %swap3A_173 = tpu.vector_load %arg8[%swap3A_171, %swap3A_172] {strides = array<i32>} : memref<32x128xf32, #tpu.memory_space<vmem>>, vector<16xf32>,
        tpu.vector_store %arg8[%swap3A_171, %swap3A_172], %gather3A_170 {strides = array<i32>} : memref<32x128xf32, #tpu.memory_space<vmem>>, vector<16xf32>,
        %mul3A_174 = arith.constant 128 : i32
        %mul3A_175 = arith.muli %scan3A_140, %mul3A_174 : i32
        %add3A_176 = arith.constant 4096 : i32
        %add3A_177 = arith.addi %add3A_176, %mul3A_175 : i32
        %add3A_178 = arith.constant 48 : i32
        %add3A_179 = arith.addi %add3A_177, %add3A_178 : i32
        %get3A_180 = arith.index_cast %add3A_179 : i32 to index
        %get3A_181 = tpu.vector_load %arg6[%get3A_180] {strides = array<i32>} : memref<16384xi32, #tpu.memory_space<vmem>>, vector<16xi32>,
        %gather3A_182 = tpu.vector_load_idx %arg5[%get3A_181] : memref<100000xf32, #tpu.memory_space<vmem>>[vector<16xi32>], vector<16xf32>,
        %swap3A_183 = arith.index_cast %scan3A_140 : i32 to index
        %swap3A_184 = arith.constant 48 : index
        %swap3A_185 = tpu.vector_load %arg8[%swap3A_183, %swap3A_184] {strides = array<i32>} : memref<32x128xf32, #tpu.memory_space<vmem>>, vector<16xf32>,
        tpu.vector_store %arg8[%swap3A_183, %swap3A_184], %gather3A_182 {strides = array<i32>} : memref<32x128xf32, #tpu.memory_space<vmem>>, vector<16xf32>,
        %mul3A_186 = arith.constant 128 : i32
        %mul3A_187 = arith.muli %scan3A_140, %mul3A_186 : i32
        %add3A_188 = arith.constant 4096 : i32
        %add3A_189 = arith.addi %add3A_188, %mul3A_187 : i32
        %add3A_190 = arith.constant 64 : i32
        %add3A_191 = arith.addi %add3A_189, %add3A_190 : i32
        %get3A_192 = arith.index_cast %add3A_191 : i32 to index
        %get3A_193 = tpu.vector_load %arg6[%get3A_192] {strides = array<i32>} : memref<16384xi32, #tpu.memory_space<vmem>>, vector<16xi32>,
        %gather3A_194 = tpu.vector_load_idx %arg5[%get3A_193] : memref<100000xf32, #tpu.memory_space<vmem>>[vector<16xi32>], vector<16xf32>,
        %swap3A_195 = arith.index_cast %scan3A_140 : i32 to index
        %swap3A_196 = arith.constant 64 : index
        %swap3A_197 = tpu.vector_load %arg8[%swap3A_195, %swap3A_196] {strides = array<i32>} : memref<32x128xf32, #tpu.memory_space<vmem>>, vector<16xf32>,
        tpu.vector_store %arg8[%swap3A_195, %swap3A_196], %gather3A_194 {strides = array<i32>} : memref<32x128xf32, #tpu.memory_space<vmem>>, vector<16xf32>,
        %mul3A_198 = arith.constant 128 : i32
        %mul3A_199 = arith.muli %scan3A_140, %mul3A_198 : i32
        %add3A_200 = arith.constant 4096 : i32
        %add3A_201 = arith.addi %add3A_200, %mul3A_199 : i32
        %add3A_202 = arith.constant 80 : i32
        %add3A_203 = arith.addi %add3A_201, %add3A_202 : i32
        %get3A_204 = arith.index_cast %add3A_203 : i32 to index
        %get3A_205 = tpu.vector_load %arg6[%get3A_204] {strides = array<i32>} : memref<16384xi32, #tpu.memory_space<vmem>>, vector<16xi32>,
        %gather3A_206 = tpu.vector_load_idx %arg5[%get3A_205] : memref<100000xf32, #tpu.memory_space<vmem>>[vector<16xi32>], vector<16xf32>,
        %swap3A_207 = arith.index_cast %scan3A_140 : i32 to index
        %swap3A_208 = arith.constant 80 : index
        %swap3A_209 = tpu.vector_load %arg8[%swap3A_207, %swap3A_208] {strides = array<i32>} : memref<32x128xf32, #tpu.memory_space<vmem>>, vector<16xf32>,
        tpu.vector_store %arg8[%swap3A_207, %swap3A_208], %gather3A_206 {strides = array<i32>} : memref<32x128xf32, #tpu.memory_space<vmem>>, vector<16xf32>,
        %mul3A_210 = arith.constant 128 : i32
        %mul3A_211 = arith.muli %scan3A_140, %mul3A_210 : i32
        %add3A_212 = arith.constant 4096 : i32
        %add3A_213 = arith.addi %add3A_212, %mul3A_211 : i32
        %add3A_214 = arith.constant 96 : i32
        %add3A_215 = arith.addi %add3A_213, %add3A_214 : i32
        %get3A_216 = arith.index_cast %add3A_215 : i32 to index
        %get3A_217 = tpu.vector_load %arg6[%get3A_216] {strides = array<i32>} : memref<16384xi32, #tpu.memory_space<vmem>>, vector<16xi32>,
        %gather3A_218 = tpu.vector_load_idx %arg5[%get3A_217] : memref<100000xf32, #tpu.memory_space<vmem>>[vector<16xi32>], vector<16xf32>,
        %swap3A_219 = arith.index_cast %scan3A_140 : i32 to index
        %swap3A_220 = arith.constant 96 : index
        %swap3A_221 = tpu.vector_load %arg8[%swap3A_219, %swap3A_220] {strides = array<i32>} : memref<32x128xf32, #tpu.memory_space<vmem>>, vector<16xf32>,
        tpu.vector_store %arg8[%swap3A_219, %swap3A_220], %gather3A_218 {strides = array<i32>} : memref<32x128xf32, #tpu.memory_space<vmem>>, vector<16xf32>,
        %mul3A_222 = arith.constant 128 : i32
        %mul3A_223 = arith.muli %scan3A_140, %mul3A_222 : i32
        %add3A_224 = arith.constant 4096 : i32
        %add3A_225 = arith.addi %add3A_224, %mul3A_223 : i32
        %add3A_226 = arith.constant 112 : i32
        %add3A_227 = arith.addi %add3A_225, %add3A_226 : i32
        %get3A_228 = arith.index_cast %add3A_227 : i32 to index
        %get3A_229 = tpu.vector_load %arg6[%get3A_228] {strides = array<i32>} : memref<16384xi32, #tpu.memory_space<vmem>>, vector<16xi32>,
        %gather3A_230 = tpu.vector_load_idx %arg5[%get3A_229] : memref<100000xf32, #tpu.memory_space<vmem>>[vector<16xi32>], vector<16xf32>,
        %swap3A_231 = arith.index_cast %scan3A_140 : i32 to index
        %swap3A_232 = arith.constant 112 : index
        %swap3A_233 = tpu.vector_load %arg8[%swap3A_231, %swap3A_232] {strides = array<i32>} : memref<32x128xf32, #tpu.memory_space<vmem>>, vector<16xf32>,
        tpu.vector_store %arg8[%swap3A_231, %swap3A_232], %gather3A_230 {strides = array<i32>} : memref<32x128xf32, #tpu.memory_space<vmem>>, vector<16xf32>,
      }
      %scan3A_65 = arith.constant 32 : i32
      %sub3A_66 = arith.constant 0 : i32
      %sub3A_67 = arith.subi %add3A_11, %sub3A_66 : i32
      %dma_start3A_68 = arith.constant 32 : i32
      %dma_start3A_69 = arith.constant 0 : i32
      %dma_start3A_70 = tpu.memref_slice %arg4[%sub3A_67, %dma_start3A_68, %dma_start3A_69] : memref<256x128x128xf32, #tpu.memory_space<hbm>> -> memref<1x32x128xf32, #tpu.memory_space<hbm>>
      %dma_start3A_71 = tpu.memref_squeeze %dma_start3A_70 : memref<1x32x128xf32, #tpu.memory_space<hbm>> -> memref<32x128xf32, #tpu.memory_space<hbm>>
      %dma_start3A_72 = arith.constant 32 : i32
      %dma_start3A_73 = arith.constant 0 : i32
      %dma_start3A_74 = tpu.memref_slice %arg4[%sub3A_67, %dma_start3A_72, %dma_start3A_73] : memref<256x128x128xf32, #tpu.memory_space<hbm>> -> memref<1x32x128xf32, #tpu.memory_space<hbm>>
      %dma_start3A_75 = tpu.memref_squeeze %dma_start3A_74 : memref<1x32x128xf32, #tpu.memory_space<hbm>> -> memref<32x128xf32, #tpu.memory_space<hbm>>
      tpu.enqueue_dma source(%arg8 : memref<32x128xf32, #tpu.memory_space<vmem>>) target(%dma_start3A_75 : memref<32x128xf32, #tpu.memory_space<hbm>>) target_semaphore(%arg11 : memref<!tpu.dma_semaphore, #tpu.memory_space<semaphore_mem>>)
      %dma_wait3A_76 = arith.constant 0 : i32
      %dma_wait3A_77 = arith.constant 0 : i32
      %dma_wait3A_78 = tpu.memref_slice %arg4[%sub3A_51, %dma_wait3A_76, %dma_wait3A_77] : memref<256x128x128xf32, #tpu.memory_space<hbm>> -> memref<1x32x128xf32, #tpu.memory_space<hbm>>
      %dma_wait3A_79 = tpu.memref_squeeze %dma_wait3A_78 : memref<1x32x128xf32, #tpu.memory_space<hbm>> -> memref<32x128xf32, #tpu.memory_space<hbm>>
      %dma_wait3A_80 = arith.constant 0 : i32
      %dma_wait3A_81 = arith.constant 0 : i32
      %dma_wait3A_82 = tpu.memref_slice %arg4[%sub3A_51, %dma_wait3A_80, %dma_wait3A_81] : memref<256x128x128xf32, #tpu.memory_space<hbm>> -> memref<1x32x128xf32, #tpu.memory_space<hbm>>
      %dma_wait3A_83 = tpu.memref_squeeze %dma_wait3A_82 : memref<1x32x128xf32, #tpu.memory_space<hbm>> -> memref<32x128xf32, #tpu.memory_space<hbm>>
      tpu.wait_dma2 semaphore(%arg11 : memref<!tpu.dma_semaphore, #tpu.memory_space<semaphore_mem>>) src(%arg7 : memref<32x128xf32, #tpu.memory_space<vmem>>) dst(%dma_wait3A_83 : memref<32x128xf32, #tpu.memory_space<hbm>>)
      %scan3A_84 = arith.constant 0 : i32
      %scan3A_85 = arith.constant 0 : i32
      %scan3A_86 = arith.constant 32 : i32
      %scan3A_87 = arith.addi %scan3A_85, %scan3A_86 : i32
      %scan3A_88 = arith.constant 1 : i32
      scf.for %scan3A_140 = %scan3A_85 to %scan3A_87 step %scan3A_88  : i32 {
        %mul3A_141 = arith.constant 128 : i32
        %mul3A_142 = arith.muli %scan3A_140, %mul3A_141 : i32
        %add3A_143 = arith.constant 8192 : i32
        %add3A_144 = arith.addi %add3A_143, %mul3A_142 : i32
        %add3A_145 = arith.constant 0 : i32
        %add3A_146 = arith.addi %add3A_144, %add3A_145 : i32
        %get3A = arith.index_cast %add3A_146 : i32 to index
        %get3A_147 = tpu.vector_load %arg6[%get3A] {strides = array<i32>} : memref<16384xi32, #tpu.memory_space<vmem>>, vector<16xi32>,
        %gather3A = tpu.vector_load_idx %arg5[%get3A_147] : memref<100000xf32, #tpu.memory_space<vmem>>[vector<16xi32>], vector<16xf32>,
        %swap3A = arith.index_cast %scan3A_140 : i32 to index
        %swap3A_148 = arith.constant 0 : index
        %swap3A_149 = tpu.vector_load %arg7[%swap3A, %swap3A_148] {strides = array<i32>} : memref<32x128xf32, #tpu.memory_space<vmem>>, vector<16xf32>,
        tpu.vector_store %arg7[%swap3A, %swap3A_148], %gather3A {strides = array<i32>} : memref<32x128xf32, #tpu.memory_space<vmem>>, vector<16xf32>,
        %mul3A_150 = arith.constant 128 : i32
        %mul3A_151 = arith.muli %scan3A_140, %mul3A_150 : i32
        %add3A_152 = arith.constant 8192 : i32
        %add3A_153 = arith.addi %add3A_152, %mul3A_151 : i32
        %add3A_154 = arith.constant 16 : i32
        %add3A_155 = arith.addi %add3A_153, %add3A_154 : i32
        %get3A_156 = arith.index_cast %add3A_155 : i32 to index
        %get3A_157 = tpu.vector_load %arg6[%get3A_156] {strides = array<i32>} : memref<16384xi32, #tpu.memory_space<vmem>>, vector<16xi32>,
        %gather3A_158 = tpu.vector_load_idx %arg5[%get3A_157] : memref<100000xf32, #tpu.memory_space<vmem>>[vector<16xi32>], vector<16xf32>,
        %swap3A_159 = arith.index_cast %scan3A_140 : i32 to index
        %swap3A_160 = arith.constant 16 : index
        %swap3A_161 = tpu.vector_load %arg7[%swap3A_159, %swap3A_160] {strides = array<i32>} : memref<32x128xf32, #tpu.memory_space<vmem>>, vector<16xf32>,
        tpu.vector_store %arg7[%swap3A_159, %swap3A_160], %gather3A_158 {strides = array<i32>} : memref<32x128xf32, #tpu.memory_space<vmem>>, vector<16xf32>,
        %mul3A_162 = arith.constant 128 : i32
        %mul3A_163 = arith.muli %scan3A_140, %mul3A_162 : i32
        %add3A_164 = arith.constant 8192 : i32
        %add3A_165 = arith.addi %add3A_164, %mul3A_163 : i32
        %add3A_166 = arith.constant 32 : i32
        %add3A_167 = arith.addi %add3A_165, %add3A_166 : i32
        %get3A_168 = arith.index_cast %add3A_167 : i32 to index
        %get3A_169 = tpu.vector_load %arg6[%get3A_168] {strides = array<i32>} : memref<16384xi32, #tpu.memory_space<vmem>>, vector<16xi32>,
        %gather3A_170 = tpu.vector_load_idx %arg5[%get3A_169] : memref<100000xf32, #tpu.memory_space<vmem>>[vector<16xi32>], vector<16xf32>,
        %swap3A_171 = arith.index_cast %scan3A_140 : i32 to index
        %swap3A_172 = arith.constant 32 : index
        %swap3A_173 = tpu.vector_load %arg7[%swap3A_171, %swap3A_172] {strides = array<i32>} : memref<32x128xf32, #tpu.memory_space<vmem>>, vector<16xf32>,
        tpu.vector_store %arg7[%swap3A_171, %swap3A_172], %gather3A_170 {strides = array<i32>} : memref<32x128xf32, #tpu.memory_space<vmem>>, vector<16xf32>,
        %mul3A_174 = arith.constant 128 : i32
        %mul3A_175 = arith.muli %scan3A_140, %mul3A_174 : i32
        %add3A_176 = arith.constant 8192 : i32
        %add3A_177 = arith.addi %add3A_176, %mul3A_175 : i32
        %add3A_178 = arith.constant 48 : i32
        %add3A_179 = arith.addi %add3A_177, %add3A_178 : i32
        %get3A_180 = arith.index_cast %add3A_179 : i32 to index
        %get3A_181 = tpu.vector_load %arg6[%get3A_180] {strides = array<i32>} : memref<16384xi32, #tpu.memory_space<vmem>>, vector<16xi32>,
        %gather3A_182 = tpu.vector_load_idx %arg5[%get3A_181] : memref<100000xf32, #tpu.memory_space<vmem>>[vector<16xi32>], vector<16xf32>,
        %swap3A_183 = arith.index_cast %scan3A_140 : i32 to index
        %swap3A_184 = arith.constant 48 : index
        %swap3A_185 = tpu.vector_load %arg7[%swap3A_183, %swap3A_184] {strides = array<i32>} : memref<32x128xf32, #tpu.memory_space<vmem>>, vector<16xf32>,
        tpu.vector_store %arg7[%swap3A_183, %swap3A_184], %gather3A_182 {strides = array<i32>} : memref<32x128xf32, #tpu.memory_space<vmem>>, vector<16xf32>,
        %mul3A_186 = arith.constant 128 : i32
        %mul3A_187 = arith.muli %scan3A_140, %mul3A_186 : i32
        %add3A_188 = arith.constant 8192 : i32
        %add3A_189 = arith.addi %add3A_188, %mul3A_187 : i32
        %add3A_190 = arith.constant 64 : i32
        %add3A_191 = arith.addi %add3A_189, %add3A_190 : i32
        %get3A_192 = arith.index_cast %add3A_191 : i32 to index
        %get3A_193 = tpu.vector_load %arg6[%get3A_192] {strides = array<i32>} : memref<16384xi32, #tpu.memory_space<vmem>>, vector<16xi32>,
        %gather3A_194 = tpu.vector_load_idx %arg5[%get3A_193] : memref<100000xf32, #tpu.memory_space<vmem>>[vector<16xi32>], vector<16xf32>,
        %swap3A_195 = arith.index_cast %scan3A_140 : i32 to index
        %swap3A_196 = arith.constant 64 : index
        %swap3A_197 = tpu.vector_load %arg7[%swap3A_195, %swap3A_196] {strides = array<i32>} : memref<32x128xf32, #tpu.memory_space<vmem>>, vector<16xf32>,
        tpu.vector_store %arg7[%swap3A_195, %swap3A_196], %gather3A_194 {strides = array<i32>} : memref<32x128xf32, #tpu.memory_space<vmem>>, vector<16xf32>,
        %mul3A_198 = arith.constant 128 : i32
        %mul3A_199 = arith.muli %scan3A_140, %mul3A_198 : i32
        %add3A_200 = arith.constant 8192 : i32
        %add3A_201 = arith.addi %add3A_200, %mul3A_199 : i32
        %add3A_202 = arith.constant 80 : i32
        %add3A_203 = arith.addi %add3A_201, %add3A_202 : i32
        %get3A_204 = arith.index_cast %add3A_203 : i32 to index
        %get3A_205 = tpu.vector_load %arg6[%get3A_204] {strides = array<i32>} : memref<16384xi32, #tpu.memory_space<vmem>>, vector<16xi32>,
        %gather3A_206 = tpu.vector_load_idx %arg5[%get3A_205] : memref<100000xf32, #tpu.memory_space<vmem>>[vector<16xi32>], vector<16xf32>,
        %swap3A_207 = arith.index_cast %scan3A_140 : i32 to index
        %swap3A_208 = arith.constant 80 : index
        %swap3A_209 = tpu.vector_load %arg7[%swap3A_207, %swap3A_208] {strides = array<i32>} : memref<32x128xf32, #tpu.memory_space<vmem>>, vector<16xf32>,
        tpu.vector_store %arg7[%swap3A_207, %swap3A_208], %gather3A_206 {strides = array<i32>} : memref<32x128xf32, #tpu.memory_space<vmem>>, vector<16xf32>,
        %mul3A_210 = arith.constant 128 : i32
        %mul3A_211 = arith.muli %scan3A_140, %mul3A_210 : i32
        %add3A_212 = arith.constant 8192 : i32
        %add3A_213 = arith.addi %add3A_212, %mul3A_211 : i32
        %add3A_214 = arith.constant 96 : i32
        %add3A_215 = arith.addi %add3A_213, %add3A_214 : i32
        %get3A_216 = arith.index_cast %add3A_215 : i32 to index
        %get3A_217 = tpu.vector_load %arg6[%get3A_216] {strides = array<i32>} : memref<16384xi32, #tpu.memory_space<vmem>>, vector<16xi32>,
        %gather3A_218 = tpu.vector_load_idx %arg5[%get3A_217] : memref<100000xf32, #tpu.memory_space<vmem>>[vector<16xi32>], vector<16xf32>,
        %swap3A_219 = arith.index_cast %scan3A_140 : i32 to index
        %swap3A_220 = arith.constant 96 : index
        %swap3A_221 = tpu.vector_load %arg7[%swap3A_219, %swap3A_220] {strides = array<i32>} : memref<32x128xf32, #tpu.memory_space<vmem>>, vector<16xf32>,
        tpu.vector_store %arg7[%swap3A_219, %swap3A_220], %gather3A_218 {strides = array<i32>} : memref<32x128xf32, #tpu.memory_space<vmem>>, vector<16xf32>,
        %mul3A_222 = arith.constant 128 : i32
        %mul3A_223 = arith.muli %scan3A_140, %mul3A_222 : i32
        %add3A_224 = arith.constant 8192 : i32
        %add3A_225 = arith.addi %add3A_224, %mul3A_223 : i32
        %add3A_226 = arith.constant 112 : i32
        %add3A_227 = arith.addi %add3A_225, %add3A_226 : i32
        %get3A_228 = arith.index_cast %add3A_227 : i32 to index
        %get3A_229 = tpu.vector_load %arg6[%get3A_228] {strides = array<i32>} : memref<16384xi32, #tpu.memory_space<vmem>>, vector<16xi32>,
        %gather3A_230 = tpu.vector_load_idx %arg5[%get3A_229] : memref<100000xf32, #tpu.memory_space<vmem>>[vector<16xi32>], vector<16xf32>,
        %swap3A_231 = arith.index_cast %scan3A_140 : i32 to index
        %swap3A_232 = arith.constant 112 : index
        %swap3A_233 = tpu.vector_load %arg7[%swap3A_231, %swap3A_232] {strides = array<i32>} : memref<32x128xf32, #tpu.memory_space<vmem>>, vector<16xf32>,
        tpu.vector_store %arg7[%swap3A_231, %swap3A_232], %gather3A_230 {strides = array<i32>} : memref<32x128xf32, #tpu.memory_space<vmem>>, vector<16xf32>,
      }
      %scan3A_89 = arith.constant 32 : i32
      %sub3A_90 = arith.constant 0 : i32
      %sub3A_91 = arith.subi %add3A_11, %sub3A_90 : i32
      %dma_start3A_92 = arith.constant 64 : i32
      %dma_start3A_93 = arith.constant 0 : i32
      %dma_start3A_94 = tpu.memref_slice %arg4[%sub3A_91, %dma_start3A_92, %dma_start3A_93] : memref<256x128x128xf32, #tpu.memory_space<hbm>> -> memref<1x32x128xf32, #tpu.memory_space<hbm>>
      %dma_start3A_95 = tpu.memref_squeeze %dma_start3A_94 : memref<1x32x128xf32, #tpu.memory_space<hbm>> -> memref<32x128xf32, #tpu.memory_space<hbm>>
      %dma_start3A_96 = arith.constant 64 : i32
      %dma_start3A_97 = arith.constant 0 : i32
      %dma_start3A_98 = tpu.memref_slice %arg4[%sub3A_91, %dma_start3A_96, %dma_start3A_97] : memref<256x128x128xf32, #tpu.memory_space<hbm>> -> memref<1x32x128xf32, #tpu.memory_space<hbm>>
      %dma_start3A_99 = tpu.memref_squeeze %dma_start3A_98 : memref<1x32x128xf32, #tpu.memory_space<hbm>> -> memref<32x128xf32, #tpu.memory_space<hbm>>
      tpu.enqueue_dma source(%arg7 : memref<32x128xf32, #tpu.memory_space<vmem>>) target(%dma_start3A_99 : memref<32x128xf32, #tpu.memory_space<hbm>>) target_semaphore(%arg11 : memref<!tpu.dma_semaphore, #tpu.memory_space<semaphore_mem>>)
      %dma_wait3A_100 = arith.constant 32 : i32
      %dma_wait3A_101 = arith.constant 0 : i32
      %dma_wait3A_102 = tpu.memref_slice %arg4[%sub3A_67, %dma_wait3A_100, %dma_wait3A_101] : memref<256x128x128xf32, #tpu.memory_space<hbm>> -> memref<1x32x128xf32, #tpu.memory_space<hbm>>
      %dma_wait3A_103 = tpu.memref_squeeze %dma_wait3A_102 : memref<1x32x128xf32, #tpu.memory_space<hbm>> -> memref<32x128xf32, #tpu.memory_space<hbm>>
      %dma_wait3A_104 = arith.constant 32 : i32
      %dma_wait3A_105 = arith.constant 0 : i32
      %dma_wait3A_106 = tpu.memref_slice %arg4[%sub3A_67, %dma_wait3A_104, %dma_wait3A_105] : memref<256x128x128xf32, #tpu.memory_space<hbm>> -> memref<1x32x128xf32, #tpu.memory_space<hbm>>
      %dma_wait3A_107 = tpu.memref_squeeze %dma_wait3A_106 : memref<1x32x128xf32, #tpu.memory_space<hbm>> -> memref<32x128xf32, #tpu.memory_space<hbm>>
      tpu.wait_dma2 semaphore(%arg11 : memref<!tpu.dma_semaphore, #tpu.memory_space<semaphore_mem>>) src(%arg8 : memref<32x128xf32, #tpu.memory_space<vmem>>) dst(%dma_wait3A_107 : memref<32x128xf32, #tpu.memory_space<hbm>>)
      %scan3A_108 = arith.constant 0 : i32
      %scan3A_109 = arith.constant 0 : i32
      %scan3A_110 = arith.constant 32 : i32
      %scan3A_111 = arith.addi %scan3A_109, %scan3A_110 : i32
      %scan3A_112 = arith.constant 1 : i32
      scf.for %scan3A_140 = %scan3A_109 to %scan3A_111 step %scan3A_112  : i32 {
        %mul3A_141 = arith.constant 128 : i32
        %mul3A_142 = arith.muli %scan3A_140, %mul3A_141 : i32
        %add3A_143 = arith.constant 12288 : i32
        %add3A_144 = arith.addi %add3A_143, %mul3A_142 : i32
        %add3A_145 = arith.constant 0 : i32
        %add3A_146 = arith.addi %add3A_144, %add3A_145 : i32
        %get3A = arith.index_cast %add3A_146 : i32 to index
        %get3A_147 = tpu.vector_load %arg6[%get3A] {strides = array<i32>} : memref<16384xi32, #tpu.memory_space<vmem>>, vector<16xi32>,
        %gather3A = tpu.vector_load_idx %arg5[%get3A_147] : memref<100000xf32, #tpu.memory_space<vmem>>[vector<16xi32>], vector<16xf32>,
        %swap3A = arith.index_cast %scan3A_140 : i32 to index
        %swap3A_148 = arith.constant 0 : index
        %swap3A_149 = tpu.vector_load %arg8[%swap3A, %swap3A_148] {strides = array<i32>} : memref<32x128xf32, #tpu.memory_space<vmem>>, vector<16xf32>,
        tpu.vector_store %arg8[%swap3A, %swap3A_148], %gather3A {strides = array<i32>} : memref<32x128xf32, #tpu.memory_space<vmem>>, vector<16xf32>,
        %mul3A_150 = arith.constant 128 : i32
        %mul3A_151 = arith.muli %scan3A_140, %mul3A_150 : i32
        %add3A_152 = arith.constant 12288 : i32
        %add3A_153 = arith.addi %add3A_152, %mul3A_151 : i32
        %add3A_154 = arith.constant 16 : i32
        %add3A_155 = arith.addi %add3A_153, %add3A_154 : i32
        %get3A_156 = arith.index_cast %add3A_155 : i32 to index
        %get3A_157 = tpu.vector_load %arg6[%get3A_156] {strides = array<i32>} : memref<16384xi32, #tpu.memory_space<vmem>>, vector<16xi32>,
        %gather3A_158 = tpu.vector_load_idx %arg5[%get3A_157] : memref<100000xf32, #tpu.memory_space<vmem>>[vector<16xi32>], vector<16xf32>,
        %swap3A_159 = arith.index_cast %scan3A_140 : i32 to index
        %swap3A_160 = arith.constant 16 : index
        %swap3A_161 = tpu.vector_load %arg8[%swap3A_159, %swap3A_160] {strides = array<i32>} : memref<32x128xf32, #tpu.memory_space<vmem>>, vector<16xf32>,
        tpu.vector_store %arg8[%swap3A_159, %swap3A_160], %gather3A_158 {strides = array<i32>} : memref<32x128xf32, #tpu.memory_space<vmem>>, vector<16xf32>,
        %mul3A_162 = arith.constant 128 : i32
        %mul3A_163 = arith.muli %scan3A_140, %mul3A_162 : i32
        %add3A_164 = arith.constant 12288 : i32
        %add3A_165 = arith.addi %add3A_164, %mul3A_163 : i32
        %add3A_166 = arith.constant 32 : i32
        %add3A_167 = arith.addi %add3A_165, %add3A_166 : i32
        %get3A_168 = arith.index_cast %add3A_167 : i32 to index
        %get3A_169 = tpu.vector_load %arg6[%get3A_168] {strides = array<i32>} : memref<16384xi32, #tpu.memory_space<vmem>>, vector<16xi32>,
        %gather3A_170 = tpu.vector_load_idx %arg5[%get3A_169] : memref<100000xf32, #tpu.memory_space<vmem>>[vector<16xi32>], vector<16xf32>,
        %swap3A_171 = arith.index_cast %scan3A_140 : i32 to index
        %swap3A_172 = arith.constant 32 : index
        %swap3A_173 = tpu.vector_load %arg8[%swap3A_171, %swap3A_172] {strides = array<i32>} : memref<32x128xf32, #tpu.memory_space<vmem>>, vector<16xf32>,
        tpu.vector_store %arg8[%swap3A_171, %swap3A_172], %gather3A_170 {strides = array<i32>} : memref<32x128xf32, #tpu.memory_space<vmem>>, vector<16xf32>,
        %mul3A_174 = arith.constant 128 : i32
        %mul3A_175 = arith.muli %scan3A_140, %mul3A_174 : i32
        %add3A_176 = arith.constant 12288 : i32
        %add3A_177 = arith.addi %add3A_176, %mul3A_175 : i32
        %add3A_178 = arith.constant 48 : i32
        %add3A_179 = arith.addi %add3A_177, %add3A_178 : i32
        %get3A_180 = arith.index_cast %add3A_179 : i32 to index
        %get3A_181 = tpu.vector_load %arg6[%get3A_180] {strides = array<i32>} : memref<16384xi32, #tpu.memory_space<vmem>>, vector<16xi32>,
        %gather3A_182 = tpu.vector_load_idx %arg5[%get3A_181] : memref<100000xf32, #tpu.memory_space<vmem>>[vector<16xi32>], vector<16xf32>,
        %swap3A_183 = arith.index_cast %scan3A_140 : i32 to index
        %swap3A_184 = arith.constant 48 : index
        %swap3A_185 = tpu.vector_load %arg8[%swap3A_183, %swap3A_184] {strides = array<i32>} : memref<32x128xf32, #tpu.memory_space<vmem>>, vector<16xf32>,
        tpu.vector_store %arg8[%swap3A_183, %swap3A_184], %gather3A_182 {strides = array<i32>} : memref<32x128xf32, #tpu.memory_space<vmem>>, vector<16xf32>,
        %mul3A_186 = arith.constant 128 : i32
        %mul3A_187 = arith.muli %scan3A_140, %mul3A_186 : i32
        %add3A_188 = arith.constant 12288 : i32
        %add3A_189 = arith.addi %add3A_188, %mul3A_187 : i32
        %add3A_190 = arith.constant 64 : i32
        %add3A_191 = arith.addi %add3A_189, %add3A_190 : i32
        %get3A_192 = arith.index_cast %add3A_191 : i32 to index
        %get3A_193 = tpu.vector_load %arg6[%get3A_192] {strides = array<i32>} : memref<16384xi32, #tpu.memory_space<vmem>>, vector<16xi32>,
        %gather3A_194 = tpu.vector_load_idx %arg5[%get3A_193] : memref<100000xf32, #tpu.memory_space<vmem>>[vector<16xi32>], vector<16xf32>,
        %swap3A_195 = arith.index_cast %scan3A_140 : i32 to index
        %swap3A_196 = arith.constant 64 : index
        %swap3A_197 = tpu.vector_load %arg8[%swap3A_195, %swap3A_196] {strides = array<i32>} : memref<32x128xf32, #tpu.memory_space<vmem>>, vector<16xf32>,
        tpu.vector_store %arg8[%swap3A_195, %swap3A_196], %gather3A_194 {strides = array<i32>} : memref<32x128xf32, #tpu.memory_space<vmem>>, vector<16xf32>,
        %mul3A_198 = arith.constant 128 : i32
        %mul3A_199 = arith.muli %scan3A_140, %mul3A_198 : i32
        %add3A_200 = arith.constant 12288 : i32
        %add3A_201 = arith.addi %add3A_200, %mul3A_199 : i32
        %add3A_202 = arith.constant 80 : i32
        %add3A_203 = arith.addi %add3A_201, %add3A_202 : i32
        %get3A_204 = arith.index_cast %add3A_203 : i32 to index
        %get3A_205 = tpu.vector_load %arg6[%get3A_204] {strides = array<i32>} : memref<16384xi32, #tpu.memory_space<vmem>>, vector<16xi32>,
        %gather3A_206 = tpu.vector_load_idx %arg5[%get3A_205] : memref<100000xf32, #tpu.memory_space<vmem>>[vector<16xi32>], vector<16xf32>,
        %swap3A_207 = arith.index_cast %scan3A_140 : i32 to index
        %swap3A_208 = arith.constant 80 : index
        %swap3A_209 = tpu.vector_load %arg8[%swap3A_207, %swap3A_208] {strides = array<i32>} : memref<32x128xf32, #tpu.memory_space<vmem>>, vector<16xf32>,
        tpu.vector_store %arg8[%swap3A_207, %swap3A_208], %gather3A_206 {strides = array<i32>} : memref<32x128xf32, #tpu.memory_space<vmem>>, vector<16xf32>,
        %mul3A_210 = arith.constant 128 : i32
        %mul3A_211 = arith.muli %scan3A_140, %mul3A_210 : i32
        %add3A_212 = arith.constant 12288 : i32
        %add3A_213 = arith.addi %add3A_212, %mul3A_211 : i32
        %add3A_214 = arith.constant 96 : i32
        %add3A_215 = arith.addi %add3A_213, %add3A_214 : i32
        %get3A_216 = arith.index_cast %add3A_215 : i32 to index
        %get3A_217 = tpu.vector_load %arg6[%get3A_216] {strides = array<i32>} : memref<16384xi32, #tpu.memory_space<vmem>>, vector<16xi32>,
        %gather3A_218 = tpu.vector_load_idx %arg5[%get3A_217] : memref<100000xf32, #tpu.memory_space<vmem>>[vector<16xi32>], vector<16xf32>,
        %swap3A_219 = arith.index_cast %scan3A_140 : i32 to index
        %swap3A_220 = arith.constant 96 : index
        %swap3A_221 = tpu.vector_load %arg8[%swap3A_219, %swap3A_220] {strides = array<i32>} : memref<32x128xf32, #tpu.memory_space<vmem>>, vector<16xf32>,
        tpu.vector_store %arg8[%swap3A_219, %swap3A_220], %gather3A_218 {strides = array<i32>} : memref<32x128xf32, #tpu.memory_space<vmem>>, vector<16xf32>,
        %mul3A_222 = arith.constant 128 : i32
        %mul3A_223 = arith.muli %scan3A_140, %mul3A_222 : i32
        %add3A_224 = arith.constant 12288 : i32
        %add3A_225 = arith.addi %add3A_224, %mul3A_223 : i32
        %add3A_226 = arith.constant 112 : i32
        %add3A_227 = arith.addi %add3A_225, %add3A_226 : i32
        %get3A_228 = arith.index_cast %add3A_227 : i32 to index
        %get3A_229 = tpu.vector_load %arg6[%get3A_228] {strides = array<i32>} : memref<16384xi32, #tpu.memory_space<vmem>>, vector<16xi32>,
        %gather3A_230 = tpu.vector_load_idx %arg5[%get3A_229] : memref<100000xf32, #tpu.memory_space<vmem>>[vector<16xi32>], vector<16xf32>,
        %swap3A_231 = arith.index_cast %scan3A_140 : i32 to index
        %swap3A_232 = arith.constant 112 : index
        %swap3A_233 = tpu.vector_load %arg8[%swap3A_231, %swap3A_232] {strides = array<i32>} : memref<32x128xf32, #tpu.memory_space<vmem>>, vector<16xf32>,
        tpu.vector_store %arg8[%swap3A_231, %swap3A_232], %gather3A_230 {strides = array<i32>} : memref<32x128xf32, #tpu.memory_space<vmem>>, vector<16xf32>,
      }
      %scan3A_113 = arith.constant 32 : i32
      %sub3A_114 = arith.constant 0 : i32
      %sub3A_115 = arith.subi %add3A_11, %sub3A_114 : i32
      %dma_start3A_116 = arith.constant 96 : i32
      %dma_start3A_117 = arith.constant 0 : i32
      %dma_start3A_118 = tpu.memref_slice %arg4[%sub3A_115, %dma_start3A_116, %dma_start3A_117] : memref<256x128x128xf32, #tpu.memory_space<hbm>> -> memref<1x32x128xf32, #tpu.memory_space<hbm>>
      %dma_start3A_119 = tpu.memref_squeeze %dma_start3A_118 : memref<1x32x128xf32, #tpu.memory_space<hbm>> -> memref<32x128xf32, #tpu.memory_space<hbm>>
      %dma_start3A_120 = arith.constant 96 : i32
      %dma_start3A_121 = arith.constant 0 : i32
      %dma_start3A_122 = tpu.memref_slice %arg4[%sub3A_115, %dma_start3A_120, %dma_start3A_121] : memref<256x128x128xf32, #tpu.memory_space<hbm>> -> memref<1x32x128xf32, #tpu.memory_space<hbm>>
      %dma_start3A_123 = tpu.memref_squeeze %dma_start3A_122 : memref<1x32x128xf32, #tpu.memory_space<hbm>> -> memref<32x128xf32, #tpu.memory_space<hbm>>
      tpu.enqueue_dma source(%arg8 : memref<32x128xf32, #tpu.memory_space<vmem>>) target(%dma_start3A_123 : memref<32x128xf32, #tpu.memory_space<hbm>>) target_semaphore(%arg11 : memref<!tpu.dma_semaphore, #tpu.memory_space<semaphore_mem>>)
      %dma_wait3A_124 = arith.constant 64 : i32
      %dma_wait3A_125 = arith.constant 0 : i32
      %dma_wait3A_126 = tpu.memref_slice %arg4[%sub3A_91, %dma_wait3A_124, %dma_wait3A_125] : memref<256x128x128xf32, #tpu.memory_space<hbm>> -> memref<1x32x128xf32, #tpu.memory_space<hbm>>
      %dma_wait3A_127 = tpu.memref_squeeze %dma_wait3A_126 : memref<1x32x128xf32, #tpu.memory_space<hbm>> -> memref<32x128xf32, #tpu.memory_space<hbm>>
      %dma_wait3A_128 = arith.constant 64 : i32
      %dma_wait3A_129 = arith.constant 0 : i32
      %dma_wait3A_130 = tpu.memref_slice %arg4[%sub3A_91, %dma_wait3A_128, %dma_wait3A_129] : memref<256x128x128xf32, #tpu.memory_space<hbm>> -> memref<1x32x128xf32, #tpu.memory_space<hbm>>
      %dma_wait3A_131 = tpu.memref_squeeze %dma_wait3A_130 : memref<1x32x128xf32, #tpu.memory_space<hbm>> -> memref<32x128xf32, #tpu.memory_space<hbm>>
      tpu.wait_dma2 semaphore(%arg11 : memref<!tpu.dma_semaphore, #tpu.memory_space<semaphore_mem>>) src(%arg7 : memref<32x128xf32, #tpu.memory_space<vmem>>) dst(%dma_wait3A_131 : memref<32x128xf32, #tpu.memory_space<hbm>>)
      %dma_wait3A_132 = arith.constant 96 : i32
      %dma_wait3A_133 = arith.constant 0 : i32
      %dma_wait3A_134 = tpu.memref_slice %arg4[%sub3A_115, %dma_wait3A_132, %dma_wait3A_133] : memref<256x128x128xf32, #tpu.memory_space<hbm>> -> memref<1x32x128xf32, #tpu.memory_space<hbm>>
      %dma_wait3A_135 = tpu.memref_squeeze %dma_wait3A_134 : memref<1x32x128xf32, #tpu.memory_space<hbm>> -> memref<32x128xf32, #tpu.memory_space<hbm>>
      %dma_wait3A_136 = arith.constant 96 : i32
      %dma_wait3A_137 = arith.constant 0 : i32
      %dma_wait3A_138 = tpu.memref_slice %arg4[%sub3A_115, %dma_wait3A_136, %dma_wait3A_137] : memref<256x128x128xf32, #tpu.memory_space<hbm>> -> memref<1x32x128xf32, #tpu.memory_space<hbm>>
      %dma_wait3A_139 = tpu.memref_squeeze %dma_wait3A_138 : memref<1x32x128xf32, #tpu.memory_space<hbm>> -> memref<32x128xf32, #tpu.memory_space<hbm>>
      tpu.wait_dma2 semaphore(%arg11 : memref<!tpu.dma_semaphore, #tpu.memory_space<semaphore_mem>>) src(%arg8 : memref<32x128xf32, #tpu.memory_space<vmem>>) dst(%dma_wait3A_139 : memref<32x128xf32, #tpu.memory_space<hbm>>)
    }
    %scan3A_5 = arith.constant 8 : i32
    return
  }
}

module attributes {stable_mosaic.version = 14 : i64} {
  func.func @_mlp1_body(%arg0: i32, %arg1: memref<256x8x128xf32, #tpu.memory_space<vmem>>, %arg2: memref<13x1024xf32, #tpu.memory_space<vmem>>, %arg3: memref<256x200xf32, #tpu.memory_space<vmem>>, %arg4: memref<13x200xf32, #tpu.memory_space<vmem>>, %arg5: memref<1x200xf32, #tpu.memory_space<vmem>>, %arg6: memref<1024x200xf32, #tpu.memory_space<vmem>>) attributes {dimension_semantics = [#tpu.dimension_semantics<arbitrary>], iteration_bounds = array<i64: 16>, scalar_prefetch = 0 : i64, scratch_operands = 0 : i64, tpu.core_type = #tpu.core_type<tc>, window_params = [{transform_indices = @transform_0, window_bounds = array<i64: 256, 8, 128>}, {transform_indices = @transform_1, window_bounds = array<i64: 13, 1024>}, {pipeline_mode = #tpu.pipeline_mode<synchronous>, transform_indices = @transform_2, window_bounds = array<i64: 256, 200>}, {pipeline_mode = #tpu.pipeline_mode<synchronous>, transform_indices = @transform_3, window_bounds = array<i64: 13, 200>}, {pipeline_mode = #tpu.pipeline_mode<synchronous>, transform_indices = @transform_4, window_bounds = array<i64: 1, 200>}, {transform_indices = @transform_5, window_bounds = array<i64: 1024, 200>}]} {
    %get3A = arith.constant 0 : index
    %get3A_0 = arith.constant 0 : index
    %get3A_1 = arith.constant 0 : index
    %get3A_2 = vector.load %arg1[%get3A, %get3A_0, %get3A_1] : memref<256x8x128xf32, #tpu.memory_space<vmem>>, vector<256x1x128xf32>
    %get3A_3 = vector.shape_cast %get3A_2 : vector<256x1x128xf32> to vector<256x128xf32>
    %get3A_4 = arith.constant 0 : index
    %get3A_5 = arith.constant 0 : index
    %get3A_6 = vector.load %arg3[%get3A_4, %get3A_5] : memref<256x200xf32, #tpu.memory_space<vmem>>, vector<256x200xf32>
    %dot_general3A = arith.constant dense<0.000000e+00> : vector<128x200xf32>
    %dot_general3A_7 = tpu.matmul %get3A_3, %get3A_6, %dot_general3A {dimension_numbers = #tpu.dot_dimension_numbers<[0], [0], [1], [1], [0, 1, 1, 1], [], []>, transpose_lhs_hint = false} : vector<256x128xf32>, vector<256x200xf32>, vector<128x200xf32> -> vector<128x200xf32>
    %get3A_8 = arith.constant 0 : index
    %get3A_9 = arith.constant 0 : index
    %get3A_10 = vector.load %arg2[%get3A_8, %get3A_9] : memref<13x1024xf32, #tpu.memory_space<vmem>>, vector<13x128xf32>
    %get3A_11 = arith.constant 0 : index
    %get3A_12 = arith.constant 0 : index
    %get3A_13 = vector.load %arg4[%get3A_11, %get3A_12] : memref<13x200xf32, #tpu.memory_space<vmem>>, vector<13x200xf32>
    %dot_general3A_14 = arith.constant dense<0.000000e+00> : vector<128x200xf32>
    %dot_general3A_15 = tpu.matmul %get3A_10, %get3A_13, %dot_general3A_14 {dimension_numbers = #tpu.dot_dimension_numbers<[0], [0], [1], [1], [0, 1, 1, 1], [], []>, transpose_lhs_hint = false} : vector<13x128xf32>, vector<13x200xf32>, vector<128x200xf32> -> vector<128x200xf32>
    %add3A = arith.addf %dot_general3A_7, %dot_general3A_15 : vector<128x200xf32>
    %get3A_16 = arith.constant 0 : index
    %get3A_17 = arith.constant 0 : index
    %get3A_18 = vector.load %arg5[%get3A_16, %get3A_17] : memref<1x200xf32, #tpu.memory_space<vmem>>, vector<1x200xf32>
    %add3A_19 = vector.broadcast %get3A_18 : vector<1x200xf32> to vector<128x200xf32>
    %add3A_20 = arith.addf %add3A, %add3A_19 : vector<128x200xf32>
    %swap3A = arith.constant 0 : index
    %swap3A_21 = arith.constant 0 : index
    %swap3A_22 = vector.load %arg6[%swap3A, %swap3A_21] : memref<1024x200xf32, #tpu.memory_space<vmem>>, vector<128x200xf32>
    tpu.vector_store %arg6[%swap3A, %swap3A_21], %add3A_20 {strides = array<i32>} : memref<1024x200xf32, #tpu.memory_space<vmem>>, vector<128x200xf32>,
    %get3A_23 = arith.constant 0 : index
    %get3A_24 = arith.constant 1 : index
    %get3A_25 = arith.constant 0 : index
    %get3A_26 = vector.load %arg1[%get3A_23, %get3A_24, %get3A_25] : memref<256x8x128xf32, #tpu.memory_space<vmem>>, vector<256x1x128xf32>
    %get3A_27 = vector.shape_cast %get3A_26 : vector<256x1x128xf32> to vector<256x128xf32>
    %get3A_28 = arith.constant 0 : index
    %get3A_29 = arith.constant 0 : index
    %get3A_30 = vector.load %arg3[%get3A_28, %get3A_29] : memref<256x200xf32, #tpu.memory_space<vmem>>, vector<256x200xf32>
    %dot_general3A_31 = arith.constant dense<0.000000e+00> : vector<128x200xf32>
    %dot_general3A_32 = tpu.matmul %get3A_27, %get3A_30, %dot_general3A_31 {dimension_numbers = #tpu.dot_dimension_numbers<[0], [0], [1], [1], [0, 1, 1, 1], [], []>, transpose_lhs_hint = false} : vector<256x128xf32>, vector<256x200xf32>, vector<128x200xf32> -> vector<128x200xf32>
    %get3A_33 = arith.constant 0 : index
    %get3A_34 = arith.constant 128 : index
    %get3A_35 = vector.load %arg2[%get3A_33, %get3A_34] : memref<13x1024xf32, #tpu.memory_space<vmem>>, vector<13x128xf32>
    %get3A_36 = arith.constant 0 : index
    %get3A_37 = arith.constant 0 : index
    %get3A_38 = vector.load %arg4[%get3A_36, %get3A_37] : memref<13x200xf32, #tpu.memory_space<vmem>>, vector<13x200xf32>
    %dot_general3A_39 = arith.constant dense<0.000000e+00> : vector<128x200xf32>
    %dot_general3A_40 = tpu.matmul %get3A_35, %get3A_38, %dot_general3A_39 {dimension_numbers = #tpu.dot_dimension_numbers<[0], [0], [1], [1], [0, 1, 1, 1], [], []>, transpose_lhs_hint = false} : vector<13x128xf32>, vector<13x200xf32>, vector<128x200xf32> -> vector<128x200xf32>
    %add3A_41 = arith.addf %dot_general3A_32, %dot_general3A_40 : vector<128x200xf32>
    %get3A_42 = arith.constant 0 : index
    %get3A_43 = arith.constant 0 : index
    %get3A_44 = vector.load %arg5[%get3A_42, %get3A_43] : memref<1x200xf32, #tpu.memory_space<vmem>>, vector<1x200xf32>
    %add3A_45 = vector.broadcast %get3A_44 : vector<1x200xf32> to vector<128x200xf32>
    %add3A_46 = arith.addf %add3A_41, %add3A_45 : vector<128x200xf32>
    %swap3A_47 = arith.constant 128 : index
    %swap3A_48 = arith.constant 0 : index
    %swap3A_49 = vector.load %arg6[%swap3A_47, %swap3A_48] : memref<1024x200xf32, #tpu.memory_space<vmem>>, vector<128x200xf32>
    tpu.vector_store %arg6[%swap3A_47, %swap3A_48], %add3A_46 {strides = array<i32>} : memref<1024x200xf32, #tpu.memory_space<vmem>>, vector<128x200xf32>,
    %get3A_50 = arith.constant 0 : index
    %get3A_51 = arith.constant 2 : index
    %get3A_52 = arith.constant 0 : index
    %get3A_53 = vector.load %arg1[%get3A_50, %get3A_51, %get3A_52] : memref<256x8x128xf32, #tpu.memory_space<vmem>>, vector<256x1x128xf32>
    %get3A_54 = vector.shape_cast %get3A_53 : vector<256x1x128xf32> to vector<256x128xf32>
    %get3A_55 = arith.constant 0 : index
    %get3A_56 = arith.constant 0 : index
    %get3A_57 = vector.load %arg3[%get3A_55, %get3A_56] : memref<256x200xf32, #tpu.memory_space<vmem>>, vector<256x200xf32>
    %dot_general3A_58 = arith.constant dense<0.000000e+00> : vector<128x200xf32>
    %dot_general3A_59 = tpu.matmul %get3A_54, %get3A_57, %dot_general3A_58 {dimension_numbers = #tpu.dot_dimension_numbers<[0], [0], [1], [1], [0, 1, 1, 1], [], []>, transpose_lhs_hint = false} : vector<256x128xf32>, vector<256x200xf32>, vector<128x200xf32> -> vector<128x200xf32>
    %get3A_60 = arith.constant 0 : index
    %get3A_61 = arith.constant 256 : index
    %get3A_62 = vector.load %arg2[%get3A_60, %get3A_61] : memref<13x1024xf32, #tpu.memory_space<vmem>>, vector<13x128xf32>
    %get3A_63 = arith.constant 0 : index
    %get3A_64 = arith.constant 0 : index
    %get3A_65 = vector.load %arg4[%get3A_63, %get3A_64] : memref<13x200xf32, #tpu.memory_space<vmem>>, vector<13x200xf32>
    %dot_general3A_66 = arith.constant dense<0.000000e+00> : vector<128x200xf32>
    %dot_general3A_67 = tpu.matmul %get3A_62, %get3A_65, %dot_general3A_66 {dimension_numbers = #tpu.dot_dimension_numbers<[0], [0], [1], [1], [0, 1, 1, 1], [], []>, transpose_lhs_hint = false} : vector<13x128xf32>, vector<13x200xf32>, vector<128x200xf32> -> vector<128x200xf32>
    %add3A_68 = arith.addf %dot_general3A_59, %dot_general3A_67 : vector<128x200xf32>
    %get3A_69 = arith.constant 0 : index
    %get3A_70 = arith.constant 0 : index
    %get3A_71 = vector.load %arg5[%get3A_69, %get3A_70] : memref<1x200xf32, #tpu.memory_space<vmem>>, vector<1x200xf32>
    %add3A_72 = vector.broadcast %get3A_71 : vector<1x200xf32> to vector<128x200xf32>
    %add3A_73 = arith.addf %add3A_68, %add3A_72 : vector<128x200xf32>
    %swap3A_74 = arith.constant 256 : index
    %swap3A_75 = arith.constant 0 : index
    %swap3A_76 = vector.load %arg6[%swap3A_74, %swap3A_75] : memref<1024x200xf32, #tpu.memory_space<vmem>>, vector<128x200xf32>
    tpu.vector_store %arg6[%swap3A_74, %swap3A_75], %add3A_73 {strides = array<i32>} : memref<1024x200xf32, #tpu.memory_space<vmem>>, vector<128x200xf32>,
    %get3A_77 = arith.constant 0 : index
    %get3A_78 = arith.constant 3 : index
    %get3A_79 = arith.constant 0 : index
    %get3A_80 = vector.load %arg1[%get3A_77, %get3A_78, %get3A_79] : memref<256x8x128xf32, #tpu.memory_space<vmem>>, vector<256x1x128xf32>
    %get3A_81 = vector.shape_cast %get3A_80 : vector<256x1x128xf32> to vector<256x128xf32>
    %get3A_82 = arith.constant 0 : index
    %get3A_83 = arith.constant 0 : index
    %get3A_84 = vector.load %arg3[%get3A_82, %get3A_83] : memref<256x200xf32, #tpu.memory_space<vmem>>, vector<256x200xf32>
    %dot_general3A_85 = arith.constant dense<0.000000e+00> : vector<128x200xf32>
    %dot_general3A_86 = tpu.matmul %get3A_81, %get3A_84, %dot_general3A_85 {dimension_numbers = #tpu.dot_dimension_numbers<[0], [0], [1], [1], [0, 1, 1, 1], [], []>, transpose_lhs_hint = false} : vector<256x128xf32>, vector<256x200xf32>, vector<128x200xf32> -> vector<128x200xf32>
    %get3A_87 = arith.constant 0 : index
    %get3A_88 = arith.constant 384 : index
    %get3A_89 = vector.load %arg2[%get3A_87, %get3A_88] : memref<13x1024xf32, #tpu.memory_space<vmem>>, vector<13x128xf32>
    %get3A_90 = arith.constant 0 : index
    %get3A_91 = arith.constant 0 : index
    %get3A_92 = vector.load %arg4[%get3A_90, %get3A_91] : memref<13x200xf32, #tpu.memory_space<vmem>>, vector<13x200xf32>
    %dot_general3A_93 = arith.constant dense<0.000000e+00> : vector<128x200xf32>
    %dot_general3A_94 = tpu.matmul %get3A_89, %get3A_92, %dot_general3A_93 {dimension_numbers = #tpu.dot_dimension_numbers<[0], [0], [1], [1], [0, 1, 1, 1], [], []>, transpose_lhs_hint = false} : vector<13x128xf32>, vector<13x200xf32>, vector<128x200xf32> -> vector<128x200xf32>
    %add3A_95 = arith.addf %dot_general3A_86, %dot_general3A_94 : vector<128x200xf32>
    %get3A_96 = arith.constant 0 : index
    %get3A_97 = arith.constant 0 : index
    %get3A_98 = vector.load %arg5[%get3A_96, %get3A_97] : memref<1x200xf32, #tpu.memory_space<vmem>>, vector<1x200xf32>
    %add3A_99 = vector.broadcast %get3A_98 : vector<1x200xf32> to vector<128x200xf32>
    %add3A_100 = arith.addf %add3A_95, %add3A_99 : vector<128x200xf32>
    %swap3A_101 = arith.constant 384 : index
    %swap3A_102 = arith.constant 0 : index
    %swap3A_103 = vector.load %arg6[%swap3A_101, %swap3A_102] : memref<1024x200xf32, #tpu.memory_space<vmem>>, vector<128x200xf32>
    tpu.vector_store %arg6[%swap3A_101, %swap3A_102], %add3A_100 {strides = array<i32>} : memref<1024x200xf32, #tpu.memory_space<vmem>>, vector<128x200xf32>,
    %get3A_104 = arith.constant 0 : index
    %get3A_105 = arith.constant 4 : index
    %get3A_106 = arith.constant 0 : index
    %get3A_107 = vector.load %arg1[%get3A_104, %get3A_105, %get3A_106] : memref<256x8x128xf32, #tpu.memory_space<vmem>>, vector<256x1x128xf32>
    %get3A_108 = vector.shape_cast %get3A_107 : vector<256x1x128xf32> to vector<256x128xf32>
    %get3A_109 = arith.constant 0 : index
    %get3A_110 = arith.constant 0 : index
    %get3A_111 = vector.load %arg3[%get3A_109, %get3A_110] : memref<256x200xf32, #tpu.memory_space<vmem>>, vector<256x200xf32>
    %dot_general3A_112 = arith.constant dense<0.000000e+00> : vector<128x200xf32>
    %dot_general3A_113 = tpu.matmul %get3A_108, %get3A_111, %dot_general3A_112 {dimension_numbers = #tpu.dot_dimension_numbers<[0], [0], [1], [1], [0, 1, 1, 1], [], []>, transpose_lhs_hint = false} : vector<256x128xf32>, vector<256x200xf32>, vector<128x200xf32> -> vector<128x200xf32>
    %get3A_114 = arith.constant 0 : index
    %get3A_115 = arith.constant 512 : index
    %get3A_116 = vector.load %arg2[%get3A_114, %get3A_115] : memref<13x1024xf32, #tpu.memory_space<vmem>>, vector<13x128xf32>
    %get3A_117 = arith.constant 0 : index
    %get3A_118 = arith.constant 0 : index
    %get3A_119 = vector.load %arg4[%get3A_117, %get3A_118] : memref<13x200xf32, #tpu.memory_space<vmem>>, vector<13x200xf32>
    %dot_general3A_120 = arith.constant dense<0.000000e+00> : vector<128x200xf32>
    %dot_general3A_121 = tpu.matmul %get3A_116, %get3A_119, %dot_general3A_120 {dimension_numbers = #tpu.dot_dimension_numbers<[0], [0], [1], [1], [0, 1, 1, 1], [], []>, transpose_lhs_hint = false} : vector<13x128xf32>, vector<13x200xf32>, vector<128x200xf32> -> vector<128x200xf32>
    %add3A_122 = arith.addf %dot_general3A_113, %dot_general3A_121 : vector<128x200xf32>
    %get3A_123 = arith.constant 0 : index
    %get3A_124 = arith.constant 0 : index
    %get3A_125 = vector.load %arg5[%get3A_123, %get3A_124] : memref<1x200xf32, #tpu.memory_space<vmem>>, vector<1x200xf32>
    %add3A_126 = vector.broadcast %get3A_125 : vector<1x200xf32> to vector<128x200xf32>
    %add3A_127 = arith.addf %add3A_122, %add3A_126 : vector<128x200xf32>
    %swap3A_128 = arith.constant 512 : index
    %swap3A_129 = arith.constant 0 : index
    %swap3A_130 = vector.load %arg6[%swap3A_128, %swap3A_129] : memref<1024x200xf32, #tpu.memory_space<vmem>>, vector<128x200xf32>
    tpu.vector_store %arg6[%swap3A_128, %swap3A_129], %add3A_127 {strides = array<i32>} : memref<1024x200xf32, #tpu.memory_space<vmem>>, vector<128x200xf32>,
    %get3A_131 = arith.constant 0 : index
    %get3A_132 = arith.constant 5 : index
    %get3A_133 = arith.constant 0 : index
    %get3A_134 = vector.load %arg1[%get3A_131, %get3A_132, %get3A_133] : memref<256x8x128xf32, #tpu.memory_space<vmem>>, vector<256x1x128xf32>
    %get3A_135 = vector.shape_cast %get3A_134 : vector<256x1x128xf32> to vector<256x128xf32>
    %get3A_136 = arith.constant 0 : index
    %get3A_137 = arith.constant 0 : index
    %get3A_138 = vector.load %arg3[%get3A_136, %get3A_137] : memref<256x200xf32, #tpu.memory_space<vmem>>, vector<256x200xf32>
    %dot_general3A_139 = arith.constant dense<0.000000e+00> : vector<128x200xf32>
    %dot_general3A_140 = tpu.matmul %get3A_135, %get3A_138, %dot_general3A_139 {dimension_numbers = #tpu.dot_dimension_numbers<[0], [0], [1], [1], [0, 1, 1, 1], [], []>, transpose_lhs_hint = false} : vector<256x128xf32>, vector<256x200xf32>, vector<128x200xf32> -> vector<128x200xf32>
    %get3A_141 = arith.constant 0 : index
    %get3A_142 = arith.constant 640 : index
    %get3A_143 = vector.load %arg2[%get3A_141, %get3A_142] : memref<13x1024xf32, #tpu.memory_space<vmem>>, vector<13x128xf32>
    %get3A_144 = arith.constant 0 : index
    %get3A_145 = arith.constant 0 : index
    %get3A_146 = vector.load %arg4[%get3A_144, %get3A_145] : memref<13x200xf32, #tpu.memory_space<vmem>>, vector<13x200xf32>
    %dot_general3A_147 = arith.constant dense<0.000000e+00> : vector<128x200xf32>
    %dot_general3A_148 = tpu.matmul %get3A_143, %get3A_146, %dot_general3A_147 {dimension_numbers = #tpu.dot_dimension_numbers<[0], [0], [1], [1], [0, 1, 1, 1], [], []>, transpose_lhs_hint = false} : vector<13x128xf32>, vector<13x200xf32>, vector<128x200xf32> -> vector<128x200xf32>
    %add3A_149 = arith.addf %dot_general3A_140, %dot_general3A_148 : vector<128x200xf32>
    %get3A_150 = arith.constant 0 : index
    %get3A_151 = arith.constant 0 : index
    %get3A_152 = vector.load %arg5[%get3A_150, %get3A_151] : memref<1x200xf32, #tpu.memory_space<vmem>>, vector<1x200xf32>
    %add3A_153 = vector.broadcast %get3A_152 : vector<1x200xf32> to vector<128x200xf32>
    %add3A_154 = arith.addf %add3A_149, %add3A_153 : vector<128x200xf32>
    %swap3A_155 = arith.constant 640 : index
    %swap3A_156 = arith.constant 0 : index
    %swap3A_157 = vector.load %arg6[%swap3A_155, %swap3A_156] : memref<1024x200xf32, #tpu.memory_space<vmem>>, vector<128x200xf32>
    tpu.vector_store %arg6[%swap3A_155, %swap3A_156], %add3A_154 {strides = array<i32>} : memref<1024x200xf32, #tpu.memory_space<vmem>>, vector<128x200xf32>,
    %get3A_158 = arith.constant 0 : index
    %get3A_159 = arith.constant 6 : index
    %get3A_160 = arith.constant 0 : index
    %get3A_161 = vector.load %arg1[%get3A_158, %get3A_159, %get3A_160] : memref<256x8x128xf32, #tpu.memory_space<vmem>>, vector<256x1x128xf32>
    %get3A_162 = vector.shape_cast %get3A_161 : vector<256x1x128xf32> to vector<256x128xf32>
    %get3A_163 = arith.constant 0 : index
    %get3A_164 = arith.constant 0 : index
    %get3A_165 = vector.load %arg3[%get3A_163, %get3A_164] : memref<256x200xf32, #tpu.memory_space<vmem>>, vector<256x200xf32>
    %dot_general3A_166 = arith.constant dense<0.000000e+00> : vector<128x200xf32>
    %dot_general3A_167 = tpu.matmul %get3A_162, %get3A_165, %dot_general3A_166 {dimension_numbers = #tpu.dot_dimension_numbers<[0], [0], [1], [1], [0, 1, 1, 1], [], []>, transpose_lhs_hint = false} : vector<256x128xf32>, vector<256x200xf32>, vector<128x200xf32> -> vector<128x200xf32>
    %get3A_168 = arith.constant 0 : index
    %get3A_169 = arith.constant 768 : index
    %get3A_170 = vector.load %arg2[%get3A_168, %get3A_169] : memref<13x1024xf32, #tpu.memory_space<vmem>>, vector<13x128xf32>
    %get3A_171 = arith.constant 0 : index
    %get3A_172 = arith.constant 0 : index
    %get3A_173 = vector.load %arg4[%get3A_171, %get3A_172] : memref<13x200xf32, #tpu.memory_space<vmem>>, vector<13x200xf32>
    %dot_general3A_174 = arith.constant dense<0.000000e+00> : vector<128x200xf32>
    %dot_general3A_175 = tpu.matmul %get3A_170, %get3A_173, %dot_general3A_174 {dimension_numbers = #tpu.dot_dimension_numbers<[0], [0], [1], [1], [0, 1, 1, 1], [], []>, transpose_lhs_hint = false} : vector<13x128xf32>, vector<13x200xf32>, vector<128x200xf32> -> vector<128x200xf32>
    %add3A_176 = arith.addf %dot_general3A_167, %dot_general3A_175 : vector<128x200xf32>
    %get3A_177 = arith.constant 0 : index
    %get3A_178 = arith.constant 0 : index
    %get3A_179 = vector.load %arg5[%get3A_177, %get3A_178] : memref<1x200xf32, #tpu.memory_space<vmem>>, vector<1x200xf32>
    %add3A_180 = vector.broadcast %get3A_179 : vector<1x200xf32> to vector<128x200xf32>
    %add3A_181 = arith.addf %add3A_176, %add3A_180 : vector<128x200xf32>
    %swap3A_182 = arith.constant 768 : index
    %swap3A_183 = arith.constant 0 : index
    %swap3A_184 = vector.load %arg6[%swap3A_182, %swap3A_183] : memref<1024x200xf32, #tpu.memory_space<vmem>>, vector<128x200xf32>
    tpu.vector_store %arg6[%swap3A_182, %swap3A_183], %add3A_181 {strides = array<i32>} : memref<1024x200xf32, #tpu.memory_space<vmem>>, vector<128x200xf32>,
    %get3A_185 = arith.constant 0 : index
    %get3A_186 = arith.constant 7 : index
    %get3A_187 = arith.constant 0 : index
    %get3A_188 = vector.load %arg1[%get3A_185, %get3A_186, %get3A_187] : memref<256x8x128xf32, #tpu.memory_space<vmem>>, vector<256x1x128xf32>
    %get3A_189 = vector.shape_cast %get3A_188 : vector<256x1x128xf32> to vector<256x128xf32>
    %get3A_190 = arith.constant 0 : index
    %get3A_191 = arith.constant 0 : index
    %get3A_192 = vector.load %arg3[%get3A_190, %get3A_191] : memref<256x200xf32, #tpu.memory_space<vmem>>, vector<256x200xf32>
    %dot_general3A_193 = arith.constant dense<0.000000e+00> : vector<128x200xf32>
    %dot_general3A_194 = tpu.matmul %get3A_189, %get3A_192, %dot_general3A_193 {dimension_numbers = #tpu.dot_dimension_numbers<[0], [0], [1], [1], [0, 1, 1, 1], [], []>, transpose_lhs_hint = false} : vector<256x128xf32>, vector<256x200xf32>, vector<128x200xf32> -> vector<128x200xf32>
    %get3A_195 = arith.constant 0 : index
    %get3A_196 = arith.constant 896 : index
    %get3A_197 = vector.load %arg2[%get3A_195, %get3A_196] : memref<13x1024xf32, #tpu.memory_space<vmem>>, vector<13x128xf32>
    %get3A_198 = arith.constant 0 : index
    %get3A_199 = arith.constant 0 : index
    %get3A_200 = vector.load %arg4[%get3A_198, %get3A_199] : memref<13x200xf32, #tpu.memory_space<vmem>>, vector<13x200xf32>
    %dot_general3A_201 = arith.constant dense<0.000000e+00> : vector<128x200xf32>
    %dot_general3A_202 = tpu.matmul %get3A_197, %get3A_200, %dot_general3A_201 {dimension_numbers = #tpu.dot_dimension_numbers<[0], [0], [1], [1], [0, 1, 1, 1], [], []>, transpose_lhs_hint = false} : vector<13x128xf32>, vector<13x200xf32>, vector<128x200xf32> -> vector<128x200xf32>
    %add3A_203 = arith.addf %dot_general3A_194, %dot_general3A_202 : vector<128x200xf32>
    %get3A_204 = arith.constant 0 : index
    %get3A_205 = arith.constant 0 : index
    %get3A_206 = vector.load %arg5[%get3A_204, %get3A_205] : memref<1x200xf32, #tpu.memory_space<vmem>>, vector<1x200xf32>
    %add3A_207 = vector.broadcast %get3A_206 : vector<1x200xf32> to vector<128x200xf32>
    %add3A_208 = arith.addf %add3A_203, %add3A_207 : vector<128x200xf32>
    %swap3A_209 = arith.constant 896 : index
    %swap3A_210 = arith.constant 0 : index
    %swap3A_211 = vector.load %arg6[%swap3A_209, %swap3A_210] : memref<1024x200xf32, #tpu.memory_space<vmem>>, vector<128x200xf32>
    tpu.vector_store %arg6[%swap3A_209, %swap3A_210], %add3A_208 {strides = array<i32>} : memref<1024x200xf32, #tpu.memory_space<vmem>>, vector<128x200xf32>,
    return
  }
  func.func @transform_0(%arg0: i32) -> (i32, i32, i32) {
    %c0_i32 = arith.constant 0 : i32
    %c0_i32_0 = arith.constant 0 : i32
    %c0_i32_1 = arith.constant 0 : i32
    return %c0_i32, %arg0, %c0_i32_0 : i32, i32, i32
  }
  func.func @transform_1(%arg0: i32) -> (i32, i32) {
    %c0_i32 = arith.constant 0 : i32
    %c0_i32_0 = arith.constant 0 : i32
    return %c0_i32, %arg0 : i32, i32
  }
  func.func @transform_2(%arg0: i32) -> (i32, i32) {
    %c0_i32 = arith.constant 0 : i32
    %c0_i32_0 = arith.constant 0 : i32
    %c0_i32_1 = arith.constant 0 : i32
    return %c0_i32, %c0_i32_0 : i32, i32
  }
  func.func @transform_3(%arg0: i32) -> (i32, i32) {
    %c0_i32 = arith.constant 0 : i32
    %c0_i32_0 = arith.constant 0 : i32
    %c0_i32_1 = arith.constant 0 : i32
    return %c0_i32, %c0_i32_0 : i32, i32
  }
  func.func @transform_4(%arg0: i32) -> (i32, i32) {
    %c0_i32 = arith.constant 0 : i32
    %c0_i32_0 = arith.constant 0 : i32
    %c0_i32_1 = arith.constant 0 : i32
    return %c0_i32, %c0_i32_0 : i32, i32
  }
  func.func @transform_5(%arg0: i32) -> (i32, i32) {
    %c0_i32 = arith.constant 0 : i32
    %c0_i32_0 = arith.constant 0 : i32
    return %arg0, %c0_i32 : i32, i32
  }
}

module attributes {stable_mosaic.version = 14 : i64} {
  func.func @_mlp2_body(%arg0: i32, %arg1: memref<160x8x128xf32, #tpu.memory_space<vmem>>, %arg2: memref<1024x200xf32, #tpu.memory_space<vmem>>, %arg3: memref<160x200xf32, #tpu.memory_space<vmem>>, %arg4: memref<200x5xf32, #tpu.memory_space<vmem>>, %arg5: memref<1x5xf32, #tpu.memory_space<vmem>>, %arg6: memref<1024x5xf32, #tpu.memory_space<vmem>>) attributes {dimension_semantics = [#tpu.dimension_semantics<arbitrary>], iteration_bounds = array<i64: 16>, scalar_prefetch = 0 : i64, scratch_operands = 0 : i64, tpu.core_type = #tpu.core_type<tc>, window_params = [{transform_indices = @transform_0, window_bounds = array<i64: 160, 8, 128>}, {transform_indices = @transform_1, window_bounds = array<i64: 1024, 200>}, {pipeline_mode = #tpu.pipeline_mode<synchronous>, transform_indices = @transform_2, window_bounds = array<i64: 160, 200>}, {pipeline_mode = #tpu.pipeline_mode<synchronous>, transform_indices = @transform_3, window_bounds = array<i64: 200, 5>}, {pipeline_mode = #tpu.pipeline_mode<synchronous>, transform_indices = @transform_4, window_bounds = array<i64: 1, 5>}, {transform_indices = @transform_5, window_bounds = array<i64: 1024, 5>}]} {
    %get3A = arith.constant 0 : index
    %get3A_0 = arith.constant 0 : index
    %get3A_1 = vector.load %arg2[%get3A, %get3A_0] : memref<1024x200xf32, #tpu.memory_space<vmem>>, vector<128x200xf32>
    %get3A_2 = arith.constant 0 : index
    %get3A_3 = arith.constant 0 : index
    %get3A_4 = arith.constant 0 : index
    %get3A_5 = vector.load %arg1[%get3A_2, %get3A_3, %get3A_4] : memref<160x8x128xf32, #tpu.memory_space<vmem>>, vector<160x1x128xf32>
    %get3A_6 = vector.shape_cast %get3A_5 : vector<160x1x128xf32> to vector<160x128xf32>
    %get3A_7 = arith.constant 0 : index
    %get3A_8 = arith.constant 0 : index
    %get3A_9 = vector.load %arg3[%get3A_7, %get3A_8] : memref<160x200xf32, #tpu.memory_space<vmem>>, vector<160x200xf32>
    %dot_general3A = arith.constant dense<0.000000e+00> : vector<128x200xf32>
    %dot_general3A_10 = tpu.matmul %get3A_6, %get3A_9, %dot_general3A {dimension_numbers = #tpu.dot_dimension_numbers<[0], [0], [1], [1], [0, 1, 1, 1], [], []>, transpose_lhs_hint = false} : vector<160x128xf32>, vector<160x200xf32>, vector<128x200xf32> -> vector<128x200xf32>
    %add3A = arith.addf %get3A_1, %dot_general3A_10 : vector<128x200xf32>
    %max3A = arith.constant 0.000000e+00 : f32
    %max3A_11 = vector.broadcast %max3A : f32 to vector<128x200xf32>
    %max3A_12 = arith.maximumf %add3A, %max3A_11 : vector<128x200xf32>
    %get3A_13 = arith.constant 0 : index
    %get3A_14 = arith.constant 0 : index
    %get3A_15 = vector.load %arg4[%get3A_13, %get3A_14] : memref<200x5xf32, #tpu.memory_space<vmem>>, vector<200x5xf32>
    %dot_general3A_16 = arith.constant dense<0.000000e+00> : vector<128x5xf32>
    %dot_general3A_17 = tpu.matmul %max3A_12, %get3A_15, %dot_general3A_16 {dimension_numbers = #tpu.dot_dimension_numbers<[1], [0], [0], [1], [0, 0, 1, 1], [], []>, transpose_lhs_hint = false} : vector<128x200xf32>, vector<200x5xf32>, vector<128x5xf32> -> vector<128x5xf32>
    %get3A_18 = arith.constant 0 : index
    %get3A_19 = arith.constant 0 : index
    %get3A_20 = vector.load %arg5[%get3A_18, %get3A_19] : memref<1x5xf32, #tpu.memory_space<vmem>>, vector<1x5xf32>
    %add3A_21 = vector.broadcast %get3A_20 : vector<1x5xf32> to vector<128x5xf32>
    %add3A_22 = arith.addf %dot_general3A_17, %add3A_21 : vector<128x5xf32>
    %swap3A = arith.constant 0 : index
    %swap3A_23 = arith.constant 0 : index
    %swap3A_24 = vector.load %arg6[%swap3A, %swap3A_23] : memref<1024x5xf32, #tpu.memory_space<vmem>>, vector<128x5xf32>
    tpu.vector_store %arg6[%swap3A, %swap3A_23], %add3A_22 {strides = array<i32>} : memref<1024x5xf32, #tpu.memory_space<vmem>>, vector<128x5xf32>,
    %get3A_25 = arith.constant 128 : index
    %get3A_26 = arith.constant 0 : index
    %get3A_27 = vector.load %arg2[%get3A_25, %get3A_26] : memref<1024x200xf32, #tpu.memory_space<vmem>>, vector<128x200xf32>
    %get3A_28 = arith.constant 0 : index
    %get3A_29 = arith.constant 1 : index
    %get3A_30 = arith.constant 0 : index
    %get3A_31 = vector.load %arg1[%get3A_28, %get3A_29, %get3A_30] : memref<160x8x128xf32, #tpu.memory_space<vmem>>, vector<160x1x128xf32>
    %get3A_32 = vector.shape_cast %get3A_31 : vector<160x1x128xf32> to vector<160x128xf32>
    %get3A_33 = arith.constant 0 : index
    %get3A_34 = arith.constant 0 : index
    %get3A_35 = vector.load %arg3[%get3A_33, %get3A_34] : memref<160x200xf32, #tpu.memory_space<vmem>>, vector<160x200xf32>
    %dot_general3A_36 = arith.constant dense<0.000000e+00> : vector<128x200xf32>
    %dot_general3A_37 = tpu.matmul %get3A_32, %get3A_35, %dot_general3A_36 {dimension_numbers = #tpu.dot_dimension_numbers<[0], [0], [1], [1], [0, 1, 1, 1], [], []>, transpose_lhs_hint = false} : vector<160x128xf32>, vector<160x200xf32>, vector<128x200xf32> -> vector<128x200xf32>
    %add3A_38 = arith.addf %get3A_27, %dot_general3A_37 : vector<128x200xf32>
    %max3A_39 = arith.constant 0.000000e+00 : f32
    %max3A_40 = vector.broadcast %max3A_39 : f32 to vector<128x200xf32>
    %max3A_41 = arith.maximumf %add3A_38, %max3A_40 : vector<128x200xf32>
    %get3A_42 = arith.constant 0 : index
    %get3A_43 = arith.constant 0 : index
    %get3A_44 = vector.load %arg4[%get3A_42, %get3A_43] : memref<200x5xf32, #tpu.memory_space<vmem>>, vector<200x5xf32>
    %dot_general3A_45 = arith.constant dense<0.000000e+00> : vector<128x5xf32>
    %dot_general3A_46 = tpu.matmul %max3A_41, %get3A_44, %dot_general3A_45 {dimension_numbers = #tpu.dot_dimension_numbers<[1], [0], [0], [1], [0, 0, 1, 1], [], []>, transpose_lhs_hint = false} : vector<128x200xf32>, vector<200x5xf32>, vector<128x5xf32> -> vector<128x5xf32>
    %get3A_47 = arith.constant 0 : index
    %get3A_48 = arith.constant 0 : index
    %get3A_49 = vector.load %arg5[%get3A_47, %get3A_48] : memref<1x5xf32, #tpu.memory_space<vmem>>, vector<1x5xf32>
    %add3A_50 = vector.broadcast %get3A_49 : vector<1x5xf32> to vector<128x5xf32>
    %add3A_51 = arith.addf %dot_general3A_46, %add3A_50 : vector<128x5xf32>
    %swap3A_52 = arith.constant 128 : index
    %swap3A_53 = arith.constant 0 : index
    %swap3A_54 = vector.load %arg6[%swap3A_52, %swap3A_53] : memref<1024x5xf32, #tpu.memory_space<vmem>>, vector<128x5xf32>
    tpu.vector_store %arg6[%swap3A_52, %swap3A_53], %add3A_51 {strides = array<i32>} : memref<1024x5xf32, #tpu.memory_space<vmem>>, vector<128x5xf32>,
    %get3A_55 = arith.constant 256 : index
    %get3A_56 = arith.constant 0 : index
    %get3A_57 = vector.load %arg2[%get3A_55, %get3A_56] : memref<1024x200xf32, #tpu.memory_space<vmem>>, vector<128x200xf32>
    %get3A_58 = arith.constant 0 : index
    %get3A_59 = arith.constant 2 : index
    %get3A_60 = arith.constant 0 : index
    %get3A_61 = vector.load %arg1[%get3A_58, %get3A_59, %get3A_60] : memref<160x8x128xf32, #tpu.memory_space<vmem>>, vector<160x1x128xf32>
    %get3A_62 = vector.shape_cast %get3A_61 : vector<160x1x128xf32> to vector<160x128xf32>
    %get3A_63 = arith.constant 0 : index
    %get3A_64 = arith.constant 0 : index
    %get3A_65 = vector.load %arg3[%get3A_63, %get3A_64] : memref<160x200xf32, #tpu.memory_space<vmem>>, vector<160x200xf32>
    %dot_general3A_66 = arith.constant dense<0.000000e+00> : vector<128x200xf32>
    %dot_general3A_67 = tpu.matmul %get3A_62, %get3A_65, %dot_general3A_66 {dimension_numbers = #tpu.dot_dimension_numbers<[0], [0], [1], [1], [0, 1, 1, 1], [], []>, transpose_lhs_hint = false} : vector<160x128xf32>, vector<160x200xf32>, vector<128x200xf32> -> vector<128x200xf32>
    %add3A_68 = arith.addf %get3A_57, %dot_general3A_67 : vector<128x200xf32>
    %max3A_69 = arith.constant 0.000000e+00 : f32
    %max3A_70 = vector.broadcast %max3A_69 : f32 to vector<128x200xf32>
    %max3A_71 = arith.maximumf %add3A_68, %max3A_70 : vector<128x200xf32>
    %get3A_72 = arith.constant 0 : index
    %get3A_73 = arith.constant 0 : index
    %get3A_74 = vector.load %arg4[%get3A_72, %get3A_73] : memref<200x5xf32, #tpu.memory_space<vmem>>, vector<200x5xf32>
    %dot_general3A_75 = arith.constant dense<0.000000e+00> : vector<128x5xf32>
    %dot_general3A_76 = tpu.matmul %max3A_71, %get3A_74, %dot_general3A_75 {dimension_numbers = #tpu.dot_dimension_numbers<[1], [0], [0], [1], [0, 0, 1, 1], [], []>, transpose_lhs_hint = false} : vector<128x200xf32>, vector<200x5xf32>, vector<128x5xf32> -> vector<128x5xf32>
    %get3A_77 = arith.constant 0 : index
    %get3A_78 = arith.constant 0 : index
    %get3A_79 = vector.load %arg5[%get3A_77, %get3A_78] : memref<1x5xf32, #tpu.memory_space<vmem>>, vector<1x5xf32>
    %add3A_80 = vector.broadcast %get3A_79 : vector<1x5xf32> to vector<128x5xf32>
    %add3A_81 = arith.addf %dot_general3A_76, %add3A_80 : vector<128x5xf32>
    %swap3A_82 = arith.constant 256 : index
    %swap3A_83 = arith.constant 0 : index
    %swap3A_84 = vector.load %arg6[%swap3A_82, %swap3A_83] : memref<1024x5xf32, #tpu.memory_space<vmem>>, vector<128x5xf32>
    tpu.vector_store %arg6[%swap3A_82, %swap3A_83], %add3A_81 {strides = array<i32>} : memref<1024x5xf32, #tpu.memory_space<vmem>>, vector<128x5xf32>,
    %get3A_85 = arith.constant 384 : index
    %get3A_86 = arith.constant 0 : index
    %get3A_87 = vector.load %arg2[%get3A_85, %get3A_86] : memref<1024x200xf32, #tpu.memory_space<vmem>>, vector<128x200xf32>
    %get3A_88 = arith.constant 0 : index
    %get3A_89 = arith.constant 3 : index
    %get3A_90 = arith.constant 0 : index
    %get3A_91 = vector.load %arg1[%get3A_88, %get3A_89, %get3A_90] : memref<160x8x128xf32, #tpu.memory_space<vmem>>, vector<160x1x128xf32>
    %get3A_92 = vector.shape_cast %get3A_91 : vector<160x1x128xf32> to vector<160x128xf32>
    %get3A_93 = arith.constant 0 : index
    %get3A_94 = arith.constant 0 : index
    %get3A_95 = vector.load %arg3[%get3A_93, %get3A_94] : memref<160x200xf32, #tpu.memory_space<vmem>>, vector<160x200xf32>
    %dot_general3A_96 = arith.constant dense<0.000000e+00> : vector<128x200xf32>
    %dot_general3A_97 = tpu.matmul %get3A_92, %get3A_95, %dot_general3A_96 {dimension_numbers = #tpu.dot_dimension_numbers<[0], [0], [1], [1], [0, 1, 1, 1], [], []>, transpose_lhs_hint = false} : vector<160x128xf32>, vector<160x200xf32>, vector<128x200xf32> -> vector<128x200xf32>
    %add3A_98 = arith.addf %get3A_87, %dot_general3A_97 : vector<128x200xf32>
    %max3A_99 = arith.constant 0.000000e+00 : f32
    %max3A_100 = vector.broadcast %max3A_99 : f32 to vector<128x200xf32>
    %max3A_101 = arith.maximumf %add3A_98, %max3A_100 : vector<128x200xf32>
    %get3A_102 = arith.constant 0 : index
    %get3A_103 = arith.constant 0 : index
    %get3A_104 = vector.load %arg4[%get3A_102, %get3A_103] : memref<200x5xf32, #tpu.memory_space<vmem>>, vector<200x5xf32>
    %dot_general3A_105 = arith.constant dense<0.000000e+00> : vector<128x5xf32>
    %dot_general3A_106 = tpu.matmul %max3A_101, %get3A_104, %dot_general3A_105 {dimension_numbers = #tpu.dot_dimension_numbers<[1], [0], [0], [1], [0, 0, 1, 1], [], []>, transpose_lhs_hint = false} : vector<128x200xf32>, vector<200x5xf32>, vector<128x5xf32> -> vector<128x5xf32>
    %get3A_107 = arith.constant 0 : index
    %get3A_108 = arith.constant 0 : index
    %get3A_109 = vector.load %arg5[%get3A_107, %get3A_108] : memref<1x5xf32, #tpu.memory_space<vmem>>, vector<1x5xf32>
    %add3A_110 = vector.broadcast %get3A_109 : vector<1x5xf32> to vector<128x5xf32>
    %add3A_111 = arith.addf %dot_general3A_106, %add3A_110 : vector<128x5xf32>
    %swap3A_112 = arith.constant 384 : index
    %swap3A_113 = arith.constant 0 : index
    %swap3A_114 = vector.load %arg6[%swap3A_112, %swap3A_113] : memref<1024x5xf32, #tpu.memory_space<vmem>>, vector<128x5xf32>
    tpu.vector_store %arg6[%swap3A_112, %swap3A_113], %add3A_111 {strides = array<i32>} : memref<1024x5xf32, #tpu.memory_space<vmem>>, vector<128x5xf32>,
    %get3A_115 = arith.constant 512 : index
    %get3A_116 = arith.constant 0 : index
    %get3A_117 = vector.load %arg2[%get3A_115, %get3A_116] : memref<1024x200xf32, #tpu.memory_space<vmem>>, vector<128x200xf32>
    %get3A_118 = arith.constant 0 : index
    %get3A_119 = arith.constant 4 : index
    %get3A_120 = arith.constant 0 : index
    %get3A_121 = vector.load %arg1[%get3A_118, %get3A_119, %get3A_120] : memref<160x8x128xf32, #tpu.memory_space<vmem>>, vector<160x1x128xf32>
    %get3A_122 = vector.shape_cast %get3A_121 : vector<160x1x128xf32> to vector<160x128xf32>
    %get3A_123 = arith.constant 0 : index
    %get3A_124 = arith.constant 0 : index
    %get3A_125 = vector.load %arg3[%get3A_123, %get3A_124] : memref<160x200xf32, #tpu.memory_space<vmem>>, vector<160x200xf32>
    %dot_general3A_126 = arith.constant dense<0.000000e+00> : vector<128x200xf32>
    %dot_general3A_127 = tpu.matmul %get3A_122, %get3A_125, %dot_general3A_126 {dimension_numbers = #tpu.dot_dimension_numbers<[0], [0], [1], [1], [0, 1, 1, 1], [], []>, transpose_lhs_hint = false} : vector<160x128xf32>, vector<160x200xf32>, vector<128x200xf32> -> vector<128x200xf32>
    %add3A_128 = arith.addf %get3A_117, %dot_general3A_127 : vector<128x200xf32>
    %max3A_129 = arith.constant 0.000000e+00 : f32
    %max3A_130 = vector.broadcast %max3A_129 : f32 to vector<128x200xf32>
    %max3A_131 = arith.maximumf %add3A_128, %max3A_130 : vector<128x200xf32>
    %get3A_132 = arith.constant 0 : index
    %get3A_133 = arith.constant 0 : index
    %get3A_134 = vector.load %arg4[%get3A_132, %get3A_133] : memref<200x5xf32, #tpu.memory_space<vmem>>, vector<200x5xf32>
    %dot_general3A_135 = arith.constant dense<0.000000e+00> : vector<128x5xf32>
    %dot_general3A_136 = tpu.matmul %max3A_131, %get3A_134, %dot_general3A_135 {dimension_numbers = #tpu.dot_dimension_numbers<[1], [0], [0], [1], [0, 0, 1, 1], [], []>, transpose_lhs_hint = false} : vector<128x200xf32>, vector<200x5xf32>, vector<128x5xf32> -> vector<128x5xf32>
    %get3A_137 = arith.constant 0 : index
    %get3A_138 = arith.constant 0 : index
    %get3A_139 = vector.load %arg5[%get3A_137, %get3A_138] : memref<1x5xf32, #tpu.memory_space<vmem>>, vector<1x5xf32>
    %add3A_140 = vector.broadcast %get3A_139 : vector<1x5xf32> to vector<128x5xf32>
    %add3A_141 = arith.addf %dot_general3A_136, %add3A_140 : vector<128x5xf32>
    %swap3A_142 = arith.constant 512 : index
    %swap3A_143 = arith.constant 0 : index
    %swap3A_144 = vector.load %arg6[%swap3A_142, %swap3A_143] : memref<1024x5xf32, #tpu.memory_space<vmem>>, vector<128x5xf32>
    tpu.vector_store %arg6[%swap3A_142, %swap3A_143], %add3A_141 {strides = array<i32>} : memref<1024x5xf32, #tpu.memory_space<vmem>>, vector<128x5xf32>,
    %get3A_145 = arith.constant 640 : index
    %get3A_146 = arith.constant 0 : index
    %get3A_147 = vector.load %arg2[%get3A_145, %get3A_146] : memref<1024x200xf32, #tpu.memory_space<vmem>>, vector<128x200xf32>
    %get3A_148 = arith.constant 0 : index
    %get3A_149 = arith.constant 5 : index
    %get3A_150 = arith.constant 0 : index
    %get3A_151 = vector.load %arg1[%get3A_148, %get3A_149, %get3A_150] : memref<160x8x128xf32, #tpu.memory_space<vmem>>, vector<160x1x128xf32>
    %get3A_152 = vector.shape_cast %get3A_151 : vector<160x1x128xf32> to vector<160x128xf32>
    %get3A_153 = arith.constant 0 : index
    %get3A_154 = arith.constant 0 : index
    %get3A_155 = vector.load %arg3[%get3A_153, %get3A_154] : memref<160x200xf32, #tpu.memory_space<vmem>>, vector<160x200xf32>
    %dot_general3A_156 = arith.constant dense<0.000000e+00> : vector<128x200xf32>
    %dot_general3A_157 = tpu.matmul %get3A_152, %get3A_155, %dot_general3A_156 {dimension_numbers = #tpu.dot_dimension_numbers<[0], [0], [1], [1], [0, 1, 1, 1], [], []>, transpose_lhs_hint = false} : vector<160x128xf32>, vector<160x200xf32>, vector<128x200xf32> -> vector<128x200xf32>
    %add3A_158 = arith.addf %get3A_147, %dot_general3A_157 : vector<128x200xf32>
    %max3A_159 = arith.constant 0.000000e+00 : f32
    %max3A_160 = vector.broadcast %max3A_159 : f32 to vector<128x200xf32>
    %max3A_161 = arith.maximumf %add3A_158, %max3A_160 : vector<128x200xf32>
    %get3A_162 = arith.constant 0 : index
    %get3A_163 = arith.constant 0 : index
    %get3A_164 = vector.load %arg4[%get3A_162, %get3A_163] : memref<200x5xf32, #tpu.memory_space<vmem>>, vector<200x5xf32>
    %dot_general3A_165 = arith.constant dense<0.000000e+00> : vector<128x5xf32>
    %dot_general3A_166 = tpu.matmul %max3A_161, %get3A_164, %dot_general3A_165 {dimension_numbers = #tpu.dot_dimension_numbers<[1], [0], [0], [1], [0, 0, 1, 1], [], []>, transpose_lhs_hint = false} : vector<128x200xf32>, vector<200x5xf32>, vector<128x5xf32> -> vector<128x5xf32>
    %get3A_167 = arith.constant 0 : index
    %get3A_168 = arith.constant 0 : index
    %get3A_169 = vector.load %arg5[%get3A_167, %get3A_168] : memref<1x5xf32, #tpu.memory_space<vmem>>, vector<1x5xf32>
    %add3A_170 = vector.broadcast %get3A_169 : vector<1x5xf32> to vector<128x5xf32>
    %add3A_171 = arith.addf %dot_general3A_166, %add3A_170 : vector<128x5xf32>
    %swap3A_172 = arith.constant 640 : index
    %swap3A_173 = arith.constant 0 : index
    %swap3A_174 = vector.load %arg6[%swap3A_172, %swap3A_173] : memref<1024x5xf32, #tpu.memory_space<vmem>>, vector<128x5xf32>
    tpu.vector_store %arg6[%swap3A_172, %swap3A_173], %add3A_171 {strides = array<i32>} : memref<1024x5xf32, #tpu.memory_space<vmem>>, vector<128x5xf32>,
    %get3A_175 = arith.constant 768 : index
    %get3A_176 = arith.constant 0 : index
    %get3A_177 = vector.load %arg2[%get3A_175, %get3A_176] : memref<1024x200xf32, #tpu.memory_space<vmem>>, vector<128x200xf32>
    %get3A_178 = arith.constant 0 : index
    %get3A_179 = arith.constant 6 : index
    %get3A_180 = arith.constant 0 : index
    %get3A_181 = vector.load %arg1[%get3A_178, %get3A_179, %get3A_180] : memref<160x8x128xf32, #tpu.memory_space<vmem>>, vector<160x1x128xf32>
    %get3A_182 = vector.shape_cast %get3A_181 : vector<160x1x128xf32> to vector<160x128xf32>
    %get3A_183 = arith.constant 0 : index
    %get3A_184 = arith.constant 0 : index
    %get3A_185 = vector.load %arg3[%get3A_183, %get3A_184] : memref<160x200xf32, #tpu.memory_space<vmem>>, vector<160x200xf32>
    %dot_general3A_186 = arith.constant dense<0.000000e+00> : vector<128x200xf32>
    %dot_general3A_187 = tpu.matmul %get3A_182, %get3A_185, %dot_general3A_186 {dimension_numbers = #tpu.dot_dimension_numbers<[0], [0], [1], [1], [0, 1, 1, 1], [], []>, transpose_lhs_hint = false} : vector<160x128xf32>, vector<160x200xf32>, vector<128x200xf32> -> vector<128x200xf32>
    %add3A_188 = arith.addf %get3A_177, %dot_general3A_187 : vector<128x200xf32>
    %max3A_189 = arith.constant 0.000000e+00 : f32
    %max3A_190 = vector.broadcast %max3A_189 : f32 to vector<128x200xf32>
    %max3A_191 = arith.maximumf %add3A_188, %max3A_190 : vector<128x200xf32>
    %get3A_192 = arith.constant 0 : index
    %get3A_193 = arith.constant 0 : index
    %get3A_194 = vector.load %arg4[%get3A_192, %get3A_193] : memref<200x5xf32, #tpu.memory_space<vmem>>, vector<200x5xf32>
    %dot_general3A_195 = arith.constant dense<0.000000e+00> : vector<128x5xf32>
    %dot_general3A_196 = tpu.matmul %max3A_191, %get3A_194, %dot_general3A_195 {dimension_numbers = #tpu.dot_dimension_numbers<[1], [0], [0], [1], [0, 0, 1, 1], [], []>, transpose_lhs_hint = false} : vector<128x200xf32>, vector<200x5xf32>, vector<128x5xf32> -> vector<128x5xf32>
    %get3A_197 = arith.constant 0 : index
    %get3A_198 = arith.constant 0 : index
    %get3A_199 = vector.load %arg5[%get3A_197, %get3A_198] : memref<1x5xf32, #tpu.memory_space<vmem>>, vector<1x5xf32>
    %add3A_200 = vector.broadcast %get3A_199 : vector<1x5xf32> to vector<128x5xf32>
    %add3A_201 = arith.addf %dot_general3A_196, %add3A_200 : vector<128x5xf32>
    %swap3A_202 = arith.constant 768 : index
    %swap3A_203 = arith.constant 0 : index
    %swap3A_204 = vector.load %arg6[%swap3A_202, %swap3A_203] : memref<1024x5xf32, #tpu.memory_space<vmem>>, vector<128x5xf32>
    tpu.vector_store %arg6[%swap3A_202, %swap3A_203], %add3A_201 {strides = array<i32>} : memref<1024x5xf32, #tpu.memory_space<vmem>>, vector<128x5xf32>,
    %get3A_205 = arith.constant 896 : index
    %get3A_206 = arith.constant 0 : index
    %get3A_207 = vector.load %arg2[%get3A_205, %get3A_206] : memref<1024x200xf32, #tpu.memory_space<vmem>>, vector<128x200xf32>
    %get3A_208 = arith.constant 0 : index
    %get3A_209 = arith.constant 7 : index
    %get3A_210 = arith.constant 0 : index
    %get3A_211 = vector.load %arg1[%get3A_208, %get3A_209, %get3A_210] : memref<160x8x128xf32, #tpu.memory_space<vmem>>, vector<160x1x128xf32>
    %get3A_212 = vector.shape_cast %get3A_211 : vector<160x1x128xf32> to vector<160x128xf32>
    %get3A_213 = arith.constant 0 : index
    %get3A_214 = arith.constant 0 : index
    %get3A_215 = vector.load %arg3[%get3A_213, %get3A_214] : memref<160x200xf32, #tpu.memory_space<vmem>>, vector<160x200xf32>
    %dot_general3A_216 = arith.constant dense<0.000000e+00> : vector<128x200xf32>
    %dot_general3A_217 = tpu.matmul %get3A_212, %get3A_215, %dot_general3A_216 {dimension_numbers = #tpu.dot_dimension_numbers<[0], [0], [1], [1], [0, 1, 1, 1], [], []>, transpose_lhs_hint = false} : vector<160x128xf32>, vector<160x200xf32>, vector<128x200xf32> -> vector<128x200xf32>
    %add3A_218 = arith.addf %get3A_207, %dot_general3A_217 : vector<128x200xf32>
    %max3A_219 = arith.constant 0.000000e+00 : f32
    %max3A_220 = vector.broadcast %max3A_219 : f32 to vector<128x200xf32>
    %max3A_221 = arith.maximumf %add3A_218, %max3A_220 : vector<128x200xf32>
    %get3A_222 = arith.constant 0 : index
    %get3A_223 = arith.constant 0 : index
    %get3A_224 = vector.load %arg4[%get3A_222, %get3A_223] : memref<200x5xf32, #tpu.memory_space<vmem>>, vector<200x5xf32>
    %dot_general3A_225 = arith.constant dense<0.000000e+00> : vector<128x5xf32>
    %dot_general3A_226 = tpu.matmul %max3A_221, %get3A_224, %dot_general3A_225 {dimension_numbers = #tpu.dot_dimension_numbers<[1], [0], [0], [1], [0, 0, 1, 1], [], []>, transpose_lhs_hint = false} : vector<128x200xf32>, vector<200x5xf32>, vector<128x5xf32> -> vector<128x5xf32>
    %get3A_227 = arith.constant 0 : index
    %get3A_228 = arith.constant 0 : index
    %get3A_229 = vector.load %arg5[%get3A_227, %get3A_228] : memref<1x5xf32, #tpu.memory_space<vmem>>, vector<1x5xf32>
    %add3A_230 = vector.broadcast %get3A_229 : vector<1x5xf32> to vector<128x5xf32>
    %add3A_231 = arith.addf %dot_general3A_226, %add3A_230 : vector<128x5xf32>
    %swap3A_232 = arith.constant 896 : index
    %swap3A_233 = arith.constant 0 : index
    %swap3A_234 = vector.load %arg6[%swap3A_232, %swap3A_233] : memref<1024x5xf32, #tpu.memory_space<vmem>>, vector<128x5xf32>
    tpu.vector_store %arg6[%swap3A_232, %swap3A_233], %add3A_231 {strides = array<i32>} : memref<1024x5xf32, #tpu.memory_space<vmem>>, vector<128x5xf32>,
    return
  }
  func.func @transform_0(%arg0: i32) -> (i32, i32, i32) {
    %c0_i32 = arith.constant 0 : i32
    %c0_i32_0 = arith.constant 0 : i32
    %c0_i32_1 = arith.constant 0 : i32
    return %c0_i32, %arg0, %c0_i32_0 : i32, i32, i32
  }
  func.func @transform_1(%arg0: i32) -> (i32, i32) {
    %c0_i32 = arith.constant 0 : i32
    %c0_i32_0 = arith.constant 0 : i32
    return %arg0, %c0_i32 : i32, i32
  }
  func.func @transform_2(%arg0: i32) -> (i32, i32) {
    %c0_i32 = arith.constant 0 : i32
    %c0_i32_0 = arith.constant 0 : i32
    %c0_i32_1 = arith.constant 0 : i32
    return %c0_i32, %c0_i32_0 : i32, i32
  }
  func.func @transform_3(%arg0: i32) -> (i32, i32) {
    %c0_i32 = arith.constant 0 : i32
    %c0_i32_0 = arith.constant 0 : i32
    %c0_i32_1 = arith.constant 0 : i32
    return %c0_i32, %c0_i32_0 : i32, i32
  }
  func.func @transform_4(%arg0: i32) -> (i32, i32) {
    %c0_i32 = arith.constant 0 : i32
    %c0_i32_0 = arith.constant 0 : i32
    %c0_i32_1 = arith.constant 0 : i32
    return %c0_i32, %c0_i32_0 : i32, i32
  }
  func.func @transform_5(%arg0: i32) -> (i32, i32) {
    %c0_i32 = arith.constant 0 : i32
    %c0_i32_0 = arith.constant 0 : i32
    return %arg0, %c0_i32 : i32, i32
  }
}

</mosaic_0001>

<sc_bundles>
// kernel: kernel.6.cloned.1.call-start
scs
__scs_entry_jumppad:
0x0: {  	(pc) =	sbr.rel $0x88, $3  }
0x1: {  	(tag) =	ssettag $0x0;
	lr =	simm.s32 $0x1  }
0x2: {  	[smem:$0x3F92] =	sst lr;
	_ =	strace $0xD0000000  }
0x3: {  	_ = 	snop  }
0x4: {  	_ = 	snop  }
0x5: {  	_ = 	snop  }
0x6: {  	_ = 	snop  }
0x7: {  	_ = 	snop  }
__scs_overlays_trampoline_lowered:
0x8: {  	[smem:$0x3FA1] =	sst s0  }
0x9: {  	[smem:$0x3FA2] =	sst s1  }
0xa: {  	[smem:$0x3FA3] =	sst s2  }
0xb: {  	[smem:$0x3FA4] =	sst s3  }
0xc: {  	[smem:$0x3FA5] =	sst s4  }
0xd: {  	[smem:$0x3FA6] =	sst s5  }
0xe: {  	[smem:$0x3FA7] =	sst s6  }
0xf: {  	[smem:$0x3FA8] =	sst s7  }
0x10: {  	[smem:$0x3FA9] =	sst s8  }
0x11: {  	[smem:$0x3FAA] =	sst s9;
	s0 =	simm.s32 @!p0 $0x0  }
0x12: {  	s1 =	sld [smem:$0x3F90];
	s0 =	simm.s32 @p0 $0x1  }
0x13: {  	[smem:$0x3FAB] =	sst s0;
	s0 =	simm.s32 @!p1 $0x0  }
0x14: {  	s2 =	sld [smem:$0x3F8F];
	s0 =	simm.s32 @p1 $0x1  }
0x15: {  	[smem:$0x3FAC] =	sst s0;
	s0 =	simm.s32 @!p2 $0x0  }
0x16: {  	s3 =	sld [smem:$0x3FDB];
	s0 =	simm.s32 @p2 $0x1  }
0x17: {  	s4 =	simm.s32 $0x1BF5;
	[smem:$0x3FAE] =	sst s0  }
0x18: {  	s0 =	sld [smem:$0x3F91];
	_ =	swait.ge [sflag:s4], $0x0  }
0x19: {  	s7 =	sld [smem:$0x3F92]  }
0x1a: {  	s8 =	sadd.s32 $0xFFFFE003, lr  }
0x1b: {  	s9 =	sadd.s32 $0xFFFFFEF7, lr;
	s5 =	simm.s32 $0xFFFFFFFF;
	p2 =	slt.u32 s8, $0xFFFFF086  }
0x1c: {  	p1 =	slt.u32 s9, $0xF7A;
	s5 =	simm.s32 @!p2 $0x0  }
0x1d: {  	s5 =	simm.s32 @p1 $0x1;
	p0 =	seq.s32 s7, s2  }
0x1e: {  	s7 =	smul.u32 @!p0 $0xF7A, s2;
	p2 =	seq.s32 @!p0 s5, $0x0  }
0x1f: {  	s9 =	smul.u32 $0xF7A, s1;
	s8 =	simm.s32 @!p0 $0x1BF5;
	p2 =	por !p2, p0  }
0x20: {  	[sflag:s8] =	ssyncset.s32 @!p0 $0xFFFFF086;
	s6 =	sadd.s32 @!p0 s3, s7;
	s7 =	simm.s32 @!p0 $0x108  }
0x21: {  	s3 =	sadd.s32 s3, s9;
	s6 =	sadd.s32 @!p0 $0x88, s6;
	s7 =	simm.s32 @p2 $0x1082  }
0x22: {  	[simem:s7], [sflag:s8] =	dma.local @!p0 [hbm:s6], $0xF7A  }
0x23: {  	s9 =	sor.u32 $0xD0000000, s2;
	s6 =	simm.s32 $0x108;
	_ =	swait.ge @!p0 [sflag:s8], $0x0  }
0x24: {  	s3 =	sadd.s32 $0x88, s3;
	s6 =	simm.s32 @!p1 $0x1082;
	[sflag:s4] =	ssyncset.s32 $0xFFFFF086  }
0x25: {  	[simem:s6], [sflag:s4] =	dma.local [hbm:s3], $0xF7A  }
0x26: {  	[smem:$0x3F92] =	sst s1;
	(tag) =	ssettag s2;
	_ =	strace s9  }
0x27: {  	s1 =	sld [smem:$0x3FA2]  }
0x28: {  	s2 =	sld [smem:$0x3FA3]  }
0x29: {  	s4 =	sld [smem:$0x3FA5]  }
0x2a: {  	p0 =	seq.s32 s5, $0x0;
	s5 =	sld [smem:$0x3FA6]  }
0x2b: {  	s6 =	sld [smem:$0x3FA7]  }
0x2c: {  	s7 =	sld [smem:$0x3FA8]  }
0x2d: {  	s3 =	simm.s32 $0x108;
	s8 =	sld [smem:$0x3FA9]  }
0x2e: {  	s3 =	simm.s32 @!p0 $0x1082;
	s9 =	sld [smem:$0x3FAA]  }
0x2f: {  	lr =	sadd.s32 s0, s3;
	s0 =	sld [smem:$0x3FA1]  }
0x30: {  	s3 =	sld [smem:$0x3FA4]  }
0x31: {  	[smem:$0x3FAD] =	sst s10  }
0x32: {  	s10 =	sld [smem:$0x3FAB];
	_ =	sdelay $0x3  }
0x33: {  	p0 =	seq.s32 s10, $0x1;
	s10 =	sld [smem:$0x3FAD];
	_ =	sdelay $0x3  }
0x34: {  	[smem:$0x3FAD] =	sst s10  }
0x35: {  	s10 =	sld [smem:$0x3FAC];
	_ =	sdelay $0x3  }
0x36: {  	p1 =	seq.s32 s10, $0x1;
	s10 =	sld [smem:$0x3FAD];
	_ =	sdelay $0x3  }
0x37: {  	[smem:$0x3FAD] =	sst s10  }
0x38: {  	s10 =	sld [smem:$0x3FAE]  }
0x39: {  	_ = 	snop;
	(pc) =	sbr.ind lr, $3  }
0x3a: {  	_ = 	snop  }
0x3b: {  	_ = 	snop  }
0x3c: {  	p2 =	seq.s32 s10, $0x1;
	s10 =	sld [smem:$0x3FAD]  }
0x3d: {  	_ =	shalt  }
0x3e: {  	_ =	shalt  }
0x3f: {  	_ =	shalt  }
0x40: {  	_ =	shalt  }
0x41: {  	_ =	shalt  }
0x42: {  	_ =	shalt  }
0x43: {  	_ =	shalt  }
0x44: {  	_ =	shalt  }
0x45: {  	_ =	shalt  }
0x46: {  	_ =	shalt  }
0x47: {  	_ =	shalt  }
0x48: {  	_ =	shalt  }
0x49: {  	_ =	shalt  }
0x4a: {  	_ =	shalt  }
0x4b: {  	_ =	shalt  }
0x4c: {  	_ =	shalt  }
0x4d: {  	_ =	shalt  }
0x4e: {  	_ =	shalt  }
0x4f: {  	_ =	shalt  }
0x50: {  	_ =	shalt  }
0x51: {  	_ =	shalt  }
0x52: {  	_ =	shalt  }
0x53: {  	_ =	shalt  }
0x54: {  	_ =	shalt  }
0x55: {  	_ =	shalt  }
0x56: {  	_ =	shalt  }
0x57: {  	_ =	shalt  }
0x58: {  	_ =	shalt  }
0x59: {  	_ =	shalt  }
0x5a: {  	_ =	shalt  }
0x5b: {  	_ =	shalt  }
0x5c: {  	_ =	shalt  }
0x5d: {  	_ =	shalt  }
0x5e: {  	_ =	shalt  }
0x5f: {  	_ =	shalt  }
0x60: {  	_ =	shalt  }
0x61: {  	_ =	shalt  }
0x62: {  	_ =	shalt  }
0x63: {  	_ =	shalt  }
0x64: {  	_ =	shalt  }
0x65: {  	_ =	shalt  }
0x66: {  	_ =	shalt  }
0x67: {  	_ =	shalt  }
0x68: {  	_ =	shalt  }
0x69: {  	_ =	shalt  }
0x6a: {  	_ =	shalt  }
0x6b: {  	_ =	shalt  }
0x6c: {  	_ =	shalt  }
0x6d: {  	_ =	shalt  }
0x6e: {  	_ =	shalt  }
0x6f: {  	_ =	shalt  }
0x70: {  	_ =	shalt  }
0x71: {  	_ =	shalt  }
0x72: {  	_ =	shalt  }
0x73: {  	_ =	shalt  }
0x74: {  	_ =	shalt  }
0x75: {  	_ =	shalt  }
0x76: {  	_ =	shalt  }
0x77: {  	_ =	shalt  }
0x78: {  	_ =	shalt  }
0x79: {  	_ =	shalt  }
0x7a: {  	_ =	shalt  }
0x7b: {  	_ =	shalt  }
0x7c: {  	_ =	shalt  }
0x7d: {  	_ =	shalt  }
0x7e: {  	_ =	shalt  }
0x7f: {  	_ =	shalt  }
0x80: {  	_ =	shalt  }
0x81: {  	_ =	shalt  }
0x82: {  	_ =	shalt  }
0x83: {  	_ =	shalt  }
0x84: {  	_ =	shalt  }
0x85: {  	_ =	shalt  }
0x86: {  	_ =	shalt  }
0x87: {  	_ =	shalt  }
.Lfunc_end0:
.L_simem_size_0:
called_computation_lowered:
.L_overlay_start_0:
0x88: {  	s2 =	sld [smem:$0x3FD9]  }
0x89: {  	s3 =	sld [smem:$0x3FFE];
	_ =	sdelay $0x1  }
0x8a: {  	s1 =	srdreg.scid  }
0x8b: {  	s0 =	sand.u32 $0x1, s1  }
0x8c: {  	s17 =	sshll.u32 s0, $0xA;
	s2 =	sadd.s32 s3, s2  }
0x8d: {  	s2 =	sadd.s32 s2, s17  }
0x8e: {  	[smem:$0x3FB9] =	sst s2  }
0x8f: {  	_ = 	snop  }
0x90: {  	s2 =	sld [smem:$0x3FC9]  }
0x91: {  	s18 =	sld [smem:$0x3FC7];
	(tm) =	ssettm $0x1  }
0x92: {  	s4 =	sld [smem:$0x3FFB];
	_ =	sdelay $0x3  }
0x93: {  	_ =	strace s4  }
0x94: {  	s4 =	sld [smem:$0x3FFC];
	_ =	sdelay $0x3  }
0x95: {  	_ =	strace s4  }
0x96: {  	s4 =	sld [smem:$0x3FFD];
	_ =	sdelay $0x3  }
0x97: {  	_ =	strace s4  }
0x98: {  	_ =	strace $0x8FFFFFFF  }
0x99: {  	s19 =	sld [smem:$0x3FDB];
	_ =	sdelay $0x1  }
0x9a: {  	s5 =	simm.s32 $_scs_section_size  }
0x9b: {  	s6 =	simm.s32 $_size__tile_overlayer_lowered;
	s7 =	simm.s32 $_tile_overlayer_lowered  }
0x9c: {  	s22 =	simm.s32 $0x1BFF;
	s21 =	sshll.u32 s7, $0x1;
	s4 =	sadd.s32 s5, s19  }
0x9d: {  	s8 =	simm.s32 $0x0;
	s20 =	sshll.u32 s6, $0x1;
	s6 =	sadd.s32 s21, s4  }
0x9e: {  	[timem:s8], [sflag:s22] =	dma.local [hbm:s6], s20  }
0x9f: {  	_ =	swait.ge [sflag:s22], s20  }
0xa0: {  	s5 =	ssub.s32 $0x0, s20;
	[sflag:s22] =	ssyncset.done $0x0  }
0xa1: {  	[sflag:s22] =	ssyncadd.s32 s5;
	_ =	sdelay $0x1  }
0xa2: {  	s23 =	simm.s32 $0x1B8B  }
0xa3: {  	_ =	swait.ge [sflag:s23], $0x1  }
0xa4: {  	[sflag:s23] =	ssyncset.done $0x0  }
0xa5: {  	s25 =	simm.s32 $0x1B8E;
	s24 =	sld [smem:$0x3FFE];
	[sflag:s23] =	ssyncadd.s32 $0xFFFFFFFF  }
0xa6: {  	s26 =	simm.s32 $execute0_lowered;
	[smem:$0x3FD2] =	sst s25  }
0xa7: {  	s6 =	sshll.u32 s26, $0x1;
	_ =	strace $0x80000046;
	[dreg:$0x1] =	wrdreg $0xFFFFFFFF  }
0xa8: {  	s28 =	simm.s32 $_size_execute0_lowered;
	s4 =	sadd.s32 s4, s6;
	[dreg:$0x0] =	wrdreg $0x0  }
0xa9: {  	s6 =	sshll.u32 s28, $0x1;
	[dreg:$0x2] =	wrdreg s4  }
0xaa: {  	[dreg:$0x3] =	wrdreg s6  }
0xab: {  	[dreg:$0x4] =	wrdreg $0xC0  }
0xac: {  	_ =	task [dreg:s8], $0x5FFFF  }
0xad: {  	[dreg:$0x1] =	wrdreg $0xFFFFFFFF  }
0xae: {  	[dreg:$0x0] =	wrdreg $0x60  }
0xaf: {  	[dreg:$0x2] =	wrdreg s18  }
0xb0: {  	[dreg:$0x3] =	wrdreg s2  }
0xb1: {  	[dreg:$0x4] =	wrdreg s24  }
0xb2: {  	[dreg:$0x5] =	wrdreg $0x9  }
0xb3: {  	_ =	task.clear_ibuf [dreg:s8], $0x6FFFF;
	_ =	strace $0x90000046  }
0xb4: {  	s29 =	simm.s32 $0x9;
	_ =	strace $0x80000048  }
0xb5: {  	_ =	swait.ge [sflag:s29], $0x1  }
0xb6: {  	[sflag:s29] =	ssyncadd.s32 $0xFFFFFFFF  }
0xb7: {  	_ =	strace $0x90000048  }
0xb8: {  	_ =	sfence  }
0xb9: {  	s30 =	sld [smem:$0x0];
	_ =	sdelay $0x2  }
0xba: {  	s31 =	sshll.u32 s1, $0xD;
	s1 =	sshrl.u32 s1, $0x2  }
0xbb: {  	s3 =	sand.u32 $0x4000, s31;
	s1 =	sadd.s32 s1, s30  }
0xbc: {  	s0 =	sor.u32 s3, s0;
	s1 =	sshll.u32 s1, $0x11  }
0xbd: {  	s0 =	sor.u32 s1, s0  }
0xbe: {  	s0 =	sadd.s32 $0x8F2B, s0  }
0xbf: {  	[sflag:s0] =	ssyncadd.remote.s32 $0x1  }
0xc0: {  	_ =	sfence.sel $0xFFFF  }
0xc1: {  	[dreg:$0x0] =	wrdreg $0xFFFFFFFF;
	(pc) =	sbr.abs _section_cstart, $3  }
0xc2: {  	[dreg:$0x1] =	wrdreg $0xFFFFFFFF  }
0xc3: {  	_ =	task.clear_ibuf [dreg:s8], $0x2FFFF;
	_ =	strace $0x9FFFFFFF  }
0xc4: {  	(tm) =	ssettm $0x7FFFFFFF  }
0xc5: {  	_ =	shalt  }
tec
execute0_lowered:
.L_overlay_start_1:
0x0: {  	(tag) =	ssettag $0x1  }
0x1: {  	s1 =	rddreg [dreg:$0x0]  }
0x2: {  	s6 =	rddreg [dreg:$0x1]  }
0x3: {  	s10 =	rddreg [dreg:$0x2]  }
0x4: {  	s3 =	srdreg.scid;
	s0 =	rddreg [dreg:$0x3];
	s2 =	simm.s32 $0x0  }
0x5: {  	s12 =	simm.s32 $0x80;
	s13 =	simm.s32 $0x400;
	s14 =	simm.s32 $0x18700  }
0x6: {  	s15 =	simm.s32 $0x2;
	s16 =	simm.s32 $0x1;
	s17 =	simm.s32 $0x1C700  }
0x7: {  	s18 =	simm.s32 $0x1D700;
	s19 =	simm.s32 $0x3;
	s20 =	simm.s32 $0x0  }
0x8: {  	s5 =	sand.u32 $0x1, s3;
	[smem:$0x7FF] =	sst s2;
	s3 =	stileid.u32  }
0x9: {  	s4 =	sadd.s32 $0x3000, s10;
	s7 =	ssub.s32 $0x2, s5;
	_ =	strace $0x80000047  }
0xa: {  	s29 =	sshll.u32 s3, $0x4;
	s5 =	sshll.u32 s5, $0x3;
	s30 =	sshll.u32 s3, $0xB  }
0xb: {  	s8 =	sshrl.u32 s7, $0x1;
	s9 =	sand.u32 $0x70, s29;
	s5 =	sor.u32 s5, s29  }
0xc: {  	s31 =	sand.u32 $0x4000, s30;
	s11 =	ssub.s32 s7, s8;
	s6 =	sadd.s32 s6, s9  }
0xd: {  	s7 =	smul.u32 $0x187000, s3;
	s8 =	sadd.s32 $0x3200, s10;
	s9 =	sadd.s32 $0x3400, s10  }
0xe: {  	s10 =	sadd.s32 $0x3600, s10;
	s6 =	sadd.s32 s31, s6;
	s11 =	smax.u32 s11, $0x1  }
.LBB2_1:
0xf: {  	s21 =	simm.s32 $0x0  }
.LBB2_2:
0x10: {  	s22 =	sadd.s32 s5, s21  }
0x11: {  	p0 =	seq.s32 s21, $0x0;
	s23 =	sand.u32 $0xF, s22  }
0x12: {  	p1 =	sne.s32 @!p0 s23, $0x0;
	s24 =	sshrl.u32 s23, $0x3  }
0x13: {  	s23 =	sshll.u32 s23, $0x7;
	p0 =	por p0, !p1;
	s24 =	smul.u32 $0xC3800, s24  }
0x14: {  	[tilespmem:s14], [sflag:$0x2] =	stream.strided.gather @p0 [hbm4b:s6+s12], $0x4000, s13, s12, $0x38;
	[tilespmem:$0x1E700] =	vst v63  }
0x15: {  	s23 =	sand.u32 $0x380, s23;
	s24 =	sadd.s32 s7, s24  }
0x16: {  	_ =	swait.ge @p0 [sflag:s15], $0x4000;
	s23 =	sor.u32 s23, s24  }
0x17: {  	[sflag:s15] =	ssyncset.done @p0 $0x0;
	s23 =	sshrl.u32 s23, $0x3  }
0x18: {  	s31 =	simm.s32 $0x0;
	[sflag:s15] =	ssyncadd.s32 @p0 $0xFFFFC000;
	s23 =	sadd.s32 s1, s23  }
0x19: {  	[tilespmem:s31], [sflag:$0x1] =	stream.strided.gather [hbm4b:s23+s12], $0x18700, s13, s12, $0x38;
	[tilespmem:$0x1E700] =	vst v63  }
0x1a: {  	_ =	swait.ge [sflag:s16], $0x18700  }
0x1b: {  	[sflag:s16] =	ssyncset.done $0x0  }
0x1c: {  	s23 =	simm.s32 $0x0;
	[sflag:s16] =	ssyncadd.s32 $0xFFFE7900  }
0x1d: {  	v0 =	vld [tilespmem:s23+$0x18700];
	_ =	sdelay $0x5  }
0x1e: {  	v1 =	vld [tilespmem:s23+$0x18710];
	_ =	sdelay $0x1  }
0x1f: {  	v0 =	vld.idx.msk [tilespmem:v0+s2+$0x0], $0xffff;
	_ =	sdelay $0x4  }
0x20: {  	[tilespmem:s23+$0x1C700] =	vst v0;
	v0 =	vld [tilespmem:s23+$0x18720]  }
0x21: {  	v1 =	vld.idx.msk [tilespmem:v1+s2+$0x0], $0xffff;
	_ =	sdelay $0x4  }
0x22: {  	[tilespmem:s23+$0x1C710] =	vst v1;
	v1 =	vld [tilespmem:s23+$0x18730];
	_ =	sdelay $0x1  }
0x23: {  	v0 =	vld.idx.msk [tilespmem:v0+s2+$0x0], $0xffff;
	_ =	sdelay $0x4  }
0x24: {  	[tilespmem:s23+$0x1C720] =	vst v0;
	v0 =	vld [tilespmem:s23+$0x18740]  }
0x25: {  	v1 =	vld.idx.msk [tilespmem:v1+s2+$0x0], $0xffff;
	_ =	sdelay $0x4  }
0x26: {  	[tilespmem:s23+$0x1C730] =	vst v1;
	v1 =	vld [tilespmem:s23+$0x18750];
	_ =	sdelay $0x1  }
0x27: {  	v0 =	vld.idx.msk [tilespmem:v0+s2+$0x0], $0xffff;
	_ =	sdelay $0x4  }
0x28: {  	v2 =	vld [tilespmem:s23+$0x18760];
	[tilespmem:s23+$0x1C740] =	vst v0  }
0x29: {  	v0 =	vld.idx.msk [tilespmem:v1+s2+$0x0], $0xffff;
	_ =	sdelay $0x4  }
0x2a: {  	[tilespmem:s23+$0x1C750] =	vst v0;
	v0 =	vld [tilespmem:s23+$0x18770];
	_ =	sdelay $0x1  }
0x2b: {  	v1 =	vld.idx.msk [tilespmem:v2+s2+$0x0], $0xffff;
	_ =	sdelay $0x3  }
0x2c: {  	s25 =	simm.s32 $0x80;
	s24 =	simm.s32 $0x400  }
.LBB2_3:
0x2d: {  	p0 =	sne.s32 s24, $0x3E00;
	v2 =	vld [tilespmem:s25+$0x18700];
	[tilespmem:s23+$0x1C760] =	vst v1  }
0x2e: {  	v0 =	vld.idx.msk [tilespmem:v0+s2+$0x0], $0xffff;
	_ =	sdelay $0x5  }
0x2f: {  	v1 =	vld [tilespmem:s25+$0x18710];
	[tilespmem:s23+$0x1C770] =	vst v0;
	s23 =	smov.u32 s25  }
0x30: {  	v0 =	vld.idx.msk [tilespmem:v2+s2+$0x0], $0xffff;
	_ =	sdelay $0x5  }
0x31: {  	[tilespmem:s23+$0x1C700] =	vst v0;
	v0 =	vld [tilespmem:s23+$0x18720]  }
0x32: {  	v1 =	vld.idx.msk [tilespmem:v1+s2+$0x0], $0xffff;
	_ =	sdelay $0x5  }
0x33: {  	[tilespmem:s23+$0x1C710] =	vst v1;
	v1 =	vld [tilespmem:s23+$0x18730]  }
0x34: {  	v0 =	vld.idx.msk [tilespmem:v0+s2+$0x0], $0xffff;
	_ =	sdelay $0x5  }
0x35: {  	[tilespmem:s23+$0x1C720] =	vst v0;
	v0 =	vld [tilespmem:s23+$0x18740]  }
0x36: {  	v1 =	vld.idx.msk [tilespmem:v1+s2+$0x0], $0xffff;
	_ =	sdelay $0x5  }
0x37: {  	[tilespmem:s23+$0x1C730] =	vst v1;
	v1 =	vld [tilespmem:s23+$0x18750]  }
0x38: {  	v0 =	vld.idx.msk [tilespmem:v0+s2+$0x0], $0xffff;
	_ =	sdelay $0x5  }
0x39: {  	[tilespmem:s23+$0x1C740] =	vst v0;
	v2 =	vld [tilespmem:s23+$0x18760]  }
0x3a: {  	v0 =	vld.idx.msk [tilespmem:v1+s2+$0x0], $0xffff;
	_ =	sdelay $0x5  }
0x3b: {  	[tilespmem:s23+$0x1C750] =	vst v0;
	v0 =	vld [tilespmem:s23+$0x18770]  }
0x3c: {  	v1 =	vld.idx.msk [tilespmem:v2+s2+$0x0], $0xffff  }
.Ltmp0:
0x3d: {  	(pc) =	sbr.rel @p0 .LBB2_3-.Ltmp0, $2  }
0x3e: {  	_ =	sdelay $0x2  }
0x3f: {  	s25 =	sshra.s32 s24, $0x2;
	s24 =	sadd.s32 $0x200, s24  }
0x40: {  	_ =	sdelay $0x1  }
0x41: {  	v2 =	vld [tilespmem:s25+$0x18700]  }
0x42: {  	[tilespmem:s23+$0x1C760] =	vst v1  }
0x43: {  	v0 =	vld.idx.msk [tilespmem:v0+s2+$0x0], $0xffff;
	_ =	sdelay $0x3  }
0x44: {  	v1 =	vld [tilespmem:s25+$0x18710]  }
0x45: {  	[tilespmem:s23+$0x1C770] =	vst v0  }
0x46: {  	v0 =	vld.idx.msk [tilespmem:v2+s2+$0x0], $0xffff;
	_ =	sdelay $0x4  }
0x47: {  	[tilespmem:s25+$0x1C700] =	vst v0;
	v0 =	vld [tilespmem:s25+$0x18720]  }
0x48: {  	v1 =	vld.idx.msk [tilespmem:v1+s2+$0x0], $0xffff;
	_ =	sdelay $0x4  }
0x49: {  	[tilespmem:s25+$0x1C710] =	vst v1;
	v1 =	vld [tilespmem:s25+$0x18730];
	_ =	sdelay $0x1  }
0x4a: {  	v0 =	vld.idx.msk [tilespmem:v0+s2+$0x0], $0xffff;
	_ =	sdelay $0x4  }
0x4b: {  	[tilespmem:s25+$0x1C720] =	vst v0;
	v0 =	vld [tilespmem:s25+$0x18740]  }
0x4c: {  	v1 =	vld.idx.msk [tilespmem:v1+s2+$0x0], $0xffff;
	_ =	sdelay $0x4  }
0x4d: {  	[tilespmem:s25+$0x1C730] =	vst v1;
	v1 =	vld [tilespmem:s25+$0x18750];
	_ =	sdelay $0x1  }
0x4e: {  	v0 =	vld.idx.msk [tilespmem:v0+s2+$0x0], $0xffff;
	_ =	sdelay $0x4  }
0x4f: {  	[tilespmem:s25+$0x1C740] =	vst v0;
	v0 =	vld [tilespmem:s25+$0x18760]  }
0x50: {  	v1 =	vld.idx.msk [tilespmem:v1+s2+$0x0], $0xffff;
	_ =	sdelay $0x4  }
0x51: {  	[tilespmem:s25+$0x1C750] =	vst v1;
	v1 =	vld [tilespmem:s25+$0x18770];
	_ =	sdelay $0x1  }
0x52: {  	v0 =	vld.idx.msk [tilespmem:v0+s2+$0x0], $0xffff;
	_ =	sdelay $0x4  }
0x53: {  	[tilespmem:s25+$0x1C760] =	vst v0  }
0x54: {  	v0 =	vld.idx.msk [tilespmem:v1+s2+$0x0], $0xffff;
	_ =	sdelay $0x3  }
0x55: {  	s22 =	sshll.u32 s22, $0xB  }
0x56: {  	s24 =	simm.s32 $0x0;
	s31 =	sadd.s32 s4, s22;
	s23 =	simm.s32 $0x0;
	[tilespmem:s25+$0x1C770] =	vst v0  }
0x57: {  	[hbm4b:s31+s24] =	stream.linear.scatter [tilespmem:s17], [sflag:$0x3], $0x1000, $0x38;
	[tilespmem:$0x1E700] =	vst v63  }
0x58: {  	v0 =	vld [tilespmem:s23+$0x19700];
	_ =	sdelay $0x5  }
0x59: {  	v1 =	vld [tilespmem:s23+$0x19710];
	_ =	sdelay $0x1  }
0x5a: {  	v0 =	vld.idx.msk [tilespmem:v0+s2+$0x0], $0xffff;
	_ =	sdelay $0x4  }
0x5b: {  	[tilespmem:s23+$0x1D700] =	vst v0;
	v0 =	vld [tilespmem:s23+$0x19720]  }
0x5c: {  	v1 =	vld.idx.msk [tilespmem:v1+s2+$0x0], $0xffff;
	_ =	sdelay $0x4  }
0x5d: {  	[tilespmem:s23+$0x1D710] =	vst v1;
	v1 =	vld [tilespmem:s23+$0x19730];
	_ =	sdelay $0x1  }
0x5e: {  	v0 =	vld.idx.msk [tilespmem:v0+s2+$0x0], $0xffff;
	_ =	sdelay $0x4  }
0x5f: {  	[tilespmem:s23+$0x1D720] =	vst v0;
	v0 =	vld [tilespmem:s23+$0x19740]  }
0x60: {  	v1 =	vld.idx.msk [tilespmem:v1+s2+$0x0], $0xffff;
	_ =	sdelay $0x4  }
0x61: {  	[tilespmem:s23+$0x1D730] =	vst v1;
	v1 =	vld [tilespmem:s23+$0x19750];
	_ =	sdelay $0x1  }
0x62: {  	v0 =	vld.idx.msk [tilespmem:v0+s2+$0x0], $0xffff;
	_ =	sdelay $0x4  }
0x63: {  	v2 =	vld [tilespmem:s23+$0x19760];
	[tilespmem:s23+$0x1D740] =	vst v0  }
0x64: {  	v0 =	vld.idx.msk [tilespmem:v1+s2+$0x0], $0xffff;
	_ =	sdelay $0x4  }
0x65: {  	[tilespmem:s23+$0x1D750] =	vst v0;
	v0 =	vld [tilespmem:s23+$0x19770];
	_ =	sdelay $0x1  }
0x66: {  	v1 =	vld.idx.msk [tilespmem:v2+s2+$0x0], $0xffff;
	_ =	sdelay $0x3  }
0x67: {  	s25 =	simm.s32 $0x80;
	s24 =	simm.s32 $0x400  }
.LBB2_5:
0x68: {  	p0 =	sne.s32 s24, $0x3E00;
	v2 =	vld [tilespmem:s25+$0x19700];
	[tilespmem:s23+$0x1D760] =	vst v1  }
0x69: {  	v0 =	vld.idx.msk [tilespmem:v0+s2+$0x0], $0xffff;
	_ =	sdelay $0x5  }
0x6a: {  	v1 =	vld [tilespmem:s25+$0x19710];
	[tilespmem:s23+$0x1D770] =	vst v0;
	s23 =	smov.u32 s25  }
0x6b: {  	v0 =	vld.idx.msk [tilespmem:v2+s2+$0x0], $0xffff;
	_ =	sdelay $0x5  }
0x6c: {  	[tilespmem:s23+$0x1D700] =	vst v0;
	v0 =	vld [tilespmem:s23+$0x19720]  }
0x6d: {  	v1 =	vld.idx.msk [tilespmem:v1+s2+$0x0], $0xffff;
	_ =	sdelay $0x5  }
0x6e: {  	[tilespmem:s23+$0x1D710] =	vst v1;
	v1 =	vld [tilespmem:s23+$0x19730]  }
0x6f: {  	v0 =	vld.idx.msk [tilespmem:v0+s2+$0x0], $0xffff;
	_ =	sdelay $0x5  }
0x70: {  	[tilespmem:s23+$0x1D720] =	vst v0;
	v0 =	vld [tilespmem:s23+$0x19740]  }
0x71: {  	v1 =	vld.idx.msk [tilespmem:v1+s2+$0x0], $0xffff;
	_ =	sdelay $0x5  }
0x72: {  	[tilespmem:s23+$0x1D730] =	vst v1;
	v1 =	vld [tilespmem:s23+$0x19750]  }
0x73: {  	v0 =	vld.idx.msk [tilespmem:v0+s2+$0x0], $0xffff;
	_ =	sdelay $0x5  }
0x74: {  	[tilespmem:s23+$0x1D740] =	vst v0;
	v2 =	vld [tilespmem:s23+$0x19760]  }
0x75: {  	v0 =	vld.idx.msk [tilespmem:v1+s2+$0x0], $0xffff;
	_ =	sdelay $0x5  }
0x76: {  	[tilespmem:s23+$0x1D750] =	vst v0;
	v0 =	vld [tilespmem:s23+$0x19770]  }
0x77: {  	v1 =	vld.idx.msk [tilespmem:v2+s2+$0x0], $0xffff  }
.Ltmp1:
0x78: {  	(pc) =	sbr.rel @p0 .LBB2_5-.Ltmp1, $2  }
0x79: {  	_ =	sdelay $0x2  }
0x7a: {  	s25 =	sshra.s32 s24, $0x2;
	s24 =	sadd.s32 $0x200, s24  }
0x7b: {  	_ =	sdelay $0x1  }
0x7c: {  	v2 =	vld [tilespmem:s25+$0x19700]  }
0x7d: {  	[tilespmem:s23+$0x1D760] =	vst v1  }
0x7e: {  	v0 =	vld.idx.msk [tilespmem:v0+s2+$0x0], $0xffff;
	_ =	sdelay $0x3  }
0x7f: {  	v1 =	vld [tilespmem:s25+$0x19710]  }
0x80: {  	[tilespmem:s23+$0x1D770] =	vst v0  }
0x81: {  	v0 =	vld.idx.msk [tilespmem:v2+s2+$0x0], $0xffff;
	_ =	sdelay $0x4  }
0x82: {  	[tilespmem:s25+$0x1D700] =	vst v0;
	v0 =	vld [tilespmem:s25+$0x19720]  }
0x83: {  	v1 =	vld.idx.msk [tilespmem:v1+s2+$0x0], $0xffff;
	_ =	sdelay $0x4  }
0x84: {  	[tilespmem:s25+$0x1D710] =	vst v1;
	v1 =	vld [tilespmem:s25+$0x19730];
	_ =	sdelay $0x1  }
0x85: {  	v0 =	vld.idx.msk [tilespmem:v0+s2+$0x0], $0xffff;
	_ =	sdelay $0x4  }
0x86: {  	[tilespmem:s25+$0x1D720] =	vst v0;
	v0 =	vld [tilespmem:s25+$0x19740]  }
0x87: {  	v1 =	vld.idx.msk [tilespmem:v1+s2+$0x0], $0xffff;
	_ =	sdelay $0x4  }
0x88: {  	[tilespmem:s25+$0x1D730] =	vst v1;
	v1 =	vld [tilespmem:s25+$0x19750];
	_ =	sdelay $0x1  }
0x89: {  	v0 =	vld.idx.msk [tilespmem:v0+s2+$0x0], $0xffff;
	_ =	sdelay $0x4  }
0x8a: {  	[tilespmem:s25+$0x1D740] =	vst v0;
	v0 =	vld [tilespmem:s25+$0x19760]  }
0x8b: {  	v1 =	vld.idx.msk [tilespmem:v1+s2+$0x0], $0xffff;
	_ =	sdelay $0x4  }
0x8c: {  	[tilespmem:s25+$0x1D750] =	vst v1;
	v1 =	vld [tilespmem:s25+$0x19770];
	_ =	sdelay $0x1  }
0x8d: {  	v0 =	vld.idx.msk [tilespmem:v0+s2+$0x0], $0xffff;
	_ =	sdelay $0x4  }
0x8e: {  	[tilespmem:s25+$0x1D760] =	vst v0  }
0x8f: {  	v0 =	vld.idx.msk [tilespmem:v1+s2+$0x0], $0xffff;
	_ =	sdelay $0x4  }
0x90: {  	s31 =	sadd.s32 s22, s8;
	s24 =	simm.s32 $0x0;
	[tilespmem:s25+$0x1D770] =	vst v0  }
0x91: {  	[hbm4b:s31+s24] =	stream.linear.scatter [tilespmem:s18], [sflag:$0x3], $0x1000, $0x38;
	[tilespmem:$0x1E700] =	vst v63  }
0x92: {  	_ =	swait.ge [sflag:s19], $0x1000  }
0x93: {  	[sflag:s19] =	ssyncset.done $0x0  }
0x94: {  	s23 =	simm.s32 $0x0;
	[sflag:s19] =	ssyncadd.s32 $0xFFFFF000  }
0x95: {  	v0 =	vld [tilespmem:s23+$0x1A700];
	_ =	sdelay $0x5  }
0x96: {  	v1 =	vld [tilespmem:s23+$0x1A710];
	_ =	sdelay $0x1  }
0x97: {  	v0 =	vld.idx.msk [tilespmem:v0+s2+$0x0], $0xffff;
	_ =	sdelay $0x4  }
0x98: {  	[tilespmem:s23+$0x1C700] =	vst v0;
	v0 =	vld [tilespmem:s23+$0x1A720]  }
0x99: {  	v1 =	vld.idx.msk [tilespmem:v1+s2+$0x0], $0xffff;
	_ =	sdelay $0x4  }
0x9a: {  	[tilespmem:s23+$0x1C710] =	vst v1;
	v1 =	vld [tilespmem:s23+$0x1A730];
	_ =	sdelay $0x1  }
0x9b: {  	v0 =	vld.idx.msk [tilespmem:v0+s2+$0x0], $0xffff;
	_ =	sdelay $0x4  }
0x9c: {  	[tilespmem:s23+$0x1C720] =	vst v0;
	v0 =	vld [tilespmem:s23+$0x1A740]  }
0x9d: {  	v1 =	vld.idx.msk [tilespmem:v1+s2+$0x0], $0xffff;
	_ =	sdelay $0x4  }
0x9e: {  	[tilespmem:s23+$0x1C730] =	vst v1;
	v1 =	vld [tilespmem:s23+$0x1A750];
	_ =	sdelay $0x1  }
0x9f: {  	v0 =	vld.idx.msk [tilespmem:v0+s2+$0x0], $0xffff;
	_ =	sdelay $0x4  }
0xa0: {  	v2 =	vld [tilespmem:s23+$0x1A760];
	[tilespmem:s23+$0x1C740] =	vst v0  }
0xa1: {  	v0 =	vld.idx.msk [tilespmem:v1+s2+$0x0], $0xffff;
	_ =	sdelay $0x4  }
0xa2: {  	[tilespmem:s23+$0x1C750] =	vst v0;
	v0 =	vld [tilespmem:s23+$0x1A770];
	_ =	sdelay $0x1  }
0xa3: {  	v1 =	vld.idx.msk [tilespmem:v2+s2+$0x0], $0xffff;
	_ =	sdelay $0x3  }
0xa4: {  	s25 =	simm.s32 $0x80;
	s24 =	simm.s32 $0x400  }
.LBB2_7:
0xa5: {  	p0 =	sne.s32 s24, $0x3E00;
	v2 =	vld [tilespmem:s25+$0x1A700];
	[tilespmem:s23+$0x1C760] =	vst v1  }
0xa6: {  	v0 =	vld.idx.msk [tilespmem:v0+s2+$0x0], $0xffff;
	_ =	sdelay $0x5  }
0xa7: {  	v1 =	vld [tilespmem:s25+$0x1A710];
	[tilespmem:s23+$0x1C770] =	vst v0;
	s23 =	smov.u32 s25  }
0xa8: {  	v0 =	vld.idx.msk [tilespmem:v2+s2+$0x0], $0xffff;
	_ =	sdelay $0x5  }
0xa9: {  	[tilespmem:s23+$0x1C700] =	vst v0;
	v0 =	vld [tilespmem:s23+$0x1A720]  }
0xaa: {  	v1 =	vld.idx.msk [tilespmem:v1+s2+$0x0], $0xffff;
	_ =	sdelay $0x5  }
0xab: {  	[tilespmem:s23+$0x1C710] =	vst v1;
	v1 =	vld [tilespmem:s23+$0x1A730]  }
0xac: {  	v0 =	vld.idx.msk [tilespmem:v0+s2+$0x0], $0xffff;
	_ =	sdelay $0x5  }
0xad: {  	[tilespmem:s23+$0x1C720] =	vst v0;
	v0 =	vld [tilespmem:s23+$0x1A740]  }
0xae: {  	v1 =	vld.idx.msk [tilespmem:v1+s2+$0x0], $0xffff;
	_ =	sdelay $0x5  }
0xaf: {  	[tilespmem:s23+$0x1C730] =	vst v1;
	v1 =	vld [tilespmem:s23+$0x1A750]  }
0xb0: {  	v0 =	vld.idx.msk [tilespmem:v0+s2+$0x0], $0xffff;
	_ =	sdelay $0x5  }
0xb1: {  	[tilespmem:s23+$0x1C740] =	vst v0;
	v2 =	vld [tilespmem:s23+$0x1A760]  }
0xb2: {  	v0 =	vld.idx.msk [tilespmem:v1+s2+$0x0], $0xffff;
	_ =	sdelay $0x5  }
0xb3: {  	[tilespmem:s23+$0x1C750] =	vst v0;
	v0 =	vld [tilespmem:s23+$0x1A770]  }
0xb4: {  	v1 =	vld.idx.msk [tilespmem:v2+s2+$0x0], $0xffff  }
.Ltmp2:
0xb5: {  	(pc) =	sbr.rel @p0 .LBB2_7-.Ltmp2, $2  }
0xb6: {  	_ =	sdelay $0x2  }
0xb7: {  	s25 =	sshra.s32 s24, $0x2;
	s24 =	sadd.s32 $0x200, s24  }
0xb8: {  	_ =	sdelay $0x1  }
0xb9: {  	v2 =	vld [tilespmem:s25+$0x1A700]  }
0xba: {  	[tilespmem:s23+$0x1C760] =	vst v1  }
0xbb: {  	v0 =	vld.idx.msk [tilespmem:v0+s2+$0x0], $0xffff;
	_ =	sdelay $0x3  }
0xbc: {  	v1 =	vld [tilespmem:s25+$0x1A710]  }
0xbd: {  	[tilespmem:s23+$0x1C770] =	vst v0  }
0xbe: {  	v0 =	vld.idx.msk [tilespmem:v2+s2+$0x0], $0xffff;
	_ =	sdelay $0x4  }
0xbf: {  	[tilespmem:s25+$0x1C700] =	vst v0;
	v0 =	vld [tilespmem:s25+$0x1A720]  }
0xc0: {  	v1 =	vld.idx.msk [tilespmem:v1+s2+$0x0], $0xffff;
	_ =	sdelay $0x4  }
0xc1: {  	[tilespmem:s25+$0x1C710] =	vst v1;
	v1 =	vld [tilespmem:s25+$0x1A730];
	_ =	sdelay $0x1  }
0xc2: {  	v0 =	vld.idx.msk [tilespmem:v0+s2+$0x0], $0xffff;
	_ =	sdelay $0x4  }
0xc3: {  	[tilespmem:s25+$0x1C720] =	vst v0;
	v0 =	vld [tilespmem:s25+$0x1A740]  }
0xc4: {  	v1 =	vld.idx.msk [tilespmem:v1+s2+$0x0], $0xffff;
	_ =	sdelay $0x4  }
0xc5: {  	[tilespmem:s25+$0x1C730] =	vst v1;
	v1 =	vld [tilespmem:s25+$0x1A750];
	_ =	sdelay $0x1  }
0xc6: {  	v0 =	vld.idx.msk [tilespmem:v0+s2+$0x0], $0xffff;
	_ =	sdelay $0x4  }
0xc7: {  	[tilespmem:s25+$0x1C740] =	vst v0;
	v0 =	vld [tilespmem:s25+$0x1A760]  }
0xc8: {  	v1 =	vld.idx.msk [tilespmem:v1+s2+$0x0], $0xffff;
	_ =	sdelay $0x4  }
0xc9: {  	[tilespmem:s25+$0x1C750] =	vst v1;
	v1 =	vld [tilespmem:s25+$0x1A770];
	_ =	sdelay $0x1  }
0xca: {  	v0 =	vld.idx.msk [tilespmem:v0+s2+$0x0], $0xffff;
	_ =	sdelay $0x4  }
0xcb: {  	[tilespmem:s25+$0x1C760] =	vst v0  }
0xcc: {  	v0 =	vld.idx.msk [tilespmem:v1+s2+$0x0], $0xffff;
	_ =	sdelay $0x4  }
0xcd: {  	s31 =	sadd.s32 s22, s9;
	s24 =	simm.s32 $0x0;
	[tilespmem:s25+$0x1C770] =	vst v0  }
0xce: {  	[hbm4b:s31+s24] =	stream.linear.scatter [tilespmem:s17], [sflag:$0x3], $0x1000, $0x38;
	[tilespmem:$0x1E700] =	vst v63  }
0xcf: {  	_ =	swait.ge [sflag:s19], $0x1000  }
0xd0: {  	[sflag:s19] =	ssyncset.done $0x0  }
0xd1: {  	s23 =	simm.s32 $0x0;
	[sflag:s19] =	ssyncadd.s32 $0xFFFFF000  }
0xd2: {  	v0 =	vld [tilespmem:s23+$0x1B700];
	_ =	sdelay $0x5  }
0xd3: {  	v1 =	vld [tilespmem:s23+$0x1B710];
	_ =	sdelay $0x1  }
0xd4: {  	v0 =	vld.idx.msk [tilespmem:v0+s2+$0x0], $0xffff;
	_ =	sdelay $0x4  }
0xd5: {  	[tilespmem:s23+$0x1D700] =	vst v0;
	v0 =	vld [tilespmem:s23+$0x1B720]  }
0xd6: {  	v1 =	vld.idx.msk [tilespmem:v1+s2+$0x0], $0xffff;
	_ =	sdelay $0x4  }
0xd7: {  	[tilespmem:s23+$0x1D710] =	vst v1;
	v1 =	vld [tilespmem:s23+$0x1B730];
	_ =	sdelay $0x1  }
0xd8: {  	v0 =	vld.idx.msk [tilespmem:v0+s2+$0x0], $0xffff;
	_ =	sdelay $0x4  }
0xd9: {  	[tilespmem:s23+$0x1D720] =	vst v0;
	v0 =	vld [tilespmem:s23+$0x1B740]  }
0xda: {  	v1 =	vld.idx.msk [tilespmem:v1+s2+$0x0], $0xffff;
	_ =	sdelay $0x4  }
0xdb: {  	[tilespmem:s23+$0x1D730] =	vst v1;
	v1 =	vld [tilespmem:s23+$0x1B750];
	_ =	sdelay $0x1  }
0xdc: {  	v0 =	vld.idx.msk [tilespmem:v0+s2+$0x0], $0xffff;
	_ =	sdelay $0x4  }
0xdd: {  	v2 =	vld [tilespmem:s23+$0x1B760];
	[tilespmem:s23+$0x1D740] =	vst v0  }
0xde: {  	v0 =	vld.idx.msk [tilespmem:v1+s2+$0x0], $0xffff;
	_ =	sdelay $0x4  }
0xdf: {  	[tilespmem:s23+$0x1D750] =	vst v0;
	v0 =	vld [tilespmem:s23+$0x1B770];
	_ =	sdelay $0x1  }
0xe0: {  	v1 =	vld.idx.msk [tilespmem:v2+s2+$0x0], $0xffff;
	_ =	sdelay $0x3  }
0xe1: {  	s25 =	simm.s32 $0x80;
	s24 =	simm.s32 $0x400  }
.LBB2_9:
0xe2: {  	p0 =	sne.s32 s24, $0x3E00;
	v2 =	vld [tilespmem:s25+$0x1B700];
	[tilespmem:s23+$0x1D760] =	vst v1  }
0xe3: {  	v0 =	vld.idx.msk [tilespmem:v0+s2+$0x0], $0xffff;
	_ =	sdelay $0x5  }
0xe4: {  	v1 =	vld [tilespmem:s25+$0x1B710];
	[tilespmem:s23+$0x1D770] =	vst v0;
	s23 =	smov.u32 s25  }
0xe5: {  	v0 =	vld.idx.msk [tilespmem:v2+s2+$0x0], $0xffff;
	_ =	sdelay $0x5  }
0xe6: {  	[tilespmem:s23+$0x1D700] =	vst v0;
	v0 =	vld [tilespmem:s23+$0x1B720]  }
0xe7: {  	v1 =	vld.idx.msk [tilespmem:v1+s2+$0x0], $0xffff;
	_ =	sdelay $0x5  }
0xe8: {  	[tilespmem:s23+$0x1D710] =	vst v1;
	v1 =	vld [tilespmem:s23+$0x1B730]  }
0xe9: {  	v0 =	vld.idx.msk [tilespmem:v0+s2+$0x0], $0xffff;
	_ =	sdelay $0x5  }
0xea: {  	[tilespmem:s23+$0x1D720] =	vst v0;
	v0 =	vld [tilespmem:s23+$0x1B740]  }
0xeb: {  	v1 =	vld.idx.msk [tilespmem:v1+s2+$0x0], $0xffff;
	_ =	sdelay $0x5  }
0xec: {  	[tilespmem:s23+$0x1D730] =	vst v1;
	v1 =	vld [tilespmem:s23+$0x1B750]  }
0xed: {  	v0 =	vld.idx.msk [tilespmem:v0+s2+$0x0], $0xffff;
	_ =	sdelay $0x5  }
0xee: {  	[tilespmem:s23+$0x1D740] =	vst v0;
	v2 =	vld [tilespmem:s23+$0x1B760]  }
0xef: {  	v0 =	vld.idx.msk [tilespmem:v1+s2+$0x0], $0xffff;
	_ =	sdelay $0x5  }
0xf0: {  	[tilespmem:s23+$0x1D750] =	vst v0;
	v0 =	vld [tilespmem:s23+$0x1B770]  }
0xf1: {  	v1 =	vld.idx.msk [tilespmem:v2+s2+$0x0], $0xffff  }
.Ltmp3:
0xf2: {  	(pc) =	sbr.rel @p0 .LBB2_9-.Ltmp3, $2  }
0xf3: {  	_ =	sdelay $0x2  }
0xf4: {  	s25 =	sshra.s32 s24, $0x2;
	s24 =	sadd.s32 $0x200, s24  }
0xf5: {  	_ =	sdelay $0x1  }
0xf6: {  	v2 =	vld [tilespmem:s25+$0x1B700]  }
0xf7: {  	[tilespmem:s23+$0x1D760] =	vst v1  }
0xf8: {  	v0 =	vld.idx.msk [tilespmem:v0+s2+$0x0], $0xffff;
	_ =	sdelay $0x3  }
0xf9: {  	v1 =	vld [tilespmem:s25+$0x1B710]  }
0xfa: {  	[tilespmem:s23+$0x1D770] =	vst v0  }
0xfb: {  	v0 =	vld.idx.msk [tilespmem:v2+s2+$0x0], $0xffff;
	_ =	sdelay $0x3  }
0xfc: {  	v58 =	vld [tilespmem:s25+$0x1B720]  }
0xfd: {  	[tilespmem:s25+$0x1D700] =	vst v0  }
0xfe: {  	v1 =	vld.idx.msk [tilespmem:v1+s2+$0x0], $0xffff;
	_ =	sdelay $0x3  }
0xff: {  	v59 =	vld [tilespmem:s25+$0x1B730]  }
0x100: {  	[tilespmem:s25+$0x1D710] =	vst v1  }
0x101: {  	v0 =	vld.idx.msk [tilespmem:v58+s2+$0x0], $0xffff;
	_ =	sdelay $0x3  }
0x102: {  	v60 =	vld [tilespmem:s25+$0x1B740]  }
0x103: {  	[tilespmem:s25+$0x1D720] =	vst v0  }
0x104: {  	v1 =	vld.idx.msk [tilespmem:v59+s2+$0x0], $0xffff;
	_ =	sdelay $0x3  }
0x105: {  	v61 =	vld [tilespmem:s25+$0x1B750]  }
0x106: {  	[tilespmem:s25+$0x1D730] =	vst v1  }
0x107: {  	v0 =	vld.idx.msk [tilespmem:v60+s2+$0x0], $0xffff;
	_ =	sdelay $0x3  }
0x108: {  	v62 =	vld [tilespmem:s25+$0x1B760]  }
0x109: {  	[tilespmem:s25+$0x1D740] =	vst v0  }
0x10a: {  	v1 =	vld.idx.msk [tilespmem:v61+s2+$0x0], $0xffff;
	_ =	sdelay $0x3  }
0x10b: {  	v63 =	vld [tilespmem:s25+$0x1B770]  }
0x10c: {  	[tilespmem:s25+$0x1D750] =	vst v1  }
0x10d: {  	v0 =	vld.idx.msk [tilespmem:v62+s2+$0x0], $0xffff;
	_ =	sdelay $0x4  }
0x10e: {  	[tilespmem:s25+$0x1D760] =	vst v0  }
0x10f: {  	v0 =	vld.idx.msk [tilespmem:v63+s2+$0x0], $0xffff;
	_ =	sdelay $0x4  }
0x110: {  	s22 =	sadd.s32 s22, s10;
	s21 =	sadd.s32 $0x1, s21;
	[tilespmem:s25+$0x1D770] =	vst v0  }
0x111: {  	[hbm4b:s22+s2] =	stream.linear.scatter [tilespmem:s18], [sflag:$0x3], $0x1000, $0x38;
	[tilespmem:$0x1E700] =	vst v63  }
0x112: {  	p0 =	sne.s32 s21, $0x8;
	_ =	swait.ge [sflag:s19], $0x1000  }
.Ltmp4:
0x113: {  	[sflag:s19] =	ssyncset.done $0x0;
	(pc) =	sbr.rel @p0 .LBB2_2-.Ltmp4, $4  }
0x114: {  	[sflag:s19] =	ssyncadd.s32 $0xFFFFF000  }
0x115: {  	_ =	swait.ge [sflag:s19], $0x1000  }
0x116: {  	[sflag:s19] =	ssyncset.done $0x0  }
0x117: {  	[sflag:s19] =	ssyncadd.s32 $0xFFFFF000  }
0x118: {  	s20 =	sadd.s32 $0x1, s20  }
0x119: {  	p0 =	sne.s32 s20, s11  }
.Ltmp5:
0x11a: {  	_ = 	snop;
	(pc) =	sbr.rel @p0 .LBB2_1-.Ltmp5, $1  }
0x11b: {  	_ =	sdelay $0x3  }
0x11c: {  	_ =	sfence.sel $0x180000  }
0x11d: {  	[bflag:$0x0] =	sbarrier.arrive $0xFFFF  }
0x11e: {  	p0 =	sne.s32 s3, $0x0;
	_ =	strace $0x90000047  }
0x11f: {  	s0 =	sadd.s32 @!p0 $0x100000, s0;
	[bflag:$0x2] =	sbarrier.arrive $0xFFFF  }
0x120: {  	[sflag:s0] =	ssyncadd.tile.s32 @!p0 $0x1;
	_ =	shalt  }
.Lfunc_end2:
_tile_overlayer_lowered:
.L_overlay_start_2:
0x121: {  	(tag) =	ssettag $0x2  }
0x122: {  	s0 =	rddreg [dreg:$0x0];
	s2 =	stileid.u32  }
0x123: {  	s1 =	rddreg [dreg:$0x1];
	p0 =	sne.s32 s2, $0x0  }
0x124: {  	s3 =	rddreg [dreg:$0x2];
	[bflag:$0x3] =	sbarrier.arrive $0xFFFF;
	s2 =	simm.s32 @!p0 $0x1C04  }
0x125: {  	[timem:s3], [sflag:s2] =	dma.local @!p0 [hbm:s0], s1  }
0x126: {  	s0 =	simm.s32 @!p0 $0x4  }
0x127: {  	_ =	swait.ge @!p0 [sflag:s0], s1  }
0x128: {  	s1 =	ssub.s32 @!p0 $0x0, s1;
	[sflag:s0] =	ssyncset.done @!p0 $0x0  }
0x129: {  	[sflag:s0] =	ssyncadd.s32 @!p0 s1  }
0x12a: {  	[bflag:$0x3] =	sbarrier.arrive $0xFFFF  }
0x12b: {  	_ =	shalt  }

// kernel: kernel.9.cloned.1.call-start
scs
__scs_entry_jumppad:
0x0: {  	(pc) =	sbr.rel $0x88, $3  }
0x1: {  	(tag) =	ssettag $0x0;
	lr =	simm.s32 $0x1  }
0x2: {  	[smem:$0x3F92] =	sst lr;
	_ =	strace $0xD0000000  }
0x3: {  	_ = 	snop  }
0x4: {  	_ = 	snop  }
0x5: {  	_ = 	snop  }
0x6: {  	_ = 	snop  }
0x7: {  	_ = 	snop  }
__scs_overlays_trampoline_lowered:
0x8: {  	[smem:$0x3FA1] =	sst s0  }
0x9: {  	[smem:$0x3FA2] =	sst s1  }
0xa: {  	[smem:$0x3FA3] =	sst s2  }
0xb: {  	[smem:$0x3FA4] =	sst s3  }
0xc: {  	[smem:$0x3FA5] =	sst s4  }
0xd: {  	[smem:$0x3FA6] =	sst s5  }
0xe: {  	[smem:$0x3FA7] =	sst s6  }
0xf: {  	[smem:$0x3FA8] =	sst s7  }
0x10: {  	[smem:$0x3FA9] =	sst s8  }
0x11: {  	[smem:$0x3FAA] =	sst s9;
	s0 =	simm.s32 @!p0 $0x0  }
0x12: {  	s1 =	sld [smem:$0x3F90];
	s0 =	simm.s32 @p0 $0x1  }
0x13: {  	[smem:$0x3FAB] =	sst s0;
	s0 =	simm.s32 @!p1 $0x0  }
0x14: {  	s2 =	sld [smem:$0x3F8F];
	s0 =	simm.s32 @p1 $0x1  }
0x15: {  	[smem:$0x3FAC] =	sst s0;
	s0 =	simm.s32 @!p2 $0x0  }
0x16: {  	s3 =	sld [smem:$0x3FDB];
	s0 =	simm.s32 @p2 $0x1  }
0x17: {  	s4 =	simm.s32 $0x1BF5;
	[smem:$0x3FAE] =	sst s0  }
0x18: {  	s0 =	sld [smem:$0x3F91];
	_ =	swait.ge [sflag:s4], $0x0  }
0x19: {  	s7 =	sld [smem:$0x3F92]  }
0x1a: {  	s8 =	sadd.s32 $0xFFFFE003, lr  }
0x1b: {  	s9 =	sadd.s32 $0xFFFFFEF7, lr;
	s5 =	simm.s32 $0xFFFFFFFF;
	p2 =	slt.u32 s8, $0xFFFFF086  }
0x1c: {  	p1 =	slt.u32 s9, $0xF7A;
	s5 =	simm.s32 @!p2 $0x0  }
0x1d: {  	s5 =	simm.s32 @p1 $0x1;
	p0 =	seq.s32 s7, s2  }
0x1e: {  	s7 =	smul.u32 @!p0 $0xF7A, s2;
	p2 =	seq.s32 @!p0 s5, $0x0  }
0x1f: {  	s9 =	smul.u32 $0xF7A, s1;
	s8 =	simm.s32 @!p0 $0x1BF5;
	p2 =	por !p2, p0  }
0x20: {  	[sflag:s8] =	ssyncset.s32 @!p0 $0xFFFFF086;
	s6 =	sadd.s32 @!p0 s3, s7;
	s7 =	simm.s32 @!p0 $0x108  }
0x21: {  	s3 =	sadd.s32 s3, s9;
	s6 =	sadd.s32 @!p0 $0x88, s6;
	s7 =	simm.s32 @p2 $0x1082  }
0x22: {  	[simem:s7], [sflag:s8] =	dma.local @!p0 [hbm:s6], $0xF7A  }
0x23: {  	s9 =	sor.u32 $0xD0000000, s2;
	s6 =	simm.s32 $0x108;
	_ =	swait.ge @!p0 [sflag:s8], $0x0  }
0x24: {  	s3 =	sadd.s32 $0x88, s3;
	s6 =	simm.s32 @!p1 $0x1082;
	[sflag:s4] =	ssyncset.s32 $0xFFFFF086  }
0x25: {  	[simem:s6], [sflag:s4] =	dma.local [hbm:s3], $0xF7A  }
0x26: {  	[smem:$0x3F92] =	sst s1;
	(tag) =	ssettag s2;
	_ =	strace s9  }
0x27: {  	s1 =	sld [smem:$0x3FA2]  }
0x28: {  	s2 =	sld [smem:$0x3FA3]  }
0x29: {  	s4 =	sld [smem:$0x3FA5]  }
0x2a: {  	p0 =	seq.s32 s5, $0x0;
	s5 =	sld [smem:$0x3FA6]  }
0x2b: {  	s6 =	sld [smem:$0x3FA7]  }
0x2c: {  	s7 =	sld [smem:$0x3FA8]  }
0x2d: {  	s3 =	simm.s32 $0x108;
	s8 =	sld [smem:$0x3FA9]  }
0x2e: {  	s3 =	simm.s32 @!p0 $0x1082;
	s9 =	sld [smem:$0x3FAA]  }
0x2f: {  	lr =	sadd.s32 s0, s3;
	s0 =	sld [smem:$0x3FA1]  }
0x30: {  	s3 =	sld [smem:$0x3FA4]  }
0x31: {  	[smem:$0x3FAD] =	sst s10  }
0x32: {  	s10 =	sld [smem:$0x3FAB];
	_ =	sdelay $0x3  }
0x33: {  	p0 =	seq.s32 s10, $0x1;
	s10 =	sld [smem:$0x3FAD];
	_ =	sdelay $0x3  }
0x34: {  	[smem:$0x3FAD] =	sst s10  }
0x35: {  	s10 =	sld [smem:$0x3FAC];
	_ =	sdelay $0x3  }
0x36: {  	p1 =	seq.s32 s10, $0x1;
	s10 =	sld [smem:$0x3FAD];
	_ =	sdelay $0x3  }
0x37: {  	[smem:$0x3FAD] =	sst s10  }
0x38: {  	s10 =	sld [smem:$0x3FAE]  }
0x39: {  	_ = 	snop;
	(pc) =	sbr.ind lr, $3  }
0x3a: {  	_ = 	snop  }
0x3b: {  	_ = 	snop  }
0x3c: {  	p2 =	seq.s32 s10, $0x1;
	s10 =	sld [smem:$0x3FAD]  }
0x3d: {  	_ =	shalt  }
0x3e: {  	_ =	shalt  }
0x3f: {  	_ =	shalt  }
0x40: {  	_ =	shalt  }
0x41: {  	_ =	shalt  }
0x42: {  	_ =	shalt  }
0x43: {  	_ =	shalt  }
0x44: {  	_ =	shalt  }
0x45: {  	_ =	shalt  }
0x46: {  	_ =	shalt  }
0x47: {  	_ =	shalt  }
0x48: {  	_ =	shalt  }
0x49: {  	_ =	shalt  }
0x4a: {  	_ =	shalt  }
0x4b: {  	_ =	shalt  }
0x4c: {  	_ =	shalt  }
0x4d: {  	_ =	shalt  }
0x4e: {  	_ =	shalt  }
0x4f: {  	_ =	shalt  }
0x50: {  	_ =	shalt  }
0x51: {  	_ =	shalt  }
0x52: {  	_ =	shalt  }
0x53: {  	_ =	shalt  }
0x54: {  	_ =	shalt  }
0x55: {  	_ =	shalt  }
0x56: {  	_ =	shalt  }
0x57: {  	_ =	shalt  }
0x58: {  	_ =	shalt  }
0x59: {  	_ =	shalt  }
0x5a: {  	_ =	shalt  }
0x5b: {  	_ =	shalt  }
0x5c: {  	_ =	shalt  }
0x5d: {  	_ =	shalt  }
0x5e: {  	_ =	shalt  }
0x5f: {  	_ =	shalt  }
0x60: {  	_ =	shalt  }
0x61: {  	_ =	shalt  }
0x62: {  	_ =	shalt  }
0x63: {  	_ =	shalt  }
0x64: {  	_ =	shalt  }
0x65: {  	_ =	shalt  }
0x66: {  	_ =	shalt  }
0x67: {  	_ =	shalt  }
0x68: {  	_ =	shalt  }
0x69: {  	_ =	shalt  }
0x6a: {  	_ =	shalt  }
0x6b: {  	_ =	shalt  }
0x6c: {  	_ =	shalt  }
0x6d: {  	_ =	shalt  }
0x6e: {  	_ =	shalt  }
0x6f: {  	_ =	shalt  }
0x70: {  	_ =	shalt  }
0x71: {  	_ =	shalt  }
0x72: {  	_ =	shalt  }
0x73: {  	_ =	shalt  }
0x74: {  	_ =	shalt  }
0x75: {  	_ =	shalt  }
0x76: {  	_ =	shalt  }
0x77: {  	_ =	shalt  }
0x78: {  	_ =	shalt  }
0x79: {  	_ =	shalt  }
0x7a: {  	_ =	shalt  }
0x7b: {  	_ =	shalt  }
0x7c: {  	_ =	shalt  }
0x7d: {  	_ =	shalt  }
0x7e: {  	_ =	shalt  }
0x7f: {  	_ =	shalt  }
0x80: {  	_ =	shalt  }
0x81: {  	_ =	shalt  }
0x82: {  	_ =	shalt  }
0x83: {  	_ =	shalt  }
0x84: {  	_ =	shalt  }
0x85: {  	_ =	shalt  }
0x86: {  	_ =	shalt  }
0x87: {  	_ =	shalt  }
.Lfunc_end0:
.L_simem_size_0:
called_computation.1_lowered:
.L_overlay_start_0:
0x88: {  	s2 =	sld [smem:$0x3FD9]  }
0x89: {  	s3 =	sld [smem:$0x3FFE];
	_ =	sdelay $0x1  }
0x8a: {  	s1 =	srdreg.scid  }
0x8b: {  	s0 =	sand.u32 $0x1, s1  }
0x8c: {  	s17 =	sshll.u32 s0, $0xA;
	s2 =	sadd.s32 s3, s2  }
0x8d: {  	s2 =	sadd.s32 s2, s17  }
0x8e: {  	[smem:$0x3FB9] =	sst s2  }
0x8f: {  	_ = 	snop  }
0x90: {  	s18 =	sld [smem:$0x3FC9]  }
0x91: {  	s4 =	sld [smem:$0x3FC7];
	(tm) =	ssettm $0x1  }
0x92: {  	s19 =	sld [smem:$0x3FFB];
	_ =	sdelay $0x3  }
0x93: {  	_ =	strace s19  }
0x94: {  	s2 =	sld [smem:$0x3FFC];
	_ =	sdelay $0x3  }
0x95: {  	_ =	strace s2  }
0x96: {  	s2 =	sld [smem:$0x3FFD];
	_ =	sdelay $0x3  }
0x97: {  	_ =	strace s2  }
0x98: {  	_ =	strace $0x8FFFFFFF  }
0x99: {  	s20 =	sld [smem:$0x3FDB];
	_ =	sdelay $0x1  }
0x9a: {  	s5 =	simm.s32 $_scs_section_size  }
0x9b: {  	s6 =	simm.s32 $_size__tile_overlayer_lowered;
	s7 =	simm.s32 $_tile_overlayer_lowered  }
0x9c: {  	s8 =	simm.s32 $0x1BFF;
	s21 =	sshll.u32 s7, $0x1;
	s5 =	sadd.s32 s5, s20  }
0x9d: {  	s22 =	simm.s32 $0x0;
	s6 =	sshll.u32 s6, $0x1;
	s7 =	sadd.s32 s21, s5  }
0x9e: {  	[timem:s22], [sflag:s8] =	dma.local [hbm:s7], s6  }
0x9f: {  	_ =	swait.ge [sflag:s8], s6  }
0xa0: {  	s6 =	ssub.s32 $0x0, s6;
	[sflag:s8] =	ssyncset.done $0x0  }
0xa1: {  	[sflag:s8] =	ssyncadd.s32 s6;
	_ =	sdelay $0x1  }
0xa2: {  	s23 =	simm.s32 $0x1B8B  }
0xa3: {  	_ =	swait.ge [sflag:s23], $0x1  }
0xa4: {  	[sflag:s23] =	ssyncset.done $0x0  }
0xa5: {  	[sflag:s23] =	ssyncadd.s32 $0xFFFFFFFF  }
0xa6: {  	s6 =	sld [smem:$0x0]  }
0xa7: {  	s7 =	sand.u32 $0xFFFFFFFE, s1  }
0xa8: {  	p0 =	sne.s32 s1, s7  }
0xa9: {  	s7 =	sshll.u32 @p0 s7, $0xE  }
0xaa: {  	s7 =	sadd.s32 @p0 $0x11B8D, s7;
	s8 =	sshll.u32 @p0 s6, $0x11  }
0xab: {  	s7 =	sor.u32 @p0 s8, s7  }
0xac: {  	[sflag:s7] =	ssyncadd.remote.s32 @p0 $0x1;
	_ =	sdelay $0x1  }
0xad: {  	s7 =	simm.s32 @p0 $0x1B8D  }
0xae: {  	_ =	swait.eq @p0 [sflag:s7], $0x1  }
0xaf: {  	[sflag:s7] =	ssyncadd.s32 @p0 $0xFFFFFFFF  }
0xb0: {  	s8 =	sshll.u32 @!p0 s1, $0xE  }
0xb1: {  	s8 =	sor.u32 @!p0 $0x4000, s8;
	s7 =	simm.s32 @!p0 $0x1B8D  }
0xb2: {  	s6 =	sshll.u32 @!p0 s6, $0x11;
	s8 =	sadd.s32 @!p0 $0x11B8D, s8;
	_ =	swait.eq @!p0 [sflag:s7], $0x1  }
0xb3: {  	s6 =	sor.u32 @!p0 s6, s8;
	[sflag:s7] =	ssyncadd.s32 @!p0 $0xFFFFFFFF  }
0xb4: {  	s25 =	simm.s32 $0x1B8E;
	s24 =	sld [smem:$0x3FFE];
	[sflag:s6] =	ssyncadd.remote.s32 @!p0 $0x1  }
0xb5: {  	s26 =	simm.s32 $execute0_lowered;
	[smem:$0x3FD2] =	sst s25  }
0xb6: {  	s7 =	sshll.u32 s26, $0x1;
	_ =	strace $0x80000049;
	[dreg:$0x1] =	wrdreg $0xFFFFFFFF  }
0xb7: {  	s28 =	simm.s32 $_size_execute0_lowered;
	s5 =	sadd.s32 s5, s7;
	[dreg:$0x0] =	wrdreg $0x0  }
0xb8: {  	s7 =	sshll.u32 s28, $0x1;
	[dreg:$0x2] =	wrdreg s5  }
0xb9: {  	[dreg:$0x3] =	wrdreg s7  }
0xba: {  	[dreg:$0x4] =	wrdreg $0xC0  }
0xbb: {  	_ =	task [dreg:s22], $0x5FFFF  }
0xbc: {  	[dreg:$0x1] =	wrdreg $0xFFFFFFFF  }
0xbd: {  	[dreg:$0x0] =	wrdreg $0x60  }
0xbe: {  	[dreg:$0x2] =	wrdreg s4  }
0xbf: {  	[dreg:$0x3] =	wrdreg s18  }
0xc0: {  	[dreg:$0x4] =	wrdreg s24  }
0xc1: {  	[dreg:$0x5] =	wrdreg $0xA  }
0xc2: {  	_ =	task.clear_ibuf [dreg:s22], $0x6FFFF;
	_ =	strace $0x90000049  }
0xc3: {  	s29 =	simm.s32 $0xA;
	_ =	strace $0x8000004B  }
0xc4: {  	_ =	swait.ge [sflag:s29], $0x1  }
0xc5: {  	[sflag:s29] =	ssyncadd.s32 $0xFFFFFFFF  }
0xc6: {  	_ =	strace $0x9000004B  }
0xc7: {  	_ =	sfence  }
0xc8: {  	s30 =	sld [smem:$0x0];
	_ =	sdelay $0x2  }
0xc9: {  	s31 =	sshll.u32 s1, $0xD;
	s1 =	sshrl.u32 s1, $0x2  }
0xca: {  	s4 =	sand.u32 $0x4000, s31;
	s1 =	sadd.s32 s1, s30  }
0xcb: {  	s0 =	sor.u32 s4, s0;
	s1 =	sshll.u32 s1, $0x11  }
0xcc: {  	s0 =	sor.u32 s1, s0  }
0xcd: {  	s0 =	sadd.s32 $0x8F2B, s0  }
0xce: {  	[sflag:s0] =	ssyncadd.remote.s32 $0x1  }
0xcf: {  	_ =	sfence.sel $0xFFFF  }
0xd0: {  	[dreg:$0x0] =	wrdreg $0xFFFFFFFF;
	(pc) =	sbr.abs _section_cstart, $3  }
0xd1: {  	[dreg:$0x1] =	wrdreg $0xFFFFFFFF  }
0xd2: {  	_ =	task.clear_ibuf [dreg:s22], $0x2FFFF;
	_ =	strace $0x9FFFFFFF  }
0xd3: {  	(tm) =	ssettm $0x7FFFFFFF  }
tec
execute0_lowered:
.L_overlay_start_1:
0x0: {  	(tag) =	ssettag $0x1  }
0x1: {  	s1 =	rddreg [dreg:$0x0]  }
0x2: {  	s3 =	rddreg [dreg:$0x1]  }
0x3: {  	s2 =	srdreg.scid;
	s0 =	stileid.u32  }
0x4: {  	s10 =	rddreg [dreg:$0x2];
	s4 =	simm.s32 $0x0;
	s12 =	simm.s32 $0x80  }
0x5: {  	s13 =	simm.s32 $0x400;
	s14 =	simm.s32 $0x18700;
	s15 =	simm.s32 $0x2  }
0x6: {  	s16 =	simm.s32 $0x1;
	s17 =	simm.s32 $0x1C700;
	s18 =	simm.s32 $0x1D700  }
0x7: {  	s19 =	simm.s32 $0x3;
	s5 =	sand.u32 $0x1, s2;
	s2 =	rddreg [dreg:$0x3]  }
0x8: {  	s20 =	simm.s32 $0x0;
	s6 =	sshll.u32 s0, $0x1;
	[smem:$0x7FF] =	sst s4  }
0x9: {  	s9 =	sadd.s32 $0x83400, s10;
	s6 =	sor.u32 s5, s6;
	s7 =	ssub.s32 $0x2, s5  }
0xa: {  	_ =	strace $0x8000004A;
	s5 =	smul.u32 $0x5, s6;
	s8 =	sshrl.u32 s7, $0x1  }
0xb: {  	s6 =	sadd.s32 $0x83000, s10;
	s11 =	ssub.s32 s7, s8;
	s8 =	sadd.s32 $0x83200, s10  }
0xc: {  	s10 =	sadd.s32 $0x83600, s10;
	s7 =	sor.u32 $0x100, s5;
	s11 =	smax.u32 s11, $0x1  }
.LBB2_1:
0xd: {  	s21 =	simm.s32 $0x0  }
.LBB2_2:
0xe: {  	s23 =	sadd.s32 s7, s21  }
0xf: {  	p0 =	seq.s32 s21, $0x0;
	s22 =	sand.u32 $0xF, s23  }
0x10: {  	p1 =	sne.s32 @!p0 s22, $0x0  }
0x11: {  	s23 =	sshrl.u32 s23, $0x4;
	p0 =	por p0, !p1  }
0x12: {  	s24 =	sshll.u32 @p0 s23, $0xE;
	s25 =	sshll.u32 @p0 s23, $0x7  }
0x13: {  	s24 =	sand.u32 @p0 $0xFFFE0000, s24;
	s25 =	sand.u32 @p0 $0x380, s25  }
0x14: {  	s24 =	sor.u32 @p0 s25, s24  }
0x15: {  	s24 =	sshrl.u32 @p0 s24, $0x3  }
0x16: {  	s30 =	sshrl.u32 s22, $0x3;
	s23 =	smul.u32 $0x187000, s23;
	s24 =	sadd.s32 @p0 s3, s24  }
0x17: {  	[tilespmem:s14], [sflag:$0x2] =	stream.strided.gather @p0 [hbm4b:s24+s12], $0x4000, s13, s12, $0x38;
	[tilespmem:$0x1E700] =	vst v63  }
0x18: {  	s24 =	smul.u32 $0xC3800, s30  }
0x19: {  	s22 =	sshll.u32 s22, $0x7  }
0x1a: {  	s22 =	sand.u32 $0x380, s22;
	s23 =	sadd.s32 s23, s24  }
0x1b: {  	_ =	swait.ge @p0 [sflag:s15], $0x4000;
	s22 =	sor.u32 s22, s23  }
0x1c: {  	[sflag:s15] =	ssyncset.done @p0 $0x0;
	s22 =	sshrl.u32 s22, $0x3  }
0x1d: {  	s31 =	simm.s32 $0x0;
	[sflag:s15] =	ssyncadd.s32 @p0 $0xFFFFC000;
	s22 =	sadd.s32 s1, s22  }
0x1e: {  	[tilespmem:s31], [sflag:$0x1] =	stream.strided.gather [hbm4b:s22+s12], $0x18700, s13, s12, $0x38;
	[tilespmem:$0x1E700] =	vst v63  }
0x1f: {  	_ =	swait.ge [sflag:s16], $0x18700  }
0x20: {  	[sflag:s16] =	ssyncset.done $0x0  }
0x21: {  	s22 =	simm.s32 $0x0;
	[sflag:s16] =	ssyncadd.s32 $0xFFFE7900  }
0x22: {  	v0 =	vld [tilespmem:s22+$0x18700];
	_ =	sdelay $0x5  }
0x23: {  	v1 =	vld [tilespmem:s22+$0x18710];
	_ =	sdelay $0x1  }
0x24: {  	v0 =	vld.idx.msk [tilespmem:v0+s4+$0x0], $0xffff;
	_ =	sdelay $0x4  }
0x25: {  	[tilespmem:s22+$0x1C700] =	vst v0;
	v0 =	vld [tilespmem:s22+$0x18720]  }
0x26: {  	v1 =	vld.idx.msk [tilespmem:v1+s4+$0x0], $0xffff;
	_ =	sdelay $0x4  }
0x27: {  	[tilespmem:s22+$0x1C710] =	vst v1;
	v1 =	vld [tilespmem:s22+$0x18730];
	_ =	sdelay $0x1  }
0x28: {  	v0 =	vld.idx.msk [tilespmem:v0+s4+$0x0], $0xffff;
	_ =	sdelay $0x4  }
0x29: {  	[tilespmem:s22+$0x1C720] =	vst v0;
	v0 =	vld [tilespmem:s22+$0x18740]  }
0x2a: {  	v1 =	vld.idx.msk [tilespmem:v1+s4+$0x0], $0xffff;
	_ =	sdelay $0x4  }
0x2b: {  	[tilespmem:s22+$0x1C730] =	vst v1;
	v1 =	vld [tilespmem:s22+$0x18750];
	_ =	sdelay $0x1  }
0x2c: {  	v0 =	vld.idx.msk [tilespmem:v0+s4+$0x0], $0xffff;
	_ =	sdelay $0x4  }
0x2d: {  	v2 =	vld [tilespmem:s22+$0x18760];
	[tilespmem:s22+$0x1C740] =	vst v0  }
0x2e: {  	v0 =	vld.idx.msk [tilespmem:v1+s4+$0x0], $0xffff;
	_ =	sdelay $0x4  }
0x2f: {  	[tilespmem:s22+$0x1C750] =	vst v0;
	v0 =	vld [tilespmem:s22+$0x18770];
	_ =	sdelay $0x1  }
0x30: {  	v1 =	vld.idx.msk [tilespmem:v2+s4+$0x0], $0xffff;
	_ =	sdelay $0x3  }
0x31: {  	s24 =	simm.s32 $0x80;
	s23 =	simm.s32 $0x400  }
.LBB2_3:
0x32: {  	p0 =	sne.s32 s23, $0x3E00;
	v2 =	vld [tilespmem:s24+$0x18700];
	[tilespmem:s22+$0x1C760] =	vst v1  }
0x33: {  	v0 =	vld.idx.msk [tilespmem:v0+s4+$0x0], $0xffff;
	_ =	sdelay $0x5  }
0x34: {  	v1 =	vld [tilespmem:s24+$0x18710];
	[tilespmem:s22+$0x1C770] =	vst v0;
	s22 =	smov.u32 s24  }
0x35: {  	v0 =	vld.idx.msk [tilespmem:v2+s4+$0x0], $0xffff;
	_ =	sdelay $0x5  }
0x36: {  	[tilespmem:s22+$0x1C700] =	vst v0;
	v0 =	vld [tilespmem:s22+$0x18720]  }
0x37: {  	v1 =	vld.idx.msk [tilespmem:v1+s4+$0x0], $0xffff;
	_ =	sdelay $0x5  }
0x38: {  	[tilespmem:s22+$0x1C710] =	vst v1;
	v1 =	vld [tilespmem:s22+$0x18730]  }
0x39: {  	v0 =	vld.idx.msk [tilespmem:v0+s4+$0x0], $0xffff;
	_ =	sdelay $0x5  }
0x3a: {  	[tilespmem:s22+$0x1C720] =	vst v0;
	v0 =	vld [tilespmem:s22+$0x18740]  }
0x3b: {  	v1 =	vld.idx.msk [tilespmem:v1+s4+$0x0], $0xffff;
	_ =	sdelay $0x5  }
0x3c: {  	[tilespmem:s22+$0x1C730] =	vst v1;
	v1 =	vld [tilespmem:s22+$0x18750]  }
0x3d: {  	v0 =	vld.idx.msk [tilespmem:v0+s4+$0x0], $0xffff;
	_ =	sdelay $0x5  }
0x3e: {  	[tilespmem:s22+$0x1C740] =	vst v0;
	v2 =	vld [tilespmem:s22+$0x18760]  }
0x3f: {  	v0 =	vld.idx.msk [tilespmem:v1+s4+$0x0], $0xffff;
	_ =	sdelay $0x5  }
0x40: {  	[tilespmem:s22+$0x1C750] =	vst v0;
	v0 =	vld [tilespmem:s22+$0x18770]  }
0x41: {  	v1 =	vld.idx.msk [tilespmem:v2+s4+$0x0], $0xffff  }
.Ltmp0:
0x42: {  	(pc) =	sbr.rel @p0 .LBB2_3-.Ltmp0, $2  }
0x43: {  	_ =	sdelay $0x2  }
0x44: {  	s24 =	sshra.s32 s23, $0x2;
	s23 =	sadd.s32 $0x200, s23  }
0x45: {  	_ =	sdelay $0x1  }
0x46: {  	v2 =	vld [tilespmem:s24+$0x18700]  }
0x47: {  	[tilespmem:s22+$0x1C760] =	vst v1  }
0x48: {  	v0 =	vld.idx.msk [tilespmem:v0+s4+$0x0], $0xffff;
	_ =	sdelay $0x3  }
0x49: {  	v1 =	vld [tilespmem:s24+$0x18710]  }
0x4a: {  	[tilespmem:s22+$0x1C770] =	vst v0  }
0x4b: {  	v0 =	vld.idx.msk [tilespmem:v2+s4+$0x0], $0xffff;
	_ =	sdelay $0x4  }
0x4c: {  	[tilespmem:s24+$0x1C700] =	vst v0;
	v0 =	vld [tilespmem:s24+$0x18720]  }
0x4d: {  	v1 =	vld.idx.msk [tilespmem:v1+s4+$0x0], $0xffff;
	_ =	sdelay $0x4  }
0x4e: {  	[tilespmem:s24+$0x1C710] =	vst v1;
	v1 =	vld [tilespmem:s24+$0x18730];
	_ =	sdelay $0x1  }
0x4f: {  	v0 =	vld.idx.msk [tilespmem:v0+s4+$0x0], $0xffff;
	_ =	sdelay $0x4  }
0x50: {  	[tilespmem:s24+$0x1C720] =	vst v0;
	v0 =	vld [tilespmem:s24+$0x18740]  }
0x51: {  	v1 =	vld.idx.msk [tilespmem:v1+s4+$0x0], $0xffff;
	_ =	sdelay $0x4  }
0x52: {  	[tilespmem:s24+$0x1C730] =	vst v1;
	v1 =	vld [tilespmem:s24+$0x18750];
	_ =	sdelay $0x1  }
0x53: {  	v0 =	vld.idx.msk [tilespmem:v0+s4+$0x0], $0xffff;
	_ =	sdelay $0x4  }
0x54: {  	[tilespmem:s24+$0x1C740] =	vst v0;
	v0 =	vld [tilespmem:s24+$0x18760]  }
0x55: {  	v1 =	vld.idx.msk [tilespmem:v1+s4+$0x0], $0xffff;
	_ =	sdelay $0x4  }
0x56: {  	[tilespmem:s24+$0x1C750] =	vst v1;
	v1 =	vld [tilespmem:s24+$0x18770];
	_ =	sdelay $0x1  }
0x57: {  	v0 =	vld.idx.msk [tilespmem:v0+s4+$0x0], $0xffff;
	_ =	sdelay $0x4  }
0x58: {  	[tilespmem:s24+$0x1C760] =	vst v0  }
0x59: {  	v0 =	vld.idx.msk [tilespmem:v1+s4+$0x0], $0xffff;
	_ =	sdelay $0x2  }
0x5a: {  	s30 =	sadd.s32 s5, s21  }
0x5b: {  	s22 =	sshll.u32 s30, $0xB  }
0x5c: {  	s31 =	simm.s32 $0x0;
	s23 =	sadd.s32 s6, s22;
	[tilespmem:s24+$0x1C770] =	vst v0  }
0x5d: {  	[hbm4b:s23+s31] =	stream.linear.scatter [tilespmem:s17], [sflag:$0x3], $0x1000, $0x38;
	[tilespmem:$0x1E700] =	vst v63  }
0x5e: {  	s23 =	simm.s32 $0x0  }
0x5f: {  	v0 =	vld [tilespmem:s23+$0x19700];
	_ =	sdelay $0x5  }
0x60: {  	v1 =	vld [tilespmem:s23+$0x19710];
	_ =	sdelay $0x1  }
0x61: {  	v0 =	vld.idx.msk [tilespmem:v0+s4+$0x0], $0xffff;
	_ =	sdelay $0x4  }
0x62: {  	[tilespmem:s23+$0x1D700] =	vst v0;
	v0 =	vld [tilespmem:s23+$0x19720]  }
0x63: {  	v1 =	vld.idx.msk [tilespmem:v1+s4+$0x0], $0xffff;
	_ =	sdelay $0x4  }
0x64: {  	[tilespmem:s23+$0x1D710] =	vst v1;
	v1 =	vld [tilespmem:s23+$0x19730];
	_ =	sdelay $0x1  }
0x65: {  	v0 =	vld.idx.msk [tilespmem:v0+s4+$0x0], $0xffff;
	_ =	sdelay $0x4  }
0x66: {  	[tilespmem:s23+$0x1D720] =	vst v0;
	v0 =	vld [tilespmem:s23+$0x19740]  }
0x67: {  	v1 =	vld.idx.msk [tilespmem:v1+s4+$0x0], $0xffff;
	_ =	sdelay $0x4  }
0x68: {  	[tilespmem:s23+$0x1D730] =	vst v1;
	v1 =	vld [tilespmem:s23+$0x19750];
	_ =	sdelay $0x1  }
0x69: {  	v0 =	vld.idx.msk [tilespmem:v0+s4+$0x0], $0xffff;
	_ =	sdelay $0x4  }
0x6a: {  	v2 =	vld [tilespmem:s23+$0x19760];
	[tilespmem:s23+$0x1D740] =	vst v0  }
0x6b: {  	v0 =	vld.idx.msk [tilespmem:v1+s4+$0x0], $0xffff;
	_ =	sdelay $0x4  }
0x6c: {  	[tilespmem:s23+$0x1D750] =	vst v0;
	v0 =	vld [tilespmem:s23+$0x19770];
	_ =	sdelay $0x1  }
0x6d: {  	v1 =	vld.idx.msk [tilespmem:v2+s4+$0x0], $0xffff;
	_ =	sdelay $0x3  }
0x6e: {  	s25 =	simm.s32 $0x80;
	s24 =	simm.s32 $0x400  }
.LBB2_5:
0x6f: {  	p0 =	sne.s32 s24, $0x3E00;
	v2 =	vld [tilespmem:s25+$0x19700];
	[tilespmem:s23+$0x1D760] =	vst v1  }
0x70: {  	v0 =	vld.idx.msk [tilespmem:v0+s4+$0x0], $0xffff;
	_ =	sdelay $0x5  }
0x71: {  	v1 =	vld [tilespmem:s25+$0x19710];
	[tilespmem:s23+$0x1D770] =	vst v0;
	s23 =	smov.u32 s25  }
0x72: {  	v0 =	vld.idx.msk [tilespmem:v2+s4+$0x0], $0xffff;
	_ =	sdelay $0x5  }
0x73: {  	[tilespmem:s23+$0x1D700] =	vst v0;
	v0 =	vld [tilespmem:s23+$0x19720]  }
0x74: {  	v1 =	vld.idx.msk [tilespmem:v1+s4+$0x0], $0xffff;
	_ =	sdelay $0x5  }
0x75: {  	[tilespmem:s23+$0x1D710] =	vst v1;
	v1 =	vld [tilespmem:s23+$0x19730]  }
0x76: {  	v0 =	vld.idx.msk [tilespmem:v0+s4+$0x0], $0xffff;
	_ =	sdelay $0x5  }
0x77: {  	[tilespmem:s23+$0x1D720] =	vst v0;
	v0 =	vld [tilespmem:s23+$0x19740]  }
0x78: {  	v1 =	vld.idx.msk [tilespmem:v1+s4+$0x0], $0xffff;
	_ =	sdelay $0x5  }
0x79: {  	[tilespmem:s23+$0x1D730] =	vst v1;
	v1 =	vld [tilespmem:s23+$0x19750]  }
0x7a: {  	v0 =	vld.idx.msk [tilespmem:v0+s4+$0x0], $0xffff;
	_ =	sdelay $0x5  }
0x7b: {  	[tilespmem:s23+$0x1D740] =	vst v0;
	v2 =	vld [tilespmem:s23+$0x19760]  }
0x7c: {  	v0 =	vld.idx.msk [tilespmem:v1+s4+$0x0], $0xffff;
	_ =	sdelay $0x5  }
0x7d: {  	[tilespmem:s23+$0x1D750] =	vst v0;
	v0 =	vld [tilespmem:s23+$0x19770]  }
0x7e: {  	v1 =	vld.idx.msk [tilespmem:v2+s4+$0x0], $0xffff  }
.Ltmp1:
0x7f: {  	(pc) =	sbr.rel @p0 .LBB2_5-.Ltmp1, $2  }
0x80: {  	_ =	sdelay $0x2  }
0x81: {  	s25 =	sshra.s32 s24, $0x2;
	s24 =	sadd.s32 $0x200, s24  }
0x82: {  	_ =	sdelay $0x1  }
0x83: {  	v2 =	vld [tilespmem:s25+$0x19700]  }
0x84: {  	[tilespmem:s23+$0x1D760] =	vst v1  }
0x85: {  	v0 =	vld.idx.msk [tilespmem:v0+s4+$0x0], $0xffff;
	_ =	sdelay $0x3  }
0x86: {  	v1 =	vld [tilespmem:s25+$0x19710]  }
0x87: {  	[tilespmem:s23+$0x1D770] =	vst v0  }
0x88: {  	v0 =	vld.idx.msk [tilespmem:v2+s4+$0x0], $0xffff;
	_ =	sdelay $0x4  }
0x89: {  	[tilespmem:s25+$0x1D700] =	vst v0;
	v0 =	vld [tilespmem:s25+$0x19720]  }
0x8a: {  	v1 =	vld.idx.msk [tilespmem:v1+s4+$0x0], $0xffff;
	_ =	sdelay $0x4  }
0x8b: {  	[tilespmem:s25+$0x1D710] =	vst v1;
	v1 =	vld [tilespmem:s25+$0x19730];
	_ =	sdelay $0x1  }
0x8c: {  	v0 =	vld.idx.msk [tilespmem:v0+s4+$0x0], $0xffff;
	_ =	sdelay $0x4  }
0x8d: {  	[tilespmem:s25+$0x1D720] =	vst v0;
	v0 =	vld [tilespmem:s25+$0x19740]  }
0x8e: {  	v1 =	vld.idx.msk [tilespmem:v1+s4+$0x0], $0xffff;
	_ =	sdelay $0x4  }
0x8f: {  	[tilespmem:s25+$0x1D730] =	vst v1;
	v1 =	vld [tilespmem:s25+$0x19750];
	_ =	sdelay $0x1  }
0x90: {  	v0 =	vld.idx.msk [tilespmem:v0+s4+$0x0], $0xffff;
	_ =	sdelay $0x4  }
0x91: {  	[tilespmem:s25+$0x1D740] =	vst v0;
	v0 =	vld [tilespmem:s25+$0x19760]  }
0x92: {  	v1 =	vld.idx.msk [tilespmem:v1+s4+$0x0], $0xffff;
	_ =	sdelay $0x4  }
0x93: {  	[tilespmem:s25+$0x1D750] =	vst v1;
	v1 =	vld [tilespmem:s25+$0x19770];
	_ =	sdelay $0x1  }
0x94: {  	v0 =	vld.idx.msk [tilespmem:v0+s4+$0x0], $0xffff;
	_ =	sdelay $0x4  }
0x95: {  	[tilespmem:s25+$0x1D760] =	vst v0  }
0x96: {  	v0 =	vld.idx.msk [tilespmem:v1+s4+$0x0], $0xffff;
	_ =	sdelay $0x4  }
0x97: {  	s31 =	sadd.s32 s22, s8;
	s24 =	simm.s32 $0x0;
	[tilespmem:s25+$0x1D770] =	vst v0  }
0x98: {  	[hbm4b:s31+s24] =	stream.linear.scatter [tilespmem:s18], [sflag:$0x3], $0x1000, $0x38;
	[tilespmem:$0x1E700] =	vst v63  }
0x99: {  	_ =	swait.ge [sflag:s19], $0x1000  }
0x9a: {  	[sflag:s19] =	ssyncset.done $0x0  }
0x9b: {  	s23 =	simm.s32 $0x0;
	[sflag:s19] =	ssyncadd.s32 $0xFFFFF000  }
0x9c: {  	v0 =	vld [tilespmem:s23+$0x1A700];
	_ =	sdelay $0x5  }
0x9d: {  	v1 =	vld [tilespmem:s23+$0x1A710];
	_ =	sdelay $0x1  }
0x9e: {  	v0 =	vld.idx.msk [tilespmem:v0+s4+$0x0], $0xffff;
	_ =	sdelay $0x4  }
0x9f: {  	[tilespmem:s23+$0x1C700] =	vst v0;
	v0 =	vld [tilespmem:s23+$0x1A720]  }
0xa0: {  	v1 =	vld.idx.msk [tilespmem:v1+s4+$0x0], $0xffff;
	_ =	sdelay $0x4  }
0xa1: {  	[tilespmem:s23+$0x1C710] =	vst v1;
	v1 =	vld [tilespmem:s23+$0x1A730];
	_ =	sdelay $0x1  }
0xa2: {  	v0 =	vld.idx.msk [tilespmem:v0+s4+$0x0], $0xffff;
	_ =	sdelay $0x4  }
0xa3: {  	[tilespmem:s23+$0x1C720] =	vst v0;
	v0 =	vld [tilespmem:s23+$0x1A740]  }
0xa4: {  	v1 =	vld.idx.msk [tilespmem:v1+s4+$0x0], $0xffff;
	_ =	sdelay $0x4  }
0xa5: {  	[tilespmem:s23+$0x1C730] =	vst v1;
	v1 =	vld [tilespmem:s23+$0x1A750];
	_ =	sdelay $0x1  }
0xa6: {  	v0 =	vld.idx.msk [tilespmem:v0+s4+$0x0], $0xffff;
	_ =	sdelay $0x4  }
0xa7: {  	v2 =	vld [tilespmem:s23+$0x1A760];
	[tilespmem:s23+$0x1C740] =	vst v0  }
0xa8: {  	v0 =	vld.idx.msk [tilespmem:v1+s4+$0x0], $0xffff;
	_ =	sdelay $0x4  }
0xa9: {  	[tilespmem:s23+$0x1C750] =	vst v0;
	v0 =	vld [tilespmem:s23+$0x1A770];
	_ =	sdelay $0x1  }
0xaa: {  	v1 =	vld.idx.msk [tilespmem:v2+s4+$0x0], $0xffff;
	_ =	sdelay $0x3  }
0xab: {  	s25 =	simm.s32 $0x80;
	s24 =	simm.s32 $0x400  }
.LBB2_7:
0xac: {  	p0 =	sne.s32 s24, $0x3E00;
	v2 =	vld [tilespmem:s25+$0x1A700];
	[tilespmem:s23+$0x1C760] =	vst v1  }
0xad: {  	v0 =	vld.idx.msk [tilespmem:v0+s4+$0x0], $0xffff;
	_ =	sdelay $0x5  }
0xae: {  	v1 =	vld [tilespmem:s25+$0x1A710];
	[tilespmem:s23+$0x1C770] =	vst v0;
	s23 =	smov.u32 s25  }
0xaf: {  	v0 =	vld.idx.msk [tilespmem:v2+s4+$0x0], $0xffff;
	_ =	sdelay $0x5  }
0xb0: {  	[tilespmem:s23+$0x1C700] =	vst v0;
	v0 =	vld [tilespmem:s23+$0x1A720]  }
0xb1: {  	v1 =	vld.idx.msk [tilespmem:v1+s4+$0x0], $0xffff;
	_ =	sdelay $0x5  }
0xb2: {  	[tilespmem:s23+$0x1C710] =	vst v1;
	v1 =	vld [tilespmem:s23+$0x1A730]  }
0xb3: {  	v0 =	vld.idx.msk [tilespmem:v0+s4+$0x0], $0xffff;
	_ =	sdelay $0x5  }
0xb4: {  	[tilespmem:s23+$0x1C720] =	vst v0;
	v0 =	vld [tilespmem:s23+$0x1A740]  }
0xb5: {  	v1 =	vld.idx.msk [tilespmem:v1+s4+$0x0], $0xffff;
	_ =	sdelay $0x5  }
0xb6: {  	[tilespmem:s23+$0x1C730] =	vst v1;
	v1 =	vld [tilespmem:s23+$0x1A750]  }
0xb7: {  	v0 =	vld.idx.msk [tilespmem:v0+s4+$0x0], $0xffff;
	_ =	sdelay $0x5  }
0xb8: {  	[tilespmem:s23+$0x1C740] =	vst v0;
	v2 =	vld [tilespmem:s23+$0x1A760]  }
0xb9: {  	v0 =	vld.idx.msk [tilespmem:v1+s4+$0x0], $0xffff;
	_ =	sdelay $0x5  }
0xba: {  	[tilespmem:s23+$0x1C750] =	vst v0;
	v0 =	vld [tilespmem:s23+$0x1A770]  }
0xbb: {  	v1 =	vld.idx.msk [tilespmem:v2+s4+$0x0], $0xffff  }
.Ltmp2:
0xbc: {  	(pc) =	sbr.rel @p0 .LBB2_7-.Ltmp2, $2  }
0xbd: {  	_ =	sdelay $0x2  }
0xbe: {  	s25 =	sshra.s32 s24, $0x2;
	s24 =	sadd.s32 $0x200, s24  }
0xbf: {  	_ =	sdelay $0x1  }
0xc0: {  	v2 =	vld [tilespmem:s25+$0x1A700]  }
0xc1: {  	[tilespmem:s23+$0x1C760] =	vst v1  }
0xc2: {  	v0 =	vld.idx.msk [tilespmem:v0+s4+$0x0], $0xffff;
	_ =	sdelay $0x3  }
0xc3: {  	v1 =	vld [tilespmem:s25+$0x1A710]  }
0xc4: {  	[tilespmem:s23+$0x1C770] =	vst v0  }
0xc5: {  	v0 =	vld.idx.msk [tilespmem:v2+s4+$0x0], $0xffff;
	_ =	sdelay $0x4  }
0xc6: {  	[tilespmem:s25+$0x1C700] =	vst v0;
	v0 =	vld [tilespmem:s25+$0x1A720]  }
0xc7: {  	v1 =	vld.idx.msk [tilespmem:v1+s4+$0x0], $0xffff;
	_ =	sdelay $0x4  }
0xc8: {  	[tilespmem:s25+$0x1C710] =	vst v1;
	v1 =	vld [tilespmem:s25+$0x1A730];
	_ =	sdelay $0x1  }
0xc9: {  	v0 =	vld.idx.msk [tilespmem:v0+s4+$0x0], $0xffff;
	_ =	sdelay $0x4  }
0xca: {  	[tilespmem:s25+$0x1C720] =	vst v0;
	v0 =	vld [tilespmem:s25+$0x1A740]  }
0xcb: {  	v1 =	vld.idx.msk [tilespmem:v1+s4+$0x0], $0xffff;
	_ =	sdelay $0x4  }
0xcc: {  	[tilespmem:s25+$0x1C730] =	vst v1;
	v1 =	vld [tilespmem:s25+$0x1A750];
	_ =	sdelay $0x1  }
0xcd: {  	v0 =	vld.idx.msk [tilespmem:v0+s4+$0x0], $0xffff;
	_ =	sdelay $0x4  }
0xce: {  	[tilespmem:s25+$0x1C740] =	vst v0;
	v0 =	vld [tilespmem:s25+$0x1A760]  }
0xcf: {  	v1 =	vld.idx.msk [tilespmem:v1+s4+$0x0], $0xffff;
	_ =	sdelay $0x4  }
0xd0: {  	[tilespmem:s25+$0x1C750] =	vst v1;
	v1 =	vld [tilespmem:s25+$0x1A770];
	_ =	sdelay $0x1  }
0xd1: {  	v0 =	vld.idx.msk [tilespmem:v0+s4+$0x0], $0xffff;
	_ =	sdelay $0x4  }
0xd2: {  	[tilespmem:s25+$0x1C760] =	vst v0  }
0xd3: {  	v0 =	vld.idx.msk [tilespmem:v1+s4+$0x0], $0xffff;
	_ =	sdelay $0x4  }
0xd4: {  	s31 =	sadd.s32 s22, s9;
	s24 =	simm.s32 $0x0;
	[tilespmem:s25+$0x1C770] =	vst v0  }
0xd5: {  	[hbm4b:s31+s24] =	stream.linear.scatter [tilespmem:s17], [sflag:$0x3], $0x1000, $0x38;
	[tilespmem:$0x1E700] =	vst v63  }
0xd6: {  	_ =	swait.ge [sflag:s19], $0x1000  }
0xd7: {  	[sflag:s19] =	ssyncset.done $0x0  }
0xd8: {  	s23 =	simm.s32 $0x0;
	[sflag:s19] =	ssyncadd.s32 $0xFFFFF000  }
0xd9: {  	v0 =	vld [tilespmem:s23+$0x1B700];
	_ =	sdelay $0x5  }
0xda: {  	v1 =	vld [tilespmem:s23+$0x1B710];
	_ =	sdelay $0x1  }
0xdb: {  	v0 =	vld.idx.msk [tilespmem:v0+s4+$0x0], $0xffff;
	_ =	sdelay $0x4  }
0xdc: {  	[tilespmem:s23+$0x1D700] =	vst v0;
	v0 =	vld [tilespmem:s23+$0x1B720]  }
0xdd: {  	v1 =	vld.idx.msk [tilespmem:v1+s4+$0x0], $0xffff;
	_ =	sdelay $0x4  }
0xde: {  	[tilespmem:s23+$0x1D710] =	vst v1;
	v1 =	vld [tilespmem:s23+$0x1B730];
	_ =	sdelay $0x1  }
0xdf: {  	v0 =	vld.idx.msk [tilespmem:v0+s4+$0x0], $0xffff;
	_ =	sdelay $0x4  }
0xe0: {  	[tilespmem:s23+$0x1D720] =	vst v0;
	v0 =	vld [tilespmem:s23+$0x1B740]  }
0xe1: {  	v1 =	vld.idx.msk [tilespmem:v1+s4+$0x0], $0xffff;
	_ =	sdelay $0x4  }
0xe2: {  	[tilespmem:s23+$0x1D730] =	vst v1;
	v1 =	vld [tilespmem:s23+$0x1B750];
	_ =	sdelay $0x1  }
0xe3: {  	v0 =	vld.idx.msk [tilespmem:v0+s4+$0x0], $0xffff;
	_ =	sdelay $0x4  }
0xe4: {  	v2 =	vld [tilespmem:s23+$0x1B760];
	[tilespmem:s23+$0x1D740] =	vst v0  }
0xe5: {  	v0 =	vld.idx.msk [tilespmem:v1+s4+$0x0], $0xffff;
	_ =	sdelay $0x4  }
0xe6: {  	[tilespmem:s23+$0x1D750] =	vst v0;
	v0 =	vld [tilespmem:s23+$0x1B770];
	_ =	sdelay $0x1  }
0xe7: {  	v1 =	vld.idx.msk [tilespmem:v2+s4+$0x0], $0xffff;
	_ =	sdelay $0x3  }
0xe8: {  	s25 =	simm.s32 $0x80;
	s24 =	simm.s32 $0x400  }
.LBB2_9:
0xe9: {  	p0 =	sne.s32 s24, $0x3E00;
	v2 =	vld [tilespmem:s25+$0x1B700];
	[tilespmem:s23+$0x1D760] =	vst v1  }
0xea: {  	v0 =	vld.idx.msk [tilespmem:v0+s4+$0x0], $0xffff;
	_ =	sdelay $0x5  }
0xeb: {  	v1 =	vld [tilespmem:s25+$0x1B710];
	[tilespmem:s23+$0x1D770] =	vst v0;
	s23 =	smov.u32 s25  }
0xec: {  	v0 =	vld.idx.msk [tilespmem:v2+s4+$0x0], $0xffff;
	_ =	sdelay $0x5  }
0xed: {  	[tilespmem:s23+$0x1D700] =	vst v0;
	v0 =	vld [tilespmem:s23+$0x1B720]  }
0xee: {  	v1 =	vld.idx.msk [tilespmem:v1+s4+$0x0], $0xffff;
	_ =	sdelay $0x5  }
0xef: {  	[tilespmem:s23+$0x1D710] =	vst v1;
	v1 =	vld [tilespmem:s23+$0x1B730]  }
0xf0: {  	v0 =	vld.idx.msk [tilespmem:v0+s4+$0x0], $0xffff;
	_ =	sdelay $0x5  }
0xf1: {  	[tilespmem:s23+$0x1D720] =	vst v0;
	v0 =	vld [tilespmem:s23+$0x1B740]  }
0xf2: {  	v1 =	vld.idx.msk [tilespmem:v1+s4+$0x0], $0xffff;
	_ =	sdelay $0x5  }
0xf3: {  	[tilespmem:s23+$0x1D730] =	vst v1;
	v1 =	vld [tilespmem:s23+$0x1B750]  }
0xf4: {  	v0 =	vld.idx.msk [tilespmem:v0+s4+$0x0], $0xffff;
	_ =	sdelay $0x5  }
0xf5: {  	[tilespmem:s23+$0x1D740] =	vst v0;
	v2 =	vld [tilespmem:s23+$0x1B760]  }
0xf6: {  	v0 =	vld.idx.msk [tilespmem:v1+s4+$0x0], $0xffff;
	_ =	sdelay $0x5  }
0xf7: {  	[tilespmem:s23+$0x1D750] =	vst v0;
	v0 =	vld [tilespmem:s23+$0x1B770]  }
0xf8: {  	v1 =	vld.idx.msk [tilespmem:v2+s4+$0x0], $0xffff  }
.Ltmp3:
0xf9: {  	(pc) =	sbr.rel @p0 .LBB2_9-.Ltmp3, $2  }
0xfa: {  	_ =	sdelay $0x2  }
0xfb: {  	s25 =	sshra.s32 s24, $0x2;
	s24 =	sadd.s32 $0x200, s24  }
0xfc: {  	_ =	sdelay $0x1  }
0xfd: {  	v2 =	vld [tilespmem:s25+$0x1B700]  }
0xfe: {  	[tilespmem:s23+$0x1D760] =	vst v1  }
0xff: {  	v0 =	vld.idx.msk [tilespmem:v0+s4+$0x0], $0xffff;
	_ =	sdelay $0x3  }
0x100: {  	v1 =	vld [tilespmem:s25+$0x1B710]  }
0x101: {  	[tilespmem:s23+$0x1D770] =	vst v0  }
0x102: {  	v0 =	vld.idx.msk [tilespmem:v2+s4+$0x0], $0xffff;
	_ =	sdelay $0x3  }
0x103: {  	v58 =	vld [tilespmem:s25+$0x1B720]  }
0x104: {  	[tilespmem:s25+$0x1D700] =	vst v0  }
0x105: {  	v1 =	vld.idx.msk [tilespmem:v1+s4+$0x0], $0xffff;
	_ =	sdelay $0x3  }
0x106: {  	v59 =	vld [tilespmem:s25+$0x1B730]  }
0x107: {  	[tilespmem:s25+$0x1D710] =	vst v1  }
0x108: {  	v0 =	vld.idx.msk [tilespmem:v58+s4+$0x0], $0xffff;
	_ =	sdelay $0x3  }
0x109: {  	v60 =	vld [tilespmem:s25+$0x1B740]  }
0x10a: {  	[tilespmem:s25+$0x1D720] =	vst v0  }
0x10b: {  	v1 =	vld.idx.msk [tilespmem:v59+s4+$0x0], $0xffff;
	_ =	sdelay $0x3  }
0x10c: {  	v61 =	vld [tilespmem:s25+$0x1B750]  }
0x10d: {  	[tilespmem:s25+$0x1D730] =	vst v1  }
0x10e: {  	v0 =	vld.idx.msk [tilespmem:v60+s4+$0x0], $0xffff;
	_ =	sdelay $0x3  }
0x10f: {  	v62 =	vld [tilespmem:s25+$0x1B760]  }
0x110: {  	[tilespmem:s25+$0x1D740] =	vst v0  }
0x111: {  	v1 =	vld.idx.msk [tilespmem:v61+s4+$0x0], $0xffff;
	_ =	sdelay $0x3  }
0x112: {  	v63 =	vld [tilespmem:s25+$0x1B770]  }
0x113: {  	[tilespmem:s25+$0x1D750] =	vst v1  }
0x114: {  	v0 =	vld.idx.msk [tilespmem:v62+s4+$0x0], $0xffff;
	_ =	sdelay $0x4  }
0x115: {  	[tilespmem:s25+$0x1D760] =	vst v0  }
0x116: {  	v0 =	vld.idx.msk [tilespmem:v63+s4+$0x0], $0xffff;
	_ =	sdelay $0x4  }
0x117: {  	s22 =	sadd.s32 s22, s10;
	s21 =	sadd.s32 $0x1, s21;
	[tilespmem:s25+$0x1D770] =	vst v0  }
0x118: {  	[hbm4b:s22+s4] =	stream.linear.scatter [tilespmem:s18], [sflag:$0x3], $0x1000, $0x38;
	[tilespmem:$0x1E700] =	vst v63  }
0x119: {  	p0 =	sne.s32 s21, $0x5;
	_ =	swait.ge [sflag:s19], $0x1000  }
.Ltmp4:
0x11a: {  	[sflag:s19] =	ssyncset.done $0x0;
	(pc) =	sbr.rel @p0 .LBB2_2-.Ltmp4, $4  }
0x11b: {  	[sflag:s19] =	ssyncadd.s32 $0xFFFFF000  }
0x11c: {  	_ =	swait.ge [sflag:s19], $0x1000  }
0x11d: {  	[sflag:s19] =	ssyncset.done $0x0  }
0x11e: {  	[sflag:s19] =	ssyncadd.s32 $0xFFFFF000  }
0x11f: {  	s20 =	sadd.s32 $0x1, s20  }
0x120: {  	p0 =	sne.s32 s20, s11  }
.Ltmp5:
0x121: {  	_ = 	snop;
	(pc) =	sbr.rel @p0 .LBB2_1-.Ltmp5, $1  }
0x122: {  	_ =	sdelay $0x3  }
0x123: {  	_ =	sfence.sel $0x180000  }
0x124: {  	[bflag:$0x0] =	sbarrier.arrive $0xFFFF  }
0x125: {  	p0 =	sne.s32 s0, $0x0;
	_ =	strace $0x9000004A  }
0x126: {  	s0 =	sadd.s32 @!p0 $0x100000, s2;
	[bflag:$0x2] =	sbarrier.arrive $0xFFFF  }
0x127: {  	[sflag:s0] =	ssyncadd.tile.s32 @!p0 $0x1;
	_ =	shalt  }
.Lfunc_end2:
_tile_overlayer_lowered:
.L_overlay_start_2:
0x128: {  	(tag) =	ssettag $0x2  }
0x129: {  	s0 =	rddreg [dreg:$0x0];
	s2 =	stileid.u32  }
0x12a: {  	s1 =	rddreg [dreg:$0x1];
	p0 =	sne.s32 s2, $0x0  }
0x12b: {  	s3 =	rddreg [dreg:$0x2];
	[bflag:$0x3] =	sbarrier.arrive $0xFFFF;
	s2 =	simm.s32 @!p0 $0x1C04  }
0x12c: {  	[timem:s3], [sflag:s2] =	dma.local @!p0 [hbm:s0], s1  }
0x12d: {  	s0 =	simm.s32 @!p0 $0x4  }
0x12e: {  	_ =	swait.ge @!p0 [sflag:s0], s1  }
0x12f: {  	s1 =	ssub.s32 @!p0 $0x0, s1;
	[sflag:s0] =	ssyncset.done @!p0 $0x0  }
0x130: {  	[sflag:s0] =	ssyncadd.s32 @!p0 s1  }
0x131: {  	[bflag:$0x3] =	sbarrier.arrive $0xFFFF  }
0x132: {  	_ =	shalt  }

</sc_bundles>
